<compile_context>
chip_gen: v7x
topology: tpu7x:2x2x1
jax: 0.10.2.dev20260603
libtpu: 0.0.44.dev20260713+nightly
codegen_flags: <defaults>
</compile_context>

<pallas_src>
import functools

import jax
import jax.numpy as jnp
from jax import lax
from jax.experimental import pallas as pl
from jax.experimental.pallas import tpu as pltpu
from jax.experimental.pallas import tpu_sc as plsc

VOCAB = 1000
D = 512
B = 1024
L = 200

SQRT_D = float(512) ** 0.5

NC = 2
NS = 16
NW = NC * NS
BPW = B // NW
LC = 40
NLC = L // LC
NBUF = 4


def _prep_body(x_ref, tgt_ref, emb_ref, emb2_ref, hi_ref, lo_ref,
               msrc_ref, mtgt_ref):
    emb2 = emb_ref[...] * jnp.float32(SQRT_D)
    emb2_ref[...] = emb2
    hi = emb2.astype(jnp.bfloat16)
    hi_ref[...] = hi
    lo_ref[...] = (emb2 - hi.astype(jnp.float32)).astype(jnp.bfloat16)
    xv = x_ref[...]
    msrc_ref[...] = jnp.where(xv == 0, -jnp.inf, 0.0).astype(jnp.float32)
    tv = tgt_ref[...]
    mtgt_ref[...] = jnp.where(tv == 0, -jnp.inf, 0.0).astype(jnp.float32)


_prep = pl.pallas_call(
    _prep_body,
    out_shape=(
        jax.ShapeDtypeStruct((VOCAB, D), jnp.float32),
        jax.ShapeDtypeStruct((VOCAB, D), jnp.bfloat16),
        jax.ShapeDtypeStruct((VOCAB, D), jnp.bfloat16),
        jax.ShapeDtypeStruct((B, L), jnp.float32),
        jax.ShapeDtypeStruct((B, L), jnp.float32),
    ),
)


BS = 4


def _ye_body(tok_ref, hi_ref, lo_ref, pos_ref, out_ref):
    toks = tok_ref[0, 0, :].astype(jnp.int16)
    oh = (
        lax.broadcasted_iota(jnp.int16, (BS * L, VOCAB), 1) == toks[:, None]
    ).astype(jnp.bfloat16)
    dn = (((1,), (0,)), ((), ()))
    acc = lax.dot_general(oh, hi_ref[...], dn,
                          preferred_element_type=jnp.float32)
    pos = pos_ref[...]
    for i in range(BS):
        out_ref[i] = acc[i * L:(i + 1) * L] + pos


_ye_mxu = pl.pallas_call(
    _ye_body,
    grid=(B // BS,),
    in_specs=[
        pl.BlockSpec((1, 1, BS * L), lambda i: (i, 0, 0)),
        pl.BlockSpec((VOCAB, D), lambda i: (0, 0)),
        pl.BlockSpec((VOCAB, D), lambda i: (0, 0)),
        pl.BlockSpec((L, D), lambda i: (0, 0)),
    ],
    out_specs=pl.BlockSpec((BS, L, D), lambda i: (i, 0, 0)),
    out_shape=jax.ShapeDtypeStruct((B, L, D), jnp.float32),
)


_sc_mesh = plsc.VectorSubcoreMesh(
    core_axis_name="c", subcore_axis_name="s", num_cores=NC, num_subcores=NS
)


@functools.partial(
    pl.kernel,
    out_type=jax.ShapeDtypeStruct((B, L, D), jnp.float32),
    mesh=_sc_mesh,
    compiler_params=pltpu.CompilerParams(use_tc_tiling_on_sc=False),
    scratch_types=[
        pltpu.VMEM((BPW, L), jnp.int32),
        pltpu.VMEM((LC, D), jnp.float32),
        pltpu.VMEM((NBUF, LC, D), jnp.float32),
    ]
    + [pltpu.SemaphoreType.DMA] * (2 * NBUF),
)
def _sc_embed(emb_hbm, tok_hbm, pos_hbm, out_hbm,
              idx_v, pos_v, rows_v,
              g0, g1, g2, g3, w0, w1, w2, w3):
    gsem = [g0, g1, g2, g3]
    wsem = [w0, w1, w2, w3]
    cid = lax.axis_index("c")
    sid = lax.axis_index("s")
    wid = cid * NS + sid
    b0 = wid * BPW

    pltpu.sync_copy(tok_hbm.at[pl.ds(b0, BPW)], idx_v)

    def gather_desc(bb, j, l0):
        return pltpu.make_async_copy(
            emb_hbm.at[idx_v.at[bb, pl.ds(l0, LC)]], rows_v.at[j], gsem[j]
        )

    def write_desc(bb, j, l0):
        return pltpu.make_async_copy(
            rows_v.at[j], out_hbm.at[b0 + bb, pl.ds(l0, LC)], wsem[j]
        )

    def lc_body(lc, carry):
        l0 = lc * LC
        pltpu.sync_copy(pos_hbm.at[pl.ds(l0, LC)], pos_v)

        for j in range(2):
            gather_desc(j, j, l0).start()

        def g_body(g, c1):
            base = g * NBUF
            for j in range(NBUF):
                bb = base + j
                gather_desc(bb, j, l0).wait()

                def r_body(r, c2):
                    for k in range(D // 16):
                        sl = pl.ds(k * 16, 16)
                        plsc.addupdate(rows_v.at[j, r, sl], pos_v[r, sl])
                    return c2

                lax.fori_loop(0, LC, r_body, 0, unroll=False)
                write_desc(bb, j, l0).start()

                nxt = bb + 2
                jn = (j + 2) % NBUF

                @pl.when(nxt < BPW)
                def _():
                    prev = nxt - NBUF

                    @pl.when(prev >= 0)
                    def _():
                        write_desc(prev, jn, l0).wait()

                    gather_desc(nxt, jn, l0).start()

            return c1

        lax.fori_loop(0, BPW // NBUF, g_body, 0, unroll=False)
        write_desc(BPW - 2, (BPW - 2) % NBUF, l0).wait()
        write_desc(BPW - 1, (BPW - 1) % NBUF, l0).wait()
        return carry

    lax.fori_loop(0, NLC, lc_body, 0, unroll=False)


def kernel(x, y, embedding, pos_src, pos_tgt):
    tgt = y[:, :-1]
    labels = y[:, 1:]
    emb2, hi, lo, mask_src, mask_tgt = _prep(x, tgt, embedding)
    xe = _sc_embed(emb2, x, pos_src[:L])
    ye = _ye_mxu(tgt.reshape(B // BS, 1, BS * L), hi, lo, pos_tgt[:L])
    return (xe, ye, mask_src, mask_tgt, mask_src, labels)

# --- scband reference (transcript-rebuilt; emitter-appended) ---
"""Pipeline reference for scband-pre-continuous-block-26809185861913 (READ-ONLY COPY).

The authoritative reference and input builder live on the scoring server;
editing this copy changes nothing except your own understanding.
"""

import jax, jax.numpy as jnp
import numpy as np

VOCAB = 1000
D = 512
B = 1024
L = 200
PAD = 0
MAX_POS = 512


def setup_inputs(seed: int = 0) -> dict:
    key = jax.random.key(seed)
    k1, k2, k3, k4, k5 = jax.random.split(key, 5)
    x = jax.random.randint(k1, (B, L), 0, VOCAB, dtype=jnp.int32)
    y = jax.random.randint(k2, (B, L + 1), 0, VOCAB, dtype=jnp.int32)
    embedding = jax.random.normal(k3, (VOCAB, D), dtype=jnp.float32)
    embedding = embedding.at[PAD].set(0.0)  # nn.Embedding padding_idx row is zero
    pos_src = jax.random.normal(k4, (MAX_POS, 512), dtype=jnp.float32) * 0.02
    pos_tgt = jax.random.normal(k5, (MAX_POS, 512), dtype=jnp.float32) * 0.02
    return {"x": x, "y": y, "embedding": embedding, "pos_src": pos_src, "pos_tgt": pos_tgt}


def reference(x, y, embedding, pos_src, pos_tgt):
    src = x
    tgt = y[:, :-1]
    labels = y[:, 1:]
    mask_pad_src = jnp.where(src == PAD, -jnp.inf, 0.0)
    mask_pad_tgt = jnp.where(tgt == PAD, -jnp.inf, 0.0)
    mask_pad_mem = mask_pad_src
    xe = jnp.take(embedding, src, axis=0)
    ye = jnp.take(embedding, tgt, axis=0)
    xe = xe * np.sqrt(D)
    ye = ye * np.sqrt(D)
    Lx = xe.shape[1]
    Ly = ye.shape[1]
    positions_src = jnp.arange(Lx).reshape(1, Lx)
    positions_tgt = jnp.arange(Ly).reshape(1, Ly)
    pe_src = jnp.take(pos_src, positions_src, axis=0)
    pe_tgt = jnp.take(pos_tgt, positions_tgt, axis=0)
    xe = xe + pe_src
    ye = ye + pe_tgt
    return (xe, ye, mask_pad_src, mask_pad_tgt, mask_pad_mem, labels)

if __name__ == "__main__":
    import jax
    _d = setup_inputs()
    print(jax.jit(kernel)(*tuple(_d.values())))

</pallas_src>

<mosaic_0001>
#map = affine_map<(d0, d1) -> (0, 0)>
#map1 = affine_map<(d0, d1) -> (0, 0, 0)>
module attributes {stable_mosaic.version = 14 : i64} {
  func.func @_sc_embed(%arg0: i32, %arg1: i32, %arg2: memref<1000x512xf32, #tpu.memory_space<hbm>>, %arg3: memref<1024x200xi32, #tpu.memory_space<hbm>>, %arg4: memref<200x512xf32, #tpu.memory_space<hbm>>, %arg5: memref<1024x200x512xf32, #tpu.memory_space<hbm>>, %arg6: memref<32x200xi32, #tpu.memory_space<vmem>>, %arg7: memref<40x512xf32, #tpu.memory_space<vmem>>, %arg8: memref<4x40x512xf32, #tpu.memory_space<vmem>>, %arg9: memref<!tpu.dma_semaphore, #tpu.memory_space<semaphore_mem>>, %arg10: memref<!tpu.dma_semaphore, #tpu.memory_space<semaphore_mem>>, %arg11: memref<!tpu.dma_semaphore, #tpu.memory_space<semaphore_mem>>, %arg12: memref<!tpu.dma_semaphore, #tpu.memory_space<semaphore_mem>>, %arg13: memref<!tpu.dma_semaphore, #tpu.memory_space<semaphore_mem>>, %arg14: memref<!tpu.dma_semaphore, #tpu.memory_space<semaphore_mem>>, %arg15: memref<!tpu.dma_semaphore, #tpu.memory_space<semaphore_mem>>, %arg16: memref<!tpu.dma_semaphore, #tpu.memory_space<semaphore_mem>>) attributes {dimension_semantics = [#tpu.dimension_semantics<core_parallel>, #tpu.dimension_semantics<subcore_parallel>], iteration_bounds = array<i64: 2, 16>, scalar_prefetch = 0 : i64, scratch_operands = 11 : i64, tpu.core_type = #tpu.core_type<sc_vector_subcore>, window_params = [{transform_indices = #map}, {transform_indices = #map}, {transform_indices = #map}, {transform_indices = #map1}]} {
    %mul3A = arith.constant 16 : i32
    %mul3A_0 = arith.muli %arg0, %mul3A : i32
    %add3A = arith.addi %mul3A_0, %arg1 : i32
    %mul3A_1 = arith.constant 32 : i32
    %mul3A_2 = arith.muli %add3A, %mul3A_1 : i32
    "tpu.region"() ({
      %run_scoped3A = tpu.sem_alloc : memref<!tpu.dma_semaphore, #tpu.memory_space<semaphore_mem>>
      %dma_start3A = arith.constant 0 : i32
      %dma_start3A_8 = tpu.memref_slice %arg3[%mul3A_2, %dma_start3A] : memref<1024x200xi32, #tpu.memory_space<hbm>> -> memref<32x200xi32, #tpu.memory_space<hbm>>
      %dma_start3A_9 = arith.constant 0 : i32
      %dma_start3A_10 = tpu.memref_slice %arg3[%mul3A_2, %dma_start3A_9] : memref<1024x200xi32, #tpu.memory_space<hbm>> -> memref<32x200xi32, #tpu.memory_space<hbm>>
      tpu.enqueue_dma source(%dma_start3A_10 : memref<32x200xi32, #tpu.memory_space<hbm>>) target(%arg6 : memref<32x200xi32, #tpu.memory_space<vmem>>) target_semaphore(%run_scoped3A : memref<!tpu.dma_semaphore, #tpu.memory_space<semaphore_mem>>)
      %dma_wait3A = arith.constant 0 : i32
      %dma_wait3A_11 = tpu.memref_slice %arg3[%mul3A_2, %dma_wait3A] : memref<1024x200xi32, #tpu.memory_space<hbm>> -> memref<32x200xi32, #tpu.memory_space<hbm>>
      %dma_wait3A_12 = arith.constant 0 : i32
      %dma_wait3A_13 = tpu.memref_slice %arg3[%mul3A_2, %dma_wait3A_12] : memref<1024x200xi32, #tpu.memory_space<hbm>> -> memref<32x200xi32, #tpu.memory_space<hbm>>
      tpu.wait_dma2 semaphore(%run_scoped3A : memref<!tpu.dma_semaphore, #tpu.memory_space<semaphore_mem>>) src(%dma_wait3A_13 : memref<32x200xi32, #tpu.memory_space<hbm>>) dst(%arg6 : memref<32x200xi32, #tpu.memory_space<vmem>>)
      tpu.yield
    }) : () -> ()
    %scan3A = arith.constant 0 : i32
    %scan3A_3 = arith.constant 0 : i32
    %scan3A_4 = arith.constant 5 : i32
    %scan3A_5 = arith.addi %scan3A_3, %scan3A_4 : i32
    %scan3A_6 = arith.constant 1 : i32
    scf.for %scan3A_8 = %scan3A_3 to %scan3A_5 step %scan3A_6  : i32 {
      %mul3A_9 = arith.constant 40 : i32
      %mul3A_10 = arith.muli %scan3A_8, %mul3A_9 : i32
      "tpu.region"() ({
        %run_scoped3A = tpu.sem_alloc : memref<!tpu.dma_semaphore, #tpu.memory_space<semaphore_mem>>
        %dma_start3A_71 = arith.constant 0 : i32
        %dma_start3A_72 = tpu.memref_slice %arg4[%mul3A_10, %dma_start3A_71] : memref<200x512xf32, #tpu.memory_space<hbm>> -> memref<40x512xf32, #tpu.memory_space<hbm>>
        %dma_start3A_73 = arith.constant 0 : i32
        %dma_start3A_74 = tpu.memref_slice %arg4[%mul3A_10, %dma_start3A_73] : memref<200x512xf32, #tpu.memory_space<hbm>> -> memref<40x512xf32, #tpu.memory_space<hbm>>
        tpu.enqueue_dma source(%dma_start3A_74 : memref<40x512xf32, #tpu.memory_space<hbm>>) target(%arg7 : memref<40x512xf32, #tpu.memory_space<vmem>>) target_semaphore(%run_scoped3A : memref<!tpu.dma_semaphore, #tpu.memory_space<semaphore_mem>>)
        %dma_wait3A_75 = arith.constant 0 : i32
        %dma_wait3A_76 = tpu.memref_slice %arg4[%mul3A_10, %dma_wait3A_75] : memref<200x512xf32, #tpu.memory_space<hbm>> -> memref<40x512xf32, #tpu.memory_space<hbm>>
        %dma_wait3A_77 = arith.constant 0 : i32
        %dma_wait3A_78 = tpu.memref_slice %arg4[%mul3A_10, %dma_wait3A_77] : memref<200x512xf32, #tpu.memory_space<hbm>> -> memref<40x512xf32, #tpu.memory_space<hbm>>
        tpu.wait_dma2 semaphore(%run_scoped3A : memref<!tpu.dma_semaphore, #tpu.memory_space<semaphore_mem>>) src(%dma_wait3A_78 : memref<40x512xf32, #tpu.memory_space<hbm>>) dst(%arg7 : memref<40x512xf32, #tpu.memory_space<vmem>>)
        tpu.yield
      }) : () -> ()
      %dma_start3A = arith.constant 0 : i32
      %dma_start3A_11 = arith.constant 0 : i32
      %dma_start3A_12 = arith.constant 0 : i32
      %dma_start3A_13 = arith.constant 0 : i32
      %dma_start3A_14 = tpu.memref_slice %arg8[%dma_start3A_11, %dma_start3A_12, %dma_start3A_13] : memref<4x40x512xf32, #tpu.memory_space<vmem>> -> memref<1x40x512xf32, #tpu.memory_space<vmem>>
      %dma_start3A_15 = tpu.memref_squeeze %dma_start3A_14 : memref<1x40x512xf32, #tpu.memory_space<vmem>> -> memref<40x512xf32, #tpu.memory_space<vmem>>
      %dma_start3A_16 = tpu.memref_slice %arg6[%dma_start3A, %mul3A_10] : memref<32x200xi32, #tpu.memory_space<vmem>> -> memref<1x40xi32, #tpu.memory_space<vmem>>
      %dma_start3A_17 = tpu.memref_squeeze %dma_start3A_16 : memref<1x40xi32, #tpu.memory_space<vmem>> -> memref<40xi32, #tpu.memory_space<vmem>>
      %dma_start3A_18 = arith.constant 0 : i32
      %dma_start3A_19 = arith.constant 0 : i32
      %dma_start3A_20 = tpu.memref_slice %arg2[%dma_start3A_18, %dma_start3A_19] : memref<1000x512xf32, #tpu.memory_space<hbm>> -> memref<1000x512xf32, #tpu.memory_space<hbm>>
      tpu.enqueue_indirect_dma source(%dma_start3A_20 : memref<1000x512xf32, #tpu.memory_space<hbm>>) target(%dma_start3A_15 : memref<40x512xf32, #tpu.memory_space<vmem>>) offsets(%dma_start3A_17 : memref<40xi32, #tpu.memory_space<vmem>>) semaphore(%arg9 : memref<!tpu.dma_semaphore, #tpu.memory_space<semaphore_mem>>)
      %dma_start3A_21 = arith.constant 1 : i32
      %dma_start3A_22 = arith.constant 1 : i32
      %dma_start3A_23 = arith.constant 0 : i32
      %dma_start3A_24 = arith.constant 0 : i32
      %dma_start3A_25 = tpu.memref_slice %arg8[%dma_start3A_22, %dma_start3A_23, %dma_start3A_24] : memref<4x40x512xf32, #tpu.memory_space<vmem>> -> memref<1x40x512xf32, #tpu.memory_space<vmem>>
      %dma_start3A_26 = tpu.memref_squeeze %dma_start3A_25 : memref<1x40x512xf32, #tpu.memory_space<vmem>> -> memref<40x512xf32, #tpu.memory_space<vmem>>
      %dma_start3A_27 = tpu.memref_slice %arg6[%dma_start3A_21, %mul3A_10] : memref<32x200xi32, #tpu.memory_space<vmem>> -> memref<1x40xi32, #tpu.memory_space<vmem>>
      %dma_start3A_28 = tpu.memref_squeeze %dma_start3A_27 : memref<1x40xi32, #tpu.memory_space<vmem>> -> memref<40xi32, #tpu.memory_space<vmem>>
      %dma_start3A_29 = arith.constant 0 : i32
      %dma_start3A_30 = arith.constant 0 : i32
      %dma_start3A_31 = tpu.memref_slice %arg2[%dma_start3A_29, %dma_start3A_30] : memref<1000x512xf32, #tpu.memory_space<hbm>> -> memref<1000x512xf32, #tpu.memory_space<hbm>>
      tpu.enqueue_indirect_dma source(%dma_start3A_31 : memref<1000x512xf32, #tpu.memory_space<hbm>>) target(%dma_start3A_26 : memref<40x512xf32, #tpu.memory_space<vmem>>) offsets(%dma_start3A_28 : memref<40xi32, #tpu.memory_space<vmem>>) semaphore(%arg10 : memref<!tpu.dma_semaphore, #tpu.memory_space<semaphore_mem>>)
      %scan3A_32 = arith.constant 0 : i32
      %scan3A_33 = arith.constant 0 : i32
      %scan3A_34 = arith.constant 8 : i32
      %scan3A_35 = arith.addi %scan3A_33, %scan3A_34 : i32
      %scan3A_36 = arith.constant 1 : i32
      scf.for %scan3A_71 = %scan3A_33 to %scan3A_35 step %scan3A_36  : i32 {
        %mul3A_72 = arith.constant 4 : i32
        %mul3A_73 = arith.muli %scan3A_71, %mul3A_72 : i32
        %add3A_74 = arith.constant 0 : i32
        %add3A_75 = arith.addi %mul3A_73, %add3A_74 : i32
        %dma_wait3A_76 = arith.constant 0 : i32
        %dma_wait3A_77 = arith.constant 0 : i32
        %dma_wait3A_78 = arith.constant 0 : i32
        %dma_wait3A_79 = tpu.memref_slice %arg8[%dma_wait3A_76, %dma_wait3A_77, %dma_wait3A_78] : memref<4x40x512xf32, #tpu.memory_space<vmem>> -> memref<1x40x512xf32, #tpu.memory_space<vmem>>
        %dma_wait3A_80 = tpu.memref_squeeze %dma_wait3A_79 : memref<1x40x512xf32, #tpu.memory_space<vmem>> -> memref<40x512xf32, #tpu.memory_space<vmem>>
        %dma_wait3A_81 = tpu.memref_slice %arg6[%add3A_75, %mul3A_10] : memref<32x200xi32, #tpu.memory_space<vmem>> -> memref<1x40xi32, #tpu.memory_space<vmem>>
        %dma_wait3A_82 = tpu.memref_squeeze %dma_wait3A_81 : memref<1x40xi32, #tpu.memory_space<vmem>> -> memref<40xi32, #tpu.memory_space<vmem>>
        %dma_wait3A_83 = arith.constant 0 : i32
        %dma_wait3A_84 = arith.constant 0 : i32
        %dma_wait3A_85 = tpu.memref_slice %arg2[%dma_wait3A_83, %dma_wait3A_84] : memref<1000x512xf32, #tpu.memory_space<hbm>> -> memref<1000x512xf32, #tpu.memory_space<hbm>>
        tpu.wait_indirect_dma semaphore(%arg9 : memref<!tpu.dma_semaphore, #tpu.memory_space<semaphore_mem>>) src(%dma_wait3A_85 : memref<1000x512xf32, #tpu.memory_space<hbm>>) dst(%dma_wait3A_80 : memref<40x512xf32, #tpu.memory_space<vmem>>)
        %scan3A_86 = arith.constant 0 : i32
        %scan3A_87 = arith.constant 0 : i32
        %scan3A_88 = arith.constant 40 : i32
        %scan3A_89 = arith.addi %scan3A_87, %scan3A_88 : i32
        %scan3A_90 = arith.constant 1 : i32
        scf.for %scan3A_235 = %scan3A_87 to %scan3A_89 step %scan3A_90  : i32 {
          %get3A = arith.index_cast %scan3A_235 : i32 to index
          %get3A_236 = arith.constant 0 : index
          %get3A_237 = tpu.vector_load %arg7[%get3A, %get3A_236] {strides = array<i32>} : memref<40x512xf32, #tpu.memory_space<vmem>>, vector<1x16xf32>,
          %get3A_238 = vector.shape_cast %get3A_237 : vector<1x16xf32> to vector<16xf32>
          %swap3A = arith.constant 0 : i32
          %swap3A_239 = arith.index_cast %swap3A : i32 to index
          %swap3A_240 = arith.index_cast %scan3A_235 : i32 to index
          %swap3A_241 = arith.constant 0 : index
          %swap3A_242 = tpu.vector_load %arg8[%swap3A_239, %swap3A_240, %swap3A_241] {strides = array<i32>} : memref<4x40x512xf32, #tpu.memory_space<vmem>>, vector<1x1x16xf32>,
          %swap3A_243 = vector.shape_cast %swap3A_242 : vector<1x1x16xf32> to vector<16xf32>
          %swap3A_244 = vector.shape_cast %get3A_238 : vector<16xf32> to vector<1x1x16xf32>
          tpu.vector_store %arg8[%swap3A_239, %swap3A_240, %swap3A_241], %swap3A_244 {add = true, strides = array<i32>} : memref<4x40x512xf32, #tpu.memory_space<vmem>>, vector<1x1x16xf32>,
          %get3A_245 = arith.index_cast %scan3A_235 : i32 to index
          %get3A_246 = arith.constant 16 : index
          %get3A_247 = tpu.vector_load %arg7[%get3A_245, %get3A_246] {strides = array<i32>} : memref<40x512xf32, #tpu.memory_space<vmem>>, vector<1x16xf32>,
          %get3A_248 = vector.shape_cast %get3A_247 : vector<1x16xf32> to vector<16xf32>
          %swap3A_249 = arith.constant 0 : i32
          %swap3A_250 = arith.index_cast %swap3A_249 : i32 to index
          %swap3A_251 = arith.index_cast %scan3A_235 : i32 to index
          %swap3A_252 = arith.constant 16 : index
          %swap3A_253 = tpu.vector_load %arg8[%swap3A_250, %swap3A_251, %swap3A_252] {strides = array<i32>} : memref<4x40x512xf32, #tpu.memory_space<vmem>>, vector<1x1x16xf32>,
          %swap3A_254 = vector.shape_cast %swap3A_253 : vector<1x1x16xf32> to vector<16xf32>
          %swap3A_255 = vector.shape_cast %get3A_248 : vector<16xf32> to vector<1x1x16xf32>
          tpu.vector_store %arg8[%swap3A_250, %swap3A_251, %swap3A_252], %swap3A_255 {add = true, strides = array<i32>} : memref<4x40x512xf32, #tpu.memory_space<vmem>>, vector<1x1x16xf32>,
          %get3A_256 = arith.index_cast %scan3A_235 : i32 to index
          %get3A_257 = arith.constant 32 : index
          %get3A_258 = tpu.vector_load %arg7[%get3A_256, %get3A_257] {strides = array<i32>} : memref<40x512xf32, #tpu.memory_space<vmem>>, vector<1x16xf32>,
          %get3A_259 = vector.shape_cast %get3A_258 : vector<1x16xf32> to vector<16xf32>
          %swap3A_260 = arith.constant 0 : i32
          %swap3A_261 = arith.index_cast %swap3A_260 : i32 to index
          %swap3A_262 = arith.index_cast %scan3A_235 : i32 to index
          %swap3A_263 = arith.constant 32 : index
          %swap3A_264 = tpu.vector_load %arg8[%swap3A_261, %swap3A_262, %swap3A_263] {strides = array<i32>} : memref<4x40x512xf32, #tpu.memory_space<vmem>>, vector<1x1x16xf32>,
          %swap3A_265 = vector.shape_cast %swap3A_264 : vector<1x1x16xf32> to vector<16xf32>
          %swap3A_266 = vector.shape_cast %get3A_259 : vector<16xf32> to vector<1x1x16xf32>
          tpu.vector_store %arg8[%swap3A_261, %swap3A_262, %swap3A_263], %swap3A_266 {add = true, strides = array<i32>} : memref<4x40x512xf32, #tpu.memory_space<vmem>>, vector<1x1x16xf32>,
          %get3A_267 = arith.index_cast %scan3A_235 : i32 to index
          %get3A_268 = arith.constant 48 : index
          %get3A_269 = tpu.vector_load %arg7[%get3A_267, %get3A_268] {strides = array<i32>} : memref<40x512xf32, #tpu.memory_space<vmem>>, vector<1x16xf32>,
          %get3A_270 = vector.shape_cast %get3A_269 : vector<1x16xf32> to vector<16xf32>
          %swap3A_271 = arith.constant 0 : i32
          %swap3A_272 = arith.index_cast %swap3A_271 : i32 to index
          %swap3A_273 = arith.index_cast %scan3A_235 : i32 to index
          %swap3A_274 = arith.constant 48 : index
          %swap3A_275 = tpu.vector_load %arg8[%swap3A_272, %swap3A_273, %swap3A_274] {strides = array<i32>} : memref<4x40x512xf32, #tpu.memory_space<vmem>>, vector<1x1x16xf32>,
          %swap3A_276 = vector.shape_cast %swap3A_275 : vector<1x1x16xf32> to vector<16xf32>
          %swap3A_277 = vector.shape_cast %get3A_270 : vector<16xf32> to vector<1x1x16xf32>
          tpu.vector_store %arg8[%swap3A_272, %swap3A_273, %swap3A_274], %swap3A_277 {add = true, strides = array<i32>} : memref<4x40x512xf32, #tpu.memory_space<vmem>>, vector<1x1x16xf32>,
          %get3A_278 = arith.index_cast %scan3A_235 : i32 to index
          %get3A_279 = arith.constant 64 : index
          %get3A_280 = tpu.vector_load %arg7[%get3A_278, %get3A_279] {strides = array<i32>} : memref<40x512xf32, #tpu.memory_space<vmem>>, vector<1x16xf32>,
          %get3A_281 = vector.shape_cast %get3A_280 : vector<1x16xf32> to vector<16xf32>
          %swap3A_282 = arith.constant 0 : i32
          %swap3A_283 = arith.index_cast %swap3A_282 : i32 to index
          %swap3A_284 = arith.index_cast %scan3A_235 : i32 to index
          %swap3A_285 = arith.constant 64 : index
          %swap3A_286 = tpu.vector_load %arg8[%swap3A_283, %swap3A_284, %swap3A_285] {strides = array<i32>} : memref<4x40x512xf32, #tpu.memory_space<vmem>>, vector<1x1x16xf32>,
          %swap3A_287 = vector.shape_cast %swap3A_286 : vector<1x1x16xf32> to vector<16xf32>
          %swap3A_288 = vector.shape_cast %get3A_281 : vector<16xf32> to vector<1x1x16xf32>
          tpu.vector_store %arg8[%swap3A_283, %swap3A_284, %swap3A_285], %swap3A_288 {add = true, strides = array<i32>} : memref<4x40x512xf32, #tpu.memory_space<vmem>>, vector<1x1x16xf32>,
          %get3A_289 = arith.index_cast %scan3A_235 : i32 to index
          %get3A_290 = arith.constant 80 : index
          %get3A_291 = tpu.vector_load %arg7[%get3A_289, %get3A_290] {strides = array<i32>} : memref<40x512xf32, #tpu.memory_space<vmem>>, vector<1x16xf32>,
          %get3A_292 = vector.shape_cast %get3A_291 : vector<1x16xf32> to vector<16xf32>
          %swap3A_293 = arith.constant 0 : i32
          %swap3A_294 = arith.index_cast %swap3A_293 : i32 to index
          %swap3A_295 = arith.index_cast %scan3A_235 : i32 to index
          %swap3A_296 = arith.constant 80 : index
          %swap3A_297 = tpu.vector_load %arg8[%swap3A_294, %swap3A_295, %swap3A_296] {strides = array<i32>} : memref<4x40x512xf32, #tpu.memory_space<vmem>>, vector<1x1x16xf32>,
          %swap3A_298 = vector.shape_cast %swap3A_297 : vector<1x1x16xf32> to vector<16xf32>
          %swap3A_299 = vector.shape_cast %get3A_292 : vector<16xf32> to vector<1x1x16xf32>
          tpu.vector_store %arg8[%swap3A_294, %swap3A_295, %swap3A_296], %swap3A_299 {add = true, strides = array<i32>} : memref<4x40x512xf32, #tpu.memory_space<vmem>>, vector<1x1x16xf32>,
          %get3A_300 = arith.index_cast %scan3A_235 : i32 to index
          %get3A_301 = arith.constant 96 : index
          %get3A_302 = tpu.vector_load %arg7[%get3A_300, %get3A_301] {strides = array<i32>} : memref<40x512xf32, #tpu.memory_space<vmem>>, vector<1x16xf32>,
          %get3A_303 = vector.shape_cast %get3A_302 : vector<1x16xf32> to vector<16xf32>
          %swap3A_304 = arith.constant 0 : i32
          %swap3A_305 = arith.index_cast %swap3A_304 : i32 to index
          %swap3A_306 = arith.index_cast %scan3A_235 : i32 to index
          %swap3A_307 = arith.constant 96 : index
          %swap3A_308 = tpu.vector_load %arg8[%swap3A_305, %swap3A_306, %swap3A_307] {strides = array<i32>} : memref<4x40x512xf32, #tpu.memory_space<vmem>>, vector<1x1x16xf32>,
          %swap3A_309 = vector.shape_cast %swap3A_308 : vector<1x1x16xf32> to vector<16xf32>
          %swap3A_310 = vector.shape_cast %get3A_303 : vector<16xf32> to vector<1x1x16xf32>
          tpu.vector_store %arg8[%swap3A_305, %swap3A_306, %swap3A_307], %swap3A_310 {add = true, strides = array<i32>} : memref<4x40x512xf32, #tpu.memory_space<vmem>>, vector<1x1x16xf32>,
          %get3A_311 = arith.index_cast %scan3A_235 : i32 to index
          %get3A_312 = arith.constant 112 : index
          %get3A_313 = tpu.vector_load %arg7[%get3A_311, %get3A_312] {strides = array<i32>} : memref<40x512xf32, #tpu.memory_space<vmem>>, vector<1x16xf32>,
          %get3A_314 = vector.shape_cast %get3A_313 : vector<1x16xf32> to vector<16xf32>
          %swap3A_315 = arith.constant 0 : i32
          %swap3A_316 = arith.index_cast %swap3A_315 : i32 to index
          %swap3A_317 = arith.index_cast %scan3A_235 : i32 to index
          %swap3A_318 = arith.constant 112 : index
          %swap3A_319 = tpu.vector_load %arg8[%swap3A_316, %swap3A_317, %swap3A_318] {strides = array<i32>} : memref<4x40x512xf32, #tpu.memory_space<vmem>>, vector<1x1x16xf32>,
          %swap3A_320 = vector.shape_cast %swap3A_319 : vector<1x1x16xf32> to vector<16xf32>
          %swap3A_321 = vector.shape_cast %get3A_314 : vector<16xf32> to vector<1x1x16xf32>
          tpu.vector_store %arg8[%swap3A_316, %swap3A_317, %swap3A_318], %swap3A_321 {add = true, strides = array<i32>} : memref<4x40x512xf32, #tpu.memory_space<vmem>>, vector<1x1x16xf32>,
          %get3A_322 = arith.index_cast %scan3A_235 : i32 to index
          %get3A_323 = arith.constant 128 : index
          %get3A_324 = tpu.vector_load %arg7[%get3A_322, %get3A_323] {strides = array<i32>} : memref<40x512xf32, #tpu.memory_space<vmem>>, vector<1x16xf32>,
          %get3A_325 = vector.shape_cast %get3A_324 : vector<1x16xf32> to vector<16xf32>
          %swap3A_326 = arith.constant 0 : i32
          %swap3A_327 = arith.index_cast %swap3A_326 : i32 to index
          %swap3A_328 = arith.index_cast %scan3A_235 : i32 to index
          %swap3A_329 = arith.constant 128 : index
          %swap3A_330 = tpu.vector_load %arg8[%swap3A_327, %swap3A_328, %swap3A_329] {strides = array<i32>} : memref<4x40x512xf32, #tpu.memory_space<vmem>>, vector<1x1x16xf32>,
          %swap3A_331 = vector.shape_cast %swap3A_330 : vector<1x1x16xf32> to vector<16xf32>
          %swap3A_332 = vector.shape_cast %get3A_325 : vector<16xf32> to vector<1x1x16xf32>
          tpu.vector_store %arg8[%swap3A_327, %swap3A_328, %swap3A_329], %swap3A_332 {add = true, strides = array<i32>} : memref<4x40x512xf32, #tpu.memory_space<vmem>>, vector<1x1x16xf32>,
          %get3A_333 = arith.index_cast %scan3A_235 : i32 to index
          %get3A_334 = arith.constant 144 : index
          %get3A_335 = tpu.vector_load %arg7[%get3A_333, %get3A_334] {strides = array<i32>} : memref<40x512xf32, #tpu.memory_space<vmem>>, vector<1x16xf32>,
          %get3A_336 = vector.shape_cast %get3A_335 : vector<1x16xf32> to vector<16xf32>
          %swap3A_337 = arith.constant 0 : i32
          %swap3A_338 = arith.index_cast %swap3A_337 : i32 to index
          %swap3A_339 = arith.index_cast %scan3A_235 : i32 to index
          %swap3A_340 = arith.constant 144 : index
          %swap3A_341 = tpu.vector_load %arg8[%swap3A_338, %swap3A_339, %swap3A_340] {strides = array<i32>} : memref<4x40x512xf32, #tpu.memory_space<vmem>>, vector<1x1x16xf32>,
          %swap3A_342 = vector.shape_cast %swap3A_341 : vector<1x1x16xf32> to vector<16xf32>
          %swap3A_343 = vector.shape_cast %get3A_336 : vector<16xf32> to vector<1x1x16xf32>
          tpu.vector_store %arg8[%swap3A_338, %swap3A_339, %swap3A_340], %swap3A_343 {add = true, strides = array<i32>} : memref<4x40x512xf32, #tpu.memory_space<vmem>>, vector<1x1x16xf32>,
          %get3A_344 = arith.index_cast %scan3A_235 : i32 to index
          %get3A_345 = arith.constant 160 : index
          %get3A_346 = tpu.vector_load %arg7[%get3A_344, %get3A_345] {strides = array<i32>} : memref<40x512xf32, #tpu.memory_space<vmem>>, vector<1x16xf32>,
          %get3A_347 = vector.shape_cast %get3A_346 : vector<1x16xf32> to vector<16xf32>
          %swap3A_348 = arith.constant 0 : i32
          %swap3A_349 = arith.index_cast %swap3A_348 : i32 to index
          %swap3A_350 = arith.index_cast %scan3A_235 : i32 to index
          %swap3A_351 = arith.constant 160 : index
          %swap3A_352 = tpu.vector_load %arg8[%swap3A_349, %swap3A_350, %swap3A_351] {strides = array<i32>} : memref<4x40x512xf32, #tpu.memory_space<vmem>>, vector<1x1x16xf32>,
          %swap3A_353 = vector.shape_cast %swap3A_352 : vector<1x1x16xf32> to vector<16xf32>
          %swap3A_354 = vector.shape_cast %get3A_347 : vector<16xf32> to vector<1x1x16xf32>
          tpu.vector_store %arg8[%swap3A_349, %swap3A_350, %swap3A_351], %swap3A_354 {add = true, strides = array<i32>} : memref<4x40x512xf32, #tpu.memory_space<vmem>>, vector<1x1x16xf32>,
          %get3A_355 = arith.index_cast %scan3A_235 : i32 to index
          %get3A_356 = arith.constant 176 : index
          %get3A_357 = tpu.vector_load %arg7[%get3A_355, %get3A_356] {strides = array<i32>} : memref<40x512xf32, #tpu.memory_space<vmem>>, vector<1x16xf32>,
          %get3A_358 = vector.shape_cast %get3A_357 : vector<1x16xf32> to vector<16xf32>
          %swap3A_359 = arith.constant 0 : i32
          %swap3A_360 = arith.index_cast %swap3A_359 : i32 to index
          %swap3A_361 = arith.index_cast %scan3A_235 : i32 to index
          %swap3A_362 = arith.constant 176 : index
          %swap3A_363 = tpu.vector_load %arg8[%swap3A_360, %swap3A_361, %swap3A_362] {strides = array<i32>} : memref<4x40x512xf32, #tpu.memory_space<vmem>>, vector<1x1x16xf32>,
          %swap3A_364 = vector.shape_cast %swap3A_363 : vector<1x1x16xf32> to vector<16xf32>
          %swap3A_365 = vector.shape_cast %get3A_358 : vector<16xf32> to vector<1x1x16xf32>
          tpu.vector_store %arg8[%swap3A_360, %swap3A_361, %swap3A_362], %swap3A_365 {add = true, strides = array<i32>} : memref<4x40x512xf32, #tpu.memory_space<vmem>>, vector<1x1x16xf32>,
          %get3A_366 = arith.index_cast %scan3A_235 : i32 to index
          %get3A_367 = arith.constant 192 : index
          %get3A_368 = tpu.vector_load %arg7[%get3A_366, %get3A_367] {strides = array<i32>} : memref<40x512xf32, #tpu.memory_space<vmem>>, vector<1x16xf32>,
          %get3A_369 = vector.shape_cast %get3A_368 : vector<1x16xf32> to vector<16xf32>
          %swap3A_370 = arith.constant 0 : i32
          %swap3A_371 = arith.index_cast %swap3A_370 : i32 to index
          %swap3A_372 = arith.index_cast %scan3A_235 : i32 to index
          %swap3A_373 = arith.constant 192 : index
          %swap3A_374 = tpu.vector_load %arg8[%swap3A_371, %swap3A_372, %swap3A_373] {strides = array<i32>} : memref<4x40x512xf32, #tpu.memory_space<vmem>>, vector<1x1x16xf32>,
          %swap3A_375 = vector.shape_cast %swap3A_374 : vector<1x1x16xf32> to vector<16xf32>
          %swap3A_376 = vector.shape_cast %get3A_369 : vector<16xf32> to vector<1x1x16xf32>
          tpu.vector_store %arg8[%swap3A_371, %swap3A_372, %swap3A_373], %swap3A_376 {add = true, strides = array<i32>} : memref<4x40x512xf32, #tpu.memory_space<vmem>>, vector<1x1x16xf32>,
          %get3A_377 = arith.index_cast %scan3A_235 : i32 to index
          %get3A_378 = arith.constant 208 : index
          %get3A_379 = tpu.vector_load %arg7[%get3A_377, %get3A_378] {strides = array<i32>} : memref<40x512xf32, #tpu.memory_space<vmem>>, vector<1x16xf32>,
          %get3A_380 = vector.shape_cast %get3A_379 : vector<1x16xf32> to vector<16xf32>
          %swap3A_381 = arith.constant 0 : i32
          %swap3A_382 = arith.index_cast %swap3A_381 : i32 to index
          %swap3A_383 = arith.index_cast %scan3A_235 : i32 to index
          %swap3A_384 = arith.constant 208 : index
          %swap3A_385 = tpu.vector_load %arg8[%swap3A_382, %swap3A_383, %swap3A_384] {strides = array<i32>} : memref<4x40x512xf32, #tpu.memory_space<vmem>>, vector<1x1x16xf32>,
          %swap3A_386 = vector.shape_cast %swap3A_385 : vector<1x1x16xf32> to vector<16xf32>
          %swap3A_387 = vector.shape_cast %get3A_380 : vector<16xf32> to vector<1x1x16xf32>
          tpu.vector_store %arg8[%swap3A_382, %swap3A_383, %swap3A_384], %swap3A_387 {add = true, strides = array<i32>} : memref<4x40x512xf32, #tpu.memory_space<vmem>>, vector<1x1x16xf32>,
          %get3A_388 = arith.index_cast %scan3A_235 : i32 to index
          %get3A_389 = arith.constant 224 : index
          %get3A_390 = tpu.vector_load %arg7[%get3A_388, %get3A_389] {strides = array<i32>} : memref<40x512xf32, #tpu.memory_space<vmem>>, vector<1x16xf32>,
          %get3A_391 = vector.shape_cast %get3A_390 : vector<1x16xf32> to vector<16xf32>
          %swap3A_392 = arith.constant 0 : i32
          %swap3A_393 = arith.index_cast %swap3A_392 : i32 to index
          %swap3A_394 = arith.index_cast %scan3A_235 : i32 to index
          %swap3A_395 = arith.constant 224 : index
          %swap3A_396 = tpu.vector_load %arg8[%swap3A_393, %swap3A_394, %swap3A_395] {strides = array<i32>} : memref<4x40x512xf32, #tpu.memory_space<vmem>>, vector<1x1x16xf32>,
          %swap3A_397 = vector.shape_cast %swap3A_396 : vector<1x1x16xf32> to vector<16xf32>
          %swap3A_398 = vector.shape_cast %get3A_391 : vector<16xf32> to vector<1x1x16xf32>
          tpu.vector_store %arg8[%swap3A_393, %swap3A_394, %swap3A_395], %swap3A_398 {add = true, strides = array<i32>} : memref<4x40x512xf32, #tpu.memory_space<vmem>>, vector<1x1x16xf32>,
          %get3A_399 = arith.index_cast %scan3A_235 : i32 to index
          %get3A_400 = arith.constant 240 : index
          %get3A_401 = tpu.vector_load %arg7[%get3A_399, %get3A_400] {strides = array<i32>} : memref<40x512xf32, #tpu.memory_space<vmem>>, vector<1x16xf32>,
          %get3A_402 = vector.shape_cast %get3A_401 : vector<1x16xf32> to vector<16xf32>
          %swap3A_403 = arith.constant 0 : i32
          %swap3A_404 = arith.index_cast %swap3A_403 : i32 to index
          %swap3A_405 = arith.index_cast %scan3A_235 : i32 to index
          %swap3A_406 = arith.constant 240 : index
          %swap3A_407 = tpu.vector_load %arg8[%swap3A_404, %swap3A_405, %swap3A_406] {strides = array<i32>} : memref<4x40x512xf32, #tpu.memory_space<vmem>>, vector<1x1x16xf32>,
          %swap3A_408 = vector.shape_cast %swap3A_407 : vector<1x1x16xf32> to vector<16xf32>
          %swap3A_409 = vector.shape_cast %get3A_402 : vector<16xf32> to vector<1x1x16xf32>
          tpu.vector_store %arg8[%swap3A_404, %swap3A_405, %swap3A_406], %swap3A_409 {add = true, strides = array<i32>} : memref<4x40x512xf32, #tpu.memory_space<vmem>>, vector<1x1x16xf32>,
          %get3A_410 = arith.index_cast %scan3A_235 : i32 to index
          %get3A_411 = arith.constant 256 : index
          %get3A_412 = tpu.vector_load %arg7[%get3A_410, %get3A_411] {strides = array<i32>} : memref<40x512xf32, #tpu.memory_space<vmem>>, vector<1x16xf32>,
          %get3A_413 = vector.shape_cast %get3A_412 : vector<1x16xf32> to vector<16xf32>
          %swap3A_414 = arith.constant 0 : i32
          %swap3A_415 = arith.index_cast %swap3A_414 : i32 to index
          %swap3A_416 = arith.index_cast %scan3A_235 : i32 to index
          %swap3A_417 = arith.constant 256 : index
          %swap3A_418 = tpu.vector_load %arg8[%swap3A_415, %swap3A_416, %swap3A_417] {strides = array<i32>} : memref<4x40x512xf32, #tpu.memory_space<vmem>>, vector<1x1x16xf32>,
          %swap3A_419 = vector.shape_cast %swap3A_418 : vector<1x1x16xf32> to vector<16xf32>
          %swap3A_420 = vector.shape_cast %get3A_413 : vector<16xf32> to vector<1x1x16xf32>
          tpu.vector_store %arg8[%swap3A_415, %swap3A_416, %swap3A_417], %swap3A_420 {add = true, strides = array<i32>} : memref<4x40x512xf32, #tpu.memory_space<vmem>>, vector<1x1x16xf32>,
          %get3A_421 = arith.index_cast %scan3A_235 : i32 to index
          %get3A_422 = arith.constant 272 : index
          %get3A_423 = tpu.vector_load %arg7[%get3A_421, %get3A_422] {strides = array<i32>} : memref<40x512xf32, #tpu.memory_space<vmem>>, vector<1x16xf32>,
          %get3A_424 = vector.shape_cast %get3A_423 : vector<1x16xf32> to vector<16xf32>
          %swap3A_425 = arith.constant 0 : i32
          %swap3A_426 = arith.index_cast %swap3A_425 : i32 to index
          %swap3A_427 = arith.index_cast %scan3A_235 : i32 to index
          %swap3A_428 = arith.constant 272 : index
          %swap3A_429 = tpu.vector_load %arg8[%swap3A_426, %swap3A_427, %swap3A_428] {strides = array<i32>} : memref<4x40x512xf32, #tpu.memory_space<vmem>>, vector<1x1x16xf32>,
          %swap3A_430 = vector.shape_cast %swap3A_429 : vector<1x1x16xf32> to vector<16xf32>
          %swap3A_431 = vector.shape_cast %get3A_424 : vector<16xf32> to vector<1x1x16xf32>
          tpu.vector_store %arg8[%swap3A_426, %swap3A_427, %swap3A_428], %swap3A_431 {add = true, strides = array<i32>} : memref<4x40x512xf32, #tpu.memory_space<vmem>>, vector<1x1x16xf32>,
          %get3A_432 = arith.index_cast %scan3A_235 : i32 to index
          %get3A_433 = arith.constant 288 : index
          %get3A_434 = tpu.vector_load %arg7[%get3A_432, %get3A_433] {strides = array<i32>} : memref<40x512xf32, #tpu.memory_space<vmem>>, vector<1x16xf32>,
          %get3A_435 = vector.shape_cast %get3A_434 : vector<1x16xf32> to vector<16xf32>
          %swap3A_436 = arith.constant 0 : i32
          %swap3A_437 = arith.index_cast %swap3A_436 : i32 to index
          %swap3A_438 = arith.index_cast %scan3A_235 : i32 to index
          %swap3A_439 = arith.constant 288 : index
          %swap3A_440 = tpu.vector_load %arg8[%swap3A_437, %swap3A_438, %swap3A_439] {strides = array<i32>} : memref<4x40x512xf32, #tpu.memory_space<vmem>>, vector<1x1x16xf32>,
          %swap3A_441 = vector.shape_cast %swap3A_440 : vector<1x1x16xf32> to vector<16xf32>
          %swap3A_442 = vector.shape_cast %get3A_435 : vector<16xf32> to vector<1x1x16xf32>
          tpu.vector_store %arg8[%swap3A_437, %swap3A_438, %swap3A_439], %swap3A_442 {add = true, strides = array<i32>} : memref<4x40x512xf32, #tpu.memory_space<vmem>>, vector<1x1x16xf32>,
          %get3A_443 = arith.index_cast %scan3A_235 : i32 to index
          %get3A_444 = arith.constant 304 : index
          %get3A_445 = tpu.vector_load %arg7[%get3A_443, %get3A_444] {strides = array<i32>} : memref<40x512xf32, #tpu.memory_space<vmem>>, vector<1x16xf32>,
          %get3A_446 = vector.shape_cast %get3A_445 : vector<1x16xf32> to vector<16xf32>
          %swap3A_447 = arith.constant 0 : i32
          %swap3A_448 = arith.index_cast %swap3A_447 : i32 to index
          %swap3A_449 = arith.index_cast %scan3A_235 : i32 to index
          %swap3A_450 = arith.constant 304 : index
          %swap3A_451 = tpu.vector_load %arg8[%swap3A_448, %swap3A_449, %swap3A_450] {strides = array<i32>} : memref<4x40x512xf32, #tpu.memory_space<vmem>>, vector<1x1x16xf32>,
          %swap3A_452 = vector.shape_cast %swap3A_451 : vector<1x1x16xf32> to vector<16xf32>
          %swap3A_453 = vector.shape_cast %get3A_446 : vector<16xf32> to vector<1x1x16xf32>
          tpu.vector_store %arg8[%swap3A_448, %swap3A_449, %swap3A_450], %swap3A_453 {add = true, strides = array<i32>} : memref<4x40x512xf32, #tpu.memory_space<vmem>>, vector<1x1x16xf32>,
          %get3A_454 = arith.index_cast %scan3A_235 : i32 to index
          %get3A_455 = arith.constant 320 : index
          %get3A_456 = tpu.vector_load %arg7[%get3A_454, %get3A_455] {strides = array<i32>} : memref<40x512xf32, #tpu.memory_space<vmem>>, vector<1x16xf32>,
          %get3A_457 = vector.shape_cast %get3A_456 : vector<1x16xf32> to vector<16xf32>
          %swap3A_458 = arith.constant 0 : i32
          %swap3A_459 = arith.index_cast %swap3A_458 : i32 to index
          %swap3A_460 = arith.index_cast %scan3A_235 : i32 to index
          %swap3A_461 = arith.constant 320 : index
          %swap3A_462 = tpu.vector_load %arg8[%swap3A_459, %swap3A_460, %swap3A_461] {strides = array<i32>} : memref<4x40x512xf32, #tpu.memory_space<vmem>>, vector<1x1x16xf32>,
          %swap3A_463 = vector.shape_cast %swap3A_462 : vector<1x1x16xf32> to vector<16xf32>
          %swap3A_464 = vector.shape_cast %get3A_457 : vector<16xf32> to vector<1x1x16xf32>
          tpu.vector_store %arg8[%swap3A_459, %swap3A_460, %swap3A_461], %swap3A_464 {add = true, strides = array<i32>} : memref<4x40x512xf32, #tpu.memory_space<vmem>>, vector<1x1x16xf32>,
          %get3A_465 = arith.index_cast %scan3A_235 : i32 to index
          %get3A_466 = arith.constant 336 : index
          %get3A_467 = tpu.vector_load %arg7[%get3A_465, %get3A_466] {strides = array<i32>} : memref<40x512xf32, #tpu.memory_space<vmem>>, vector<1x16xf32>,
          %get3A_468 = vector.shape_cast %get3A_467 : vector<1x16xf32> to vector<16xf32>
          %swap3A_469 = arith.constant 0 : i32
          %swap3A_470 = arith.index_cast %swap3A_469 : i32 to index
          %swap3A_471 = arith.index_cast %scan3A_235 : i32 to index
          %swap3A_472 = arith.constant 336 : index
          %swap3A_473 = tpu.vector_load %arg8[%swap3A_470, %swap3A_471, %swap3A_472] {strides = array<i32>} : memref<4x40x512xf32, #tpu.memory_space<vmem>>, vector<1x1x16xf32>,
          %swap3A_474 = vector.shape_cast %swap3A_473 : vector<1x1x16xf32> to vector<16xf32>
          %swap3A_475 = vector.shape_cast %get3A_468 : vector<16xf32> to vector<1x1x16xf32>
          tpu.vector_store %arg8[%swap3A_470, %swap3A_471, %swap3A_472], %swap3A_475 {add = true, strides = array<i32>} : memref<4x40x512xf32, #tpu.memory_space<vmem>>, vector<1x1x16xf32>,
          %get3A_476 = arith.index_cast %scan3A_235 : i32 to index
          %get3A_477 = arith.constant 352 : index
          %get3A_478 = tpu.vector_load %arg7[%get3A_476, %get3A_477] {strides = array<i32>} : memref<40x512xf32, #tpu.memory_space<vmem>>, vector<1x16xf32>,
          %get3A_479 = vector.shape_cast %get3A_478 : vector<1x16xf32> to vector<16xf32>
          %swap3A_480 = arith.constant 0 : i32
          %swap3A_481 = arith.index_cast %swap3A_480 : i32 to index
          %swap3A_482 = arith.index_cast %scan3A_235 : i32 to index
          %swap3A_483 = arith.constant 352 : index
          %swap3A_484 = tpu.vector_load %arg8[%swap3A_481, %swap3A_482, %swap3A_483] {strides = array<i32>} : memref<4x40x512xf32, #tpu.memory_space<vmem>>, vector<1x1x16xf32>,
          %swap3A_485 = vector.shape_cast %swap3A_484 : vector<1x1x16xf32> to vector<16xf32>
          %swap3A_486 = vector.shape_cast %get3A_479 : vector<16xf32> to vector<1x1x16xf32>
          tpu.vector_store %arg8[%swap3A_481, %swap3A_482, %swap3A_483], %swap3A_486 {add = true, strides = array<i32>} : memref<4x40x512xf32, #tpu.memory_space<vmem>>, vector<1x1x16xf32>,
          %get3A_487 = arith.index_cast %scan3A_235 : i32 to index
          %get3A_488 = arith.constant 368 : index
          %get3A_489 = tpu.vector_load %arg7[%get3A_487, %get3A_488] {strides = array<i32>} : memref<40x512xf32, #tpu.memory_space<vmem>>, vector<1x16xf32>,
          %get3A_490 = vector.shape_cast %get3A_489 : vector<1x16xf32> to vector<16xf32>
          %swap3A_491 = arith.constant 0 : i32
          %swap3A_492 = arith.index_cast %swap3A_491 : i32 to index
          %swap3A_493 = arith.index_cast %scan3A_235 : i32 to index
          %swap3A_494 = arith.constant 368 : index
          %swap3A_495 = tpu.vector_load %arg8[%swap3A_492, %swap3A_493, %swap3A_494] {strides = array<i32>} : memref<4x40x512xf32, #tpu.memory_space<vmem>>, vector<1x1x16xf32>,
          %swap3A_496 = vector.shape_cast %swap3A_495 : vector<1x1x16xf32> to vector<16xf32>
          %swap3A_497 = vector.shape_cast %get3A_490 : vector<16xf32> to vector<1x1x16xf32>
          tpu.vector_store %arg8[%swap3A_492, %swap3A_493, %swap3A_494], %swap3A_497 {add = true, strides = array<i32>} : memref<4x40x512xf32, #tpu.memory_space<vmem>>, vector<1x1x16xf32>,
          %get3A_498 = arith.index_cast %scan3A_235 : i32 to index
          %get3A_499 = arith.constant 384 : index
          %get3A_500 = tpu.vector_load %arg7[%get3A_498, %get3A_499] {strides = array<i32>} : memref<40x512xf32, #tpu.memory_space<vmem>>, vector<1x16xf32>,
          %get3A_501 = vector.shape_cast %get3A_500 : vector<1x16xf32> to vector<16xf32>
          %swap3A_502 = arith.constant 0 : i32
          %swap3A_503 = arith.index_cast %swap3A_502 : i32 to index
          %swap3A_504 = arith.index_cast %scan3A_235 : i32 to index
          %swap3A_505 = arith.constant 384 : index
          %swap3A_506 = tpu.vector_load %arg8[%swap3A_503, %swap3A_504, %swap3A_505] {strides = array<i32>} : memref<4x40x512xf32, #tpu.memory_space<vmem>>, vector<1x1x16xf32>,
          %swap3A_507 = vector.shape_cast %swap3A_506 : vector<1x1x16xf32> to vector<16xf32>
          %swap3A_508 = vector.shape_cast %get3A_501 : vector<16xf32> to vector<1x1x16xf32>
          tpu.vector_store %arg8[%swap3A_503, %swap3A_504, %swap3A_505], %swap3A_508 {add = true, strides = array<i32>} : memref<4x40x512xf32, #tpu.memory_space<vmem>>, vector<1x1x16xf32>,
          %get3A_509 = arith.index_cast %scan3A_235 : i32 to index
          %get3A_510 = arith.constant 400 : index
          %get3A_511 = tpu.vector_load %arg7[%get3A_509, %get3A_510] {strides = array<i32>} : memref<40x512xf32, #tpu.memory_space<vmem>>, vector<1x16xf32>,
          %get3A_512 = vector.shape_cast %get3A_511 : vector<1x16xf32> to vector<16xf32>
          %swap3A_513 = arith.constant 0 : i32
          %swap3A_514 = arith.index_cast %swap3A_513 : i32 to index
          %swap3A_515 = arith.index_cast %scan3A_235 : i32 to index
          %swap3A_516 = arith.constant 400 : index
          %swap3A_517 = tpu.vector_load %arg8[%swap3A_514, %swap3A_515, %swap3A_516] {strides = array<i32>} : memref<4x40x512xf32, #tpu.memory_space<vmem>>, vector<1x1x16xf32>,
          %swap3A_518 = vector.shape_cast %swap3A_517 : vector<1x1x16xf32> to vector<16xf32>
          %swap3A_519 = vector.shape_cast %get3A_512 : vector<16xf32> to vector<1x1x16xf32>
          tpu.vector_store %arg8[%swap3A_514, %swap3A_515, %swap3A_516], %swap3A_519 {add = true, strides = array<i32>} : memref<4x40x512xf32, #tpu.memory_space<vmem>>, vector<1x1x16xf32>,
          %get3A_520 = arith.index_cast %scan3A_235 : i32 to index
          %get3A_521 = arith.constant 416 : index
          %get3A_522 = tpu.vector_load %arg7[%get3A_520, %get3A_521] {strides = array<i32>} : memref<40x512xf32, #tpu.memory_space<vmem>>, vector<1x16xf32>,
          %get3A_523 = vector.shape_cast %get3A_522 : vector<1x16xf32> to vector<16xf32>
          %swap3A_524 = arith.constant 0 : i32
          %swap3A_525 = arith.index_cast %swap3A_524 : i32 to index
          %swap3A_526 = arith.index_cast %scan3A_235 : i32 to index
          %swap3A_527 = arith.constant 416 : index
          %swap3A_528 = tpu.vector_load %arg8[%swap3A_525, %swap3A_526, %swap3A_527] {strides = array<i32>} : memref<4x40x512xf32, #tpu.memory_space<vmem>>, vector<1x1x16xf32>,
          %swap3A_529 = vector.shape_cast %swap3A_528 : vector<1x1x16xf32> to vector<16xf32>
          %swap3A_530 = vector.shape_cast %get3A_523 : vector<16xf32> to vector<1x1x16xf32>
          tpu.vector_store %arg8[%swap3A_525, %swap3A_526, %swap3A_527], %swap3A_530 {add = true, strides = array<i32>} : memref<4x40x512xf32, #tpu.memory_space<vmem>>, vector<1x1x16xf32>,
          %get3A_531 = arith.index_cast %scan3A_235 : i32 to index
          %get3A_532 = arith.constant 432 : index
          %get3A_533 = tpu.vector_load %arg7[%get3A_531, %get3A_532] {strides = array<i32>} : memref<40x512xf32, #tpu.memory_space<vmem>>, vector<1x16xf32>,
          %get3A_534 = vector.shape_cast %get3A_533 : vector<1x16xf32> to vector<16xf32>
          %swap3A_535 = arith.constant 0 : i32
          %swap3A_536 = arith.index_cast %swap3A_535 : i32 to index
          %swap3A_537 = arith.index_cast %scan3A_235 : i32 to index
          %swap3A_538 = arith.constant 432 : index
          %swap3A_539 = tpu.vector_load %arg8[%swap3A_536, %swap3A_537, %swap3A_538] {strides = array<i32>} : memref<4x40x512xf32, #tpu.memory_space<vmem>>, vector<1x1x16xf32>,
          %swap3A_540 = vector.shape_cast %swap3A_539 : vector<1x1x16xf32> to vector<16xf32>
          %swap3A_541 = vector.shape_cast %get3A_534 : vector<16xf32> to vector<1x1x16xf32>
          tpu.vector_store %arg8[%swap3A_536, %swap3A_537, %swap3A_538], %swap3A_541 {add = true, strides = array<i32>} : memref<4x40x512xf32, #tpu.memory_space<vmem>>, vector<1x1x16xf32>,
          %get3A_542 = arith.index_cast %scan3A_235 : i32 to index
          %get3A_543 = arith.constant 448 : index
          %get3A_544 = tpu.vector_load %arg7[%get3A_542, %get3A_543] {strides = array<i32>} : memref<40x512xf32, #tpu.memory_space<vmem>>, vector<1x16xf32>,
          %get3A_545 = vector.shape_cast %get3A_544 : vector<1x16xf32> to vector<16xf32>
          %swap3A_546 = arith.constant 0 : i32
          %swap3A_547 = arith.index_cast %swap3A_546 : i32 to index
          %swap3A_548 = arith.index_cast %scan3A_235 : i32 to index
          %swap3A_549 = arith.constant 448 : index
          %swap3A_550 = tpu.vector_load %arg8[%swap3A_547, %swap3A_548, %swap3A_549] {strides = array<i32>} : memref<4x40x512xf32, #tpu.memory_space<vmem>>, vector<1x1x16xf32>,
          %swap3A_551 = vector.shape_cast %swap3A_550 : vector<1x1x16xf32> to vector<16xf32>
          %swap3A_552 = vector.shape_cast %get3A_545 : vector<16xf32> to vector<1x1x16xf32>
          tpu.vector_store %arg8[%swap3A_547, %swap3A_548, %swap3A_549], %swap3A_552 {add = true, strides = array<i32>} : memref<4x40x512xf32, #tpu.memory_space<vmem>>, vector<1x1x16xf32>,
          %get3A_553 = arith.index_cast %scan3A_235 : i32 to index
          %get3A_554 = arith.constant 464 : index
          %get3A_555 = tpu.vector_load %arg7[%get3A_553, %get3A_554] {strides = array<i32>} : memref<40x512xf32, #tpu.memory_space<vmem>>, vector<1x16xf32>,
          %get3A_556 = vector.shape_cast %get3A_555 : vector<1x16xf32> to vector<16xf32>
          %swap3A_557 = arith.constant 0 : i32
          %swap3A_558 = arith.index_cast %swap3A_557 : i32 to index
          %swap3A_559 = arith.index_cast %scan3A_235 : i32 to index
          %swap3A_560 = arith.constant 464 : index
          %swap3A_561 = tpu.vector_load %arg8[%swap3A_558, %swap3A_559, %swap3A_560] {strides = array<i32>} : memref<4x40x512xf32, #tpu.memory_space<vmem>>, vector<1x1x16xf32>,
          %swap3A_562 = vector.shape_cast %swap3A_561 : vector<1x1x16xf32> to vector<16xf32>
          %swap3A_563 = vector.shape_cast %get3A_556 : vector<16xf32> to vector<1x1x16xf32>
          tpu.vector_store %arg8[%swap3A_558, %swap3A_559, %swap3A_560], %swap3A_563 {add = true, strides = array<i32>} : memref<4x40x512xf32, #tpu.memory_space<vmem>>, vector<1x1x16xf32>,
          %get3A_564 = arith.index_cast %scan3A_235 : i32 to index
          %get3A_565 = arith.constant 480 : index
          %get3A_566 = tpu.vector_load %arg7[%get3A_564, %get3A_565] {strides = array<i32>} : memref<40x512xf32, #tpu.memory_space<vmem>>, vector<1x16xf32>,
          %get3A_567 = vector.shape_cast %get3A_566 : vector<1x16xf32> to vector<16xf32>
          %swap3A_568 = arith.constant 0 : i32
          %swap3A_569 = arith.index_cast %swap3A_568 : i32 to index
          %swap3A_570 = arith.index_cast %scan3A_235 : i32 to index
          %swap3A_571 = arith.constant 480 : index
          %swap3A_572 = tpu.vector_load %arg8[%swap3A_569, %swap3A_570, %swap3A_571] {strides = array<i32>} : memref<4x40x512xf32, #tpu.memory_space<vmem>>, vector<1x1x16xf32>,
          %swap3A_573 = vector.shape_cast %swap3A_572 : vector<1x1x16xf32> to vector<16xf32>
          %swap3A_574 = vector.shape_cast %get3A_567 : vector<16xf32> to vector<1x1x16xf32>
          tpu.vector_store %arg8[%swap3A_569, %swap3A_570, %swap3A_571], %swap3A_574 {add = true, strides = array<i32>} : memref<4x40x512xf32, #tpu.memory_space<vmem>>, vector<1x1x16xf32>,
          %get3A_575 = arith.index_cast %scan3A_235 : i32 to index
          %get3A_576 = arith.constant 496 : index
          %get3A_577 = tpu.vector_load %arg7[%get3A_575, %get3A_576] {strides = array<i32>} : memref<40x512xf32, #tpu.memory_space<vmem>>, vector<1x16xf32>,
          %get3A_578 = vector.shape_cast %get3A_577 : vector<1x16xf32> to vector<16xf32>
          %swap3A_579 = arith.constant 0 : i32
          %swap3A_580 = arith.index_cast %swap3A_579 : i32 to index
          %swap3A_581 = arith.index_cast %scan3A_235 : i32 to index
          %swap3A_582 = arith.constant 496 : index
          %swap3A_583 = tpu.vector_load %arg8[%swap3A_580, %swap3A_581, %swap3A_582] {strides = array<i32>} : memref<4x40x512xf32, #tpu.memory_space<vmem>>, vector<1x1x16xf32>,
          %swap3A_584 = vector.shape_cast %swap3A_583 : vector<1x1x16xf32> to vector<16xf32>
          %swap3A_585 = vector.shape_cast %get3A_578 : vector<16xf32> to vector<1x1x16xf32>
          tpu.vector_store %arg8[%swap3A_580, %swap3A_581, %swap3A_582], %swap3A_585 {add = true, strides = array<i32>} : memref<4x40x512xf32, #tpu.memory_space<vmem>>, vector<1x1x16xf32>,
        }
        %scan3A_91 = arith.constant 40 : i32
        %add3A_92 = arith.addi %mul3A_2, %add3A_75 : i32
        %dma_start3A_93 = arith.constant 0 : i32
        %dma_start3A_94 = arith.constant 0 : i32
        %dma_start3A_95 = arith.constant 0 : i32
        %dma_start3A_96 = tpu.memref_slice %arg8[%dma_start3A_93, %dma_start3A_94, %dma_start3A_95] : memref<4x40x512xf32, #tpu.memory_space<vmem>> -> memref<1x40x512xf32, #tpu.memory_space<vmem>>
        %dma_start3A_97 = tpu.memref_squeeze %dma_start3A_96 : memref<1x40x512xf32, #tpu.memory_space<vmem>> -> memref<40x512xf32, #tpu.memory_space<vmem>>
        %dma_start3A_98 = arith.constant 0 : i32
        %dma_start3A_99 = tpu.memref_slice %arg5[%add3A_92, %mul3A_10, %dma_start3A_98] : memref<1024x200x512xf32, #tpu.memory_space<hbm>> -> memref<1x40x512xf32, #tpu.memory_space<hbm>>
        %dma_start3A_100 = tpu.memref_squeeze %dma_start3A_99 : memref<1x40x512xf32, #tpu.memory_space<hbm>> -> memref<40x512xf32, #tpu.memory_space<hbm>>
        %dma_start3A_101 = arith.constant 0 : i32
        %dma_start3A_102 = tpu.memref_slice %arg5[%add3A_92, %mul3A_10, %dma_start3A_101] : memref<1024x200x512xf32, #tpu.memory_space<hbm>> -> memref<1x40x512xf32, #tpu.memory_space<hbm>>
        %dma_start3A_103 = tpu.memref_squeeze %dma_start3A_102 : memref<1x40x512xf32, #tpu.memory_space<hbm>> -> memref<40x512xf32, #tpu.memory_space<hbm>>
        %dma_start3A_104 = arith.constant 0 : i32
        %dma_start3A_105 = arith.constant 0 : i32
        %dma_start3A_106 = tpu.memref_slice %arg8[%dma_start3A_93, %dma_start3A_104, %dma_start3A_105] : memref<4x40x512xf32, #tpu.memory_space<vmem>> -> memref<1x40x512xf32, #tpu.memory_space<vmem>>
        %dma_start3A_107 = tpu.memref_squeeze %dma_start3A_106 : memref<1x40x512xf32, #tpu.memory_space<vmem>> -> memref<40x512xf32, #tpu.memory_space<vmem>>
        tpu.enqueue_dma source(%dma_start3A_107 : memref<40x512xf32, #tpu.memory_space<vmem>>) target(%dma_start3A_103 : memref<40x512xf32, #tpu.memory_space<hbm>>) target_semaphore(%arg13 : memref<!tpu.dma_semaphore, #tpu.memory_space<semaphore_mem>>)
        %add3A_108 = arith.constant 2 : i32
        %add3A_109 = arith.addi %add3A_75, %add3A_108 : i32
        %lt3A = arith.constant 32 : i32
        %lt3A_110 = arith.cmpi slt, %add3A_109, %lt3A : i32
        %convert_element_type3A = arith.extui %lt3A_110 : i1 to i32
        %cond3A = arith.constant 0 : i32
        %cond3A_111 = arith.cmpi ne, %convert_element_type3A, %cond3A : i32
        scf.if %cond3A_111 {
          %sub3A = arith.constant 4 : i32
          %sub3A_235 = arith.subi %add3A_109, %sub3A : i32
          %ge3A = arith.constant 0 : i32
          %ge3A_236 = arith.cmpi sge, %sub3A_235, %ge3A : i32
          %convert_element_type3A_237 = arith.extui %ge3A_236 : i1 to i32
          %cond3A_238 = arith.constant 0 : i32
          %cond3A_239 = arith.cmpi ne, %convert_element_type3A_237, %cond3A_238 : i32
          scf.if %cond3A_239 {
            %add3A_250 = arith.addi %mul3A_2, %sub3A_235 : i32
            %dma_wait3A_251 = arith.constant 2 : i32
            %dma_wait3A_252 = arith.constant 0 : i32
            %dma_wait3A_253 = arith.constant 0 : i32
            %dma_wait3A_254 = tpu.memref_slice %arg8[%dma_wait3A_251, %dma_wait3A_252, %dma_wait3A_253] : memref<4x40x512xf32, #tpu.memory_space<vmem>> -> memref<1x40x512xf32, #tpu.memory_space<vmem>>
            %dma_wait3A_255 = tpu.memref_squeeze %dma_wait3A_254 : memref<1x40x512xf32, #tpu.memory_space<vmem>> -> memref<40x512xf32, #tpu.memory_space<vmem>>
            %dma_wait3A_256 = arith.constant 0 : i32
            %dma_wait3A_257 = tpu.memref_slice %arg5[%add3A_250, %mul3A_10, %dma_wait3A_256] : memref<1024x200x512xf32, #tpu.memory_space<hbm>> -> memref<1x40x512xf32, #tpu.memory_space<hbm>>
            %dma_wait3A_258 = tpu.memref_squeeze %dma_wait3A_257 : memref<1x40x512xf32, #tpu.memory_space<hbm>> -> memref<40x512xf32, #tpu.memory_space<hbm>>
            %dma_wait3A_259 = arith.constant 0 : i32
            %dma_wait3A_260 = tpu.memref_slice %arg5[%add3A_250, %mul3A_10, %dma_wait3A_259] : memref<1024x200x512xf32, #tpu.memory_space<hbm>> -> memref<1x40x512xf32, #tpu.memory_space<hbm>>
            %dma_wait3A_261 = tpu.memref_squeeze %dma_wait3A_260 : memref<1x40x512xf32, #tpu.memory_space<hbm>> -> memref<40x512xf32, #tpu.memory_space<hbm>>
            %dma_wait3A_262 = arith.constant 0 : i32
            %dma_wait3A_263 = arith.constant 0 : i32
            %dma_wait3A_264 = tpu.memref_slice %arg8[%dma_wait3A_251, %dma_wait3A_262, %dma_wait3A_263] : memref<4x40x512xf32, #tpu.memory_space<vmem>> -> memref<1x40x512xf32, #tpu.memory_space<vmem>>
            %dma_wait3A_265 = tpu.memref_squeeze %dma_wait3A_264 : memref<1x40x512xf32, #tpu.memory_space<vmem>> -> memref<40x512xf32, #tpu.memory_space<vmem>>
            tpu.wait_dma2 semaphore(%arg15 : memref<!tpu.dma_semaphore, #tpu.memory_space<semaphore_mem>>) src(%dma_wait3A_265 : memref<40x512xf32, #tpu.memory_space<vmem>>) dst(%dma_wait3A_261 : memref<40x512xf32, #tpu.memory_space<hbm>>)
          } else {
          }
          %dma_start3A_240 = arith.constant 2 : i32
          %dma_start3A_241 = arith.constant 0 : i32
          %dma_start3A_242 = arith.constant 0 : i32
          %dma_start3A_243 = tpu.memref_slice %arg8[%dma_start3A_240, %dma_start3A_241, %dma_start3A_242] : memref<4x40x512xf32, #tpu.memory_space<vmem>> -> memref<1x40x512xf32, #tpu.memory_space<vmem>>
          %dma_start3A_244 = tpu.memref_squeeze %dma_start3A_243 : memref<1x40x512xf32, #tpu.memory_space<vmem>> -> memref<40x512xf32, #tpu.memory_space<vmem>>
          %dma_start3A_245 = tpu.memref_slice %arg6[%add3A_109, %mul3A_10] : memref<32x200xi32, #tpu.memory_space<vmem>> -> memref<1x40xi32, #tpu.memory_space<vmem>>
          %dma_start3A_246 = tpu.memref_squeeze %dma_start3A_245 : memref<1x40xi32, #tpu.memory_space<vmem>> -> memref<40xi32, #tpu.memory_space<vmem>>
          %dma_start3A_247 = arith.constant 0 : i32
          %dma_start3A_248 = arith.constant 0 : i32
          %dma_start3A_249 = tpu.memref_slice %arg2[%dma_start3A_247, %dma_start3A_248] : memref<1000x512xf32, #tpu.memory_space<hbm>> -> memref<1000x512xf32, #tpu.memory_space<hbm>>
          tpu.enqueue_indirect_dma source(%dma_start3A_249 : memref<1000x512xf32, #tpu.memory_space<hbm>>) target(%dma_start3A_244 : memref<40x512xf32, #tpu.memory_space<vmem>>) offsets(%dma_start3A_246 : memref<40xi32, #tpu.memory_space<vmem>>) semaphore(%arg11 : memref<!tpu.dma_semaphore, #tpu.memory_space<semaphore_mem>>)
        } else {
        }
        %add3A_112 = arith.constant 1 : i32
        %add3A_113 = arith.addi %mul3A_73, %add3A_112 : i32
        %dma_wait3A_114 = arith.constant 1 : i32
        %dma_wait3A_115 = arith.constant 0 : i32
        %dma_wait3A_116 = arith.constant 0 : i32
        %dma_wait3A_117 = tpu.memref_slice %arg8[%dma_wait3A_114, %dma_wait3A_115, %dma_wait3A_116] : memref<4x40x512xf32, #tpu.memory_space<vmem>> -> memref<1x40x512xf32, #tpu.memory_space<vmem>>
        %dma_wait3A_118 = tpu.memref_squeeze %dma_wait3A_117 : memref<1x40x512xf32, #tpu.memory_space<vmem>> -> memref<40x512xf32, #tpu.memory_space<vmem>>
        %dma_wait3A_119 = tpu.memref_slice %arg6[%add3A_113, %mul3A_10] : memref<32x200xi32, #tpu.memory_space<vmem>> -> memref<1x40xi32, #tpu.memory_space<vmem>>
        %dma_wait3A_120 = tpu.memref_squeeze %dma_wait3A_119 : memref<1x40xi32, #tpu.memory_space<vmem>> -> memref<40xi32, #tpu.memory_space<vmem>>
        %dma_wait3A_121 = arith.constant 0 : i32
        %dma_wait3A_122 = arith.constant 0 : i32
        %dma_wait3A_123 = tpu.memref_slice %arg2[%dma_wait3A_121, %dma_wait3A_122] : memref<1000x512xf32, #tpu.memory_space<hbm>> -> memref<1000x512xf32, #tpu.memory_space<hbm>>
        tpu.wait_indirect_dma semaphore(%arg10 : memref<!tpu.dma_semaphore, #tpu.memory_space<semaphore_mem>>) src(%dma_wait3A_123 : memref<1000x512xf32, #tpu.memory_space<hbm>>) dst(%dma_wait3A_118 : memref<40x512xf32, #tpu.memory_space<vmem>>)
        %scan3A_124 = arith.constant 0 : i32
        %scan3A_125 = arith.constant 0 : i32
        %scan3A_126 = arith.constant 40 : i32
        %scan3A_127 = arith.addi %scan3A_125, %scan3A_126 : i32
        %scan3A_128 = arith.constant 1 : i32
        scf.for %scan3A_235 = %scan3A_125 to %scan3A_127 step %scan3A_128  : i32 {
          %get3A = arith.index_cast %scan3A_235 : i32 to index
          %get3A_236 = arith.constant 0 : index
          %get3A_237 = tpu.vector_load %arg7[%get3A, %get3A_236] {strides = array<i32>} : memref<40x512xf32, #tpu.memory_space<vmem>>, vector<1x16xf32>,
          %get3A_238 = vector.shape_cast %get3A_237 : vector<1x16xf32> to vector<16xf32>
          %swap3A = arith.constant 1 : i32
          %swap3A_239 = arith.index_cast %swap3A : i32 to index
          %swap3A_240 = arith.index_cast %scan3A_235 : i32 to index
          %swap3A_241 = arith.constant 0 : index
          %swap3A_242 = tpu.vector_load %arg8[%swap3A_239, %swap3A_240, %swap3A_241] {strides = array<i32>} : memref<4x40x512xf32, #tpu.memory_space<vmem>>, vector<1x1x16xf32>,
          %swap3A_243 = vector.shape_cast %swap3A_242 : vector<1x1x16xf32> to vector<16xf32>
          %swap3A_244 = vector.shape_cast %get3A_238 : vector<16xf32> to vector<1x1x16xf32>
          tpu.vector_store %arg8[%swap3A_239, %swap3A_240, %swap3A_241], %swap3A_244 {add = true, strides = array<i32>} : memref<4x40x512xf32, #tpu.memory_space<vmem>>, vector<1x1x16xf32>,
          %get3A_245 = arith.index_cast %scan3A_235 : i32 to index
          %get3A_246 = arith.constant 16 : index
          %get3A_247 = tpu.vector_load %arg7[%get3A_245, %get3A_246] {strides = array<i32>} : memref<40x512xf32, #tpu.memory_space<vmem>>, vector<1x16xf32>,
          %get3A_248 = vector.shape_cast %get3A_247 : vector<1x16xf32> to vector<16xf32>
          %swap3A_249 = arith.constant 1 : i32
          %swap3A_250 = arith.index_cast %swap3A_249 : i32 to index
          %swap3A_251 = arith.index_cast %scan3A_235 : i32 to index
          %swap3A_252 = arith.constant 16 : index
          %swap3A_253 = tpu.vector_load %arg8[%swap3A_250, %swap3A_251, %swap3A_252] {strides = array<i32>} : memref<4x40x512xf32, #tpu.memory_space<vmem>>, vector<1x1x16xf32>,
          %swap3A_254 = vector.shape_cast %swap3A_253 : vector<1x1x16xf32> to vector<16xf32>
          %swap3A_255 = vector.shape_cast %get3A_248 : vector<16xf32> to vector<1x1x16xf32>
          tpu.vector_store %arg8[%swap3A_250, %swap3A_251, %swap3A_252], %swap3A_255 {add = true, strides = array<i32>} : memref<4x40x512xf32, #tpu.memory_space<vmem>>, vector<1x1x16xf32>,
          %get3A_256 = arith.index_cast %scan3A_235 : i32 to index
          %get3A_257 = arith.constant 32 : index
          %get3A_258 = tpu.vector_load %arg7[%get3A_256, %get3A_257] {strides = array<i32>} : memref<40x512xf32, #tpu.memory_space<vmem>>, vector<1x16xf32>,
          %get3A_259 = vector.shape_cast %get3A_258 : vector<1x16xf32> to vector<16xf32>
          %swap3A_260 = arith.constant 1 : i32
          %swap3A_261 = arith.index_cast %swap3A_260 : i32 to index
          %swap3A_262 = arith.index_cast %scan3A_235 : i32 to index
          %swap3A_263 = arith.constant 32 : index
          %swap3A_264 = tpu.vector_load %arg8[%swap3A_261, %swap3A_262, %swap3A_263] {strides = array<i32>} : memref<4x40x512xf32, #tpu.memory_space<vmem>>, vector<1x1x16xf32>,
          %swap3A_265 = vector.shape_cast %swap3A_264 : vector<1x1x16xf32> to vector<16xf32>
          %swap3A_266 = vector.shape_cast %get3A_259 : vector<16xf32> to vector<1x1x16xf32>
          tpu.vector_store %arg8[%swap3A_261, %swap3A_262, %swap3A_263], %swap3A_266 {add = true, strides = array<i32>} : memref<4x40x512xf32, #tpu.memory_space<vmem>>, vector<1x1x16xf32>,
          %get3A_267 = arith.index_cast %scan3A_235 : i32 to index
          %get3A_268 = arith.constant 48 : index
          %get3A_269 = tpu.vector_load %arg7[%get3A_267, %get3A_268] {strides = array<i32>} : memref<40x512xf32, #tpu.memory_space<vmem>>, vector<1x16xf32>,
          %get3A_270 = vector.shape_cast %get3A_269 : vector<1x16xf32> to vector<16xf32>
          %swap3A_271 = arith.constant 1 : i32
          %swap3A_272 = arith.index_cast %swap3A_271 : i32 to index
          %swap3A_273 = arith.index_cast %scan3A_235 : i32 to index
          %swap3A_274 = arith.constant 48 : index
          %swap3A_275 = tpu.vector_load %arg8[%swap3A_272, %swap3A_273, %swap3A_274] {strides = array<i32>} : memref<4x40x512xf32, #tpu.memory_space<vmem>>, vector<1x1x16xf32>,
          %swap3A_276 = vector.shape_cast %swap3A_275 : vector<1x1x16xf32> to vector<16xf32>
          %swap3A_277 = vector.shape_cast %get3A_270 : vector<16xf32> to vector<1x1x16xf32>
          tpu.vector_store %arg8[%swap3A_272, %swap3A_273, %swap3A_274], %swap3A_277 {add = true, strides = array<i32>} : memref<4x40x512xf32, #tpu.memory_space<vmem>>, vector<1x1x16xf32>,
          %get3A_278 = arith.index_cast %scan3A_235 : i32 to index
          %get3A_279 = arith.constant 64 : index
          %get3A_280 = tpu.vector_load %arg7[%get3A_278, %get3A_279] {strides = array<i32>} : memref<40x512xf32, #tpu.memory_space<vmem>>, vector<1x16xf32>,
          %get3A_281 = vector.shape_cast %get3A_280 : vector<1x16xf32> to vector<16xf32>
          %swap3A_282 = arith.constant 1 : i32
          %swap3A_283 = arith.index_cast %swap3A_282 : i32 to index
          %swap3A_284 = arith.index_cast %scan3A_235 : i32 to index
          %swap3A_285 = arith.constant 64 : index
          %swap3A_286 = tpu.vector_load %arg8[%swap3A_283, %swap3A_284, %swap3A_285] {strides = array<i32>} : memref<4x40x512xf32, #tpu.memory_space<vmem>>, vector<1x1x16xf32>,
          %swap3A_287 = vector.shape_cast %swap3A_286 : vector<1x1x16xf32> to vector<16xf32>
          %swap3A_288 = vector.shape_cast %get3A_281 : vector<16xf32> to vector<1x1x16xf32>
          tpu.vector_store %arg8[%swap3A_283, %swap3A_284, %swap3A_285], %swap3A_288 {add = true, strides = array<i32>} : memref<4x40x512xf32, #tpu.memory_space<vmem>>, vector<1x1x16xf32>,
          %get3A_289 = arith.index_cast %scan3A_235 : i32 to index
          %get3A_290 = arith.constant 80 : index
          %get3A_291 = tpu.vector_load %arg7[%get3A_289, %get3A_290] {strides = array<i32>} : memref<40x512xf32, #tpu.memory_space<vmem>>, vector<1x16xf32>,
          %get3A_292 = vector.shape_cast %get3A_291 : vector<1x16xf32> to vector<16xf32>
          %swap3A_293 = arith.constant 1 : i32
          %swap3A_294 = arith.index_cast %swap3A_293 : i32 to index
          %swap3A_295 = arith.index_cast %scan3A_235 : i32 to index
          %swap3A_296 = arith.constant 80 : index
          %swap3A_297 = tpu.vector_load %arg8[%swap3A_294, %swap3A_295, %swap3A_296] {strides = array<i32>} : memref<4x40x512xf32, #tpu.memory_space<vmem>>, vector<1x1x16xf32>,
          %swap3A_298 = vector.shape_cast %swap3A_297 : vector<1x1x16xf32> to vector<16xf32>
          %swap3A_299 = vector.shape_cast %get3A_292 : vector<16xf32> to vector<1x1x16xf32>
          tpu.vector_store %arg8[%swap3A_294, %swap3A_295, %swap3A_296], %swap3A_299 {add = true, strides = array<i32>} : memref<4x40x512xf32, #tpu.memory_space<vmem>>, vector<1x1x16xf32>,
          %get3A_300 = arith.index_cast %scan3A_235 : i32 to index
          %get3A_301 = arith.constant 96 : index
          %get3A_302 = tpu.vector_load %arg7[%get3A_300, %get3A_301] {strides = array<i32>} : memref<40x512xf32, #tpu.memory_space<vmem>>, vector<1x16xf32>,
          %get3A_303 = vector.shape_cast %get3A_302 : vector<1x16xf32> to vector<16xf32>
          %swap3A_304 = arith.constant 1 : i32
          %swap3A_305 = arith.index_cast %swap3A_304 : i32 to index
          %swap3A_306 = arith.index_cast %scan3A_235 : i32 to index
          %swap3A_307 = arith.constant 96 : index
          %swap3A_308 = tpu.vector_load %arg8[%swap3A_305, %swap3A_306, %swap3A_307] {strides = array<i32>} : memref<4x40x512xf32, #tpu.memory_space<vmem>>, vector<1x1x16xf32>,
          %swap3A_309 = vector.shape_cast %swap3A_308 : vector<1x1x16xf32> to vector<16xf32>
          %swap3A_310 = vector.shape_cast %get3A_303 : vector<16xf32> to vector<1x1x16xf32>
          tpu.vector_store %arg8[%swap3A_305, %swap3A_306, %swap3A_307], %swap3A_310 {add = true, strides = array<i32>} : memref<4x40x512xf32, #tpu.memory_space<vmem>>, vector<1x1x16xf32>,
          %get3A_311 = arith.index_cast %scan3A_235 : i32 to index
          %get3A_312 = arith.constant 112 : index
          %get3A_313 = tpu.vector_load %arg7[%get3A_311, %get3A_312] {strides = array<i32>} : memref<40x512xf32, #tpu.memory_space<vmem>>, vector<1x16xf32>,
          %get3A_314 = vector.shape_cast %get3A_313 : vector<1x16xf32> to vector<16xf32>
          %swap3A_315 = arith.constant 1 : i32
          %swap3A_316 = arith.index_cast %swap3A_315 : i32 to index
          %swap3A_317 = arith.index_cast %scan3A_235 : i32 to index
          %swap3A_318 = arith.constant 112 : index
          %swap3A_319 = tpu.vector_load %arg8[%swap3A_316, %swap3A_317, %swap3A_318] {strides = array<i32>} : memref<4x40x512xf32, #tpu.memory_space<vmem>>, vector<1x1x16xf32>,
          %swap3A_320 = vector.shape_cast %swap3A_319 : vector<1x1x16xf32> to vector<16xf32>
          %swap3A_321 = vector.shape_cast %get3A_314 : vector<16xf32> to vector<1x1x16xf32>
          tpu.vector_store %arg8[%swap3A_316, %swap3A_317, %swap3A_318], %swap3A_321 {add = true, strides = array<i32>} : memref<4x40x512xf32, #tpu.memory_space<vmem>>, vector<1x1x16xf32>,
          %get3A_322 = arith.index_cast %scan3A_235 : i32 to index
          %get3A_323 = arith.constant 128 : index
          %get3A_324 = tpu.vector_load %arg7[%get3A_322, %get3A_323] {strides = array<i32>} : memref<40x512xf32, #tpu.memory_space<vmem>>, vector<1x16xf32>,
          %get3A_325 = vector.shape_cast %get3A_324 : vector<1x16xf32> to vector<16xf32>
          %swap3A_326 = arith.constant 1 : i32
          %swap3A_327 = arith.index_cast %swap3A_326 : i32 to index
          %swap3A_328 = arith.index_cast %scan3A_235 : i32 to index
          %swap3A_329 = arith.constant 128 : index
          %swap3A_330 = tpu.vector_load %arg8[%swap3A_327, %swap3A_328, %swap3A_329] {strides = array<i32>} : memref<4x40x512xf32, #tpu.memory_space<vmem>>, vector<1x1x16xf32>,
          %swap3A_331 = vector.shape_cast %swap3A_330 : vector<1x1x16xf32> to vector<16xf32>
          %swap3A_332 = vector.shape_cast %get3A_325 : vector<16xf32> to vector<1x1x16xf32>
          tpu.vector_store %arg8[%swap3A_327, %swap3A_328, %swap3A_329], %swap3A_332 {add = true, strides = array<i32>} : memref<4x40x512xf32, #tpu.memory_space<vmem>>, vector<1x1x16xf32>,
          %get3A_333 = arith.index_cast %scan3A_235 : i32 to index
          %get3A_334 = arith.constant 144 : index
          %get3A_335 = tpu.vector_load %arg7[%get3A_333, %get3A_334] {strides = array<i32>} : memref<40x512xf32, #tpu.memory_space<vmem>>, vector<1x16xf32>,
          %get3A_336 = vector.shape_cast %get3A_335 : vector<1x16xf32> to vector<16xf32>
          %swap3A_337 = arith.constant 1 : i32
          %swap3A_338 = arith.index_cast %swap3A_337 : i32 to index
          %swap3A_339 = arith.index_cast %scan3A_235 : i32 to index
          %swap3A_340 = arith.constant 144 : index
          %swap3A_341 = tpu.vector_load %arg8[%swap3A_338, %swap3A_339, %swap3A_340] {strides = array<i32>} : memref<4x40x512xf32, #tpu.memory_space<vmem>>, vector<1x1x16xf32>,
          %swap3A_342 = vector.shape_cast %swap3A_341 : vector<1x1x16xf32> to vector<16xf32>
          %swap3A_343 = vector.shape_cast %get3A_336 : vector<16xf32> to vector<1x1x16xf32>
          tpu.vector_store %arg8[%swap3A_338, %swap3A_339, %swap3A_340], %swap3A_343 {add = true, strides = array<i32>} : memref<4x40x512xf32, #tpu.memory_space<vmem>>, vector<1x1x16xf32>,
          %get3A_344 = arith.index_cast %scan3A_235 : i32 to index
          %get3A_345 = arith.constant 160 : index
          %get3A_346 = tpu.vector_load %arg7[%get3A_344, %get3A_345] {strides = array<i32>} : memref<40x512xf32, #tpu.memory_space<vmem>>, vector<1x16xf32>,
          %get3A_347 = vector.shape_cast %get3A_346 : vector<1x16xf32> to vector<16xf32>
          %swap3A_348 = arith.constant 1 : i32
          %swap3A_349 = arith.index_cast %swap3A_348 : i32 to index
          %swap3A_350 = arith.index_cast %scan3A_235 : i32 to index
          %swap3A_351 = arith.constant 160 : index
          %swap3A_352 = tpu.vector_load %arg8[%swap3A_349, %swap3A_350, %swap3A_351] {strides = array<i32>} : memref<4x40x512xf32, #tpu.memory_space<vmem>>, vector<1x1x16xf32>,
          %swap3A_353 = vector.shape_cast %swap3A_352 : vector<1x1x16xf32> to vector<16xf32>
          %swap3A_354 = vector.shape_cast %get3A_347 : vector<16xf32> to vector<1x1x16xf32>
          tpu.vector_store %arg8[%swap3A_349, %swap3A_350, %swap3A_351], %swap3A_354 {add = true, strides = array<i32>} : memref<4x40x512xf32, #tpu.memory_space<vmem>>, vector<1x1x16xf32>,
          %get3A_355 = arith.index_cast %scan3A_235 : i32 to index
          %get3A_356 = arith.constant 176 : index
          %get3A_357 = tpu.vector_load %arg7[%get3A_355, %get3A_356] {strides = array<i32>} : memref<40x512xf32, #tpu.memory_space<vmem>>, vector<1x16xf32>,
          %get3A_358 = vector.shape_cast %get3A_357 : vector<1x16xf32> to vector<16xf32>
          %swap3A_359 = arith.constant 1 : i32
          %swap3A_360 = arith.index_cast %swap3A_359 : i32 to index
          %swap3A_361 = arith.index_cast %scan3A_235 : i32 to index
          %swap3A_362 = arith.constant 176 : index
          %swap3A_363 = tpu.vector_load %arg8[%swap3A_360, %swap3A_361, %swap3A_362] {strides = array<i32>} : memref<4x40x512xf32, #tpu.memory_space<vmem>>, vector<1x1x16xf32>,
          %swap3A_364 = vector.shape_cast %swap3A_363 : vector<1x1x16xf32> to vector<16xf32>
          %swap3A_365 = vector.shape_cast %get3A_358 : vector<16xf32> to vector<1x1x16xf32>
          tpu.vector_store %arg8[%swap3A_360, %swap3A_361, %swap3A_362], %swap3A_365 {add = true, strides = array<i32>} : memref<4x40x512xf32, #tpu.memory_space<vmem>>, vector<1x1x16xf32>,
          %get3A_366 = arith.index_cast %scan3A_235 : i32 to index
          %get3A_367 = arith.constant 192 : index
          %get3A_368 = tpu.vector_load %arg7[%get3A_366, %get3A_367] {strides = array<i32>} : memref<40x512xf32, #tpu.memory_space<vmem>>, vector<1x16xf32>,
          %get3A_369 = vector.shape_cast %get3A_368 : vector<1x16xf32> to vector<16xf32>
          %swap3A_370 = arith.constant 1 : i32
          %swap3A_371 = arith.index_cast %swap3A_370 : i32 to index
          %swap3A_372 = arith.index_cast %scan3A_235 : i32 to index
          %swap3A_373 = arith.constant 192 : index
          %swap3A_374 = tpu.vector_load %arg8[%swap3A_371, %swap3A_372, %swap3A_373] {strides = array<i32>} : memref<4x40x512xf32, #tpu.memory_space<vmem>>, vector<1x1x16xf32>,
          %swap3A_375 = vector.shape_cast %swap3A_374 : vector<1x1x16xf32> to vector<16xf32>
          %swap3A_376 = vector.shape_cast %get3A_369 : vector<16xf32> to vector<1x1x16xf32>
          tpu.vector_store %arg8[%swap3A_371, %swap3A_372, %swap3A_373], %swap3A_376 {add = true, strides = array<i32>} : memref<4x40x512xf32, #tpu.memory_space<vmem>>, vector<1x1x16xf32>,
          %get3A_377 = arith.index_cast %scan3A_235 : i32 to index
          %get3A_378 = arith.constant 208 : index
          %get3A_379 = tpu.vector_load %arg7[%get3A_377, %get3A_378] {strides = array<i32>} : memref<40x512xf32, #tpu.memory_space<vmem>>, vector<1x16xf32>,
          %get3A_380 = vector.shape_cast %get3A_379 : vector<1x16xf32> to vector<16xf32>
          %swap3A_381 = arith.constant 1 : i32
          %swap3A_382 = arith.index_cast %swap3A_381 : i32 to index
          %swap3A_383 = arith.index_cast %scan3A_235 : i32 to index
          %swap3A_384 = arith.constant 208 : index
          %swap3A_385 = tpu.vector_load %arg8[%swap3A_382, %swap3A_383, %swap3A_384] {strides = array<i32>} : memref<4x40x512xf32, #tpu.memory_space<vmem>>, vector<1x1x16xf32>,
          %swap3A_386 = vector.shape_cast %swap3A_385 : vector<1x1x16xf32> to vector<16xf32>
          %swap3A_387 = vector.shape_cast %get3A_380 : vector<16xf32> to vector<1x1x16xf32>
          tpu.vector_store %arg8[%swap3A_382, %swap3A_383, %swap3A_384], %swap3A_387 {add = true, strides = array<i32>} : memref<4x40x512xf32, #tpu.memory_space<vmem>>, vector<1x1x16xf32>,
          %get3A_388 = arith.index_cast %scan3A_235 : i32 to index
          %get3A_389 = arith.constant 224 : index
          %get3A_390 = tpu.vector_load %arg7[%get3A_388, %get3A_389] {strides = array<i32>} : memref<40x512xf32, #tpu.memory_space<vmem>>, vector<1x16xf32>,
          %get3A_391 = vector.shape_cast %get3A_390 : vector<1x16xf32> to vector<16xf32>
          %swap3A_392 = arith.constant 1 : i32
          %swap3A_393 = arith.index_cast %swap3A_392 : i32 to index
          %swap3A_394 = arith.index_cast %scan3A_235 : i32 to index
          %swap3A_395 = arith.constant 224 : index
          %swap3A_396 = tpu.vector_load %arg8[%swap3A_393, %swap3A_394, %swap3A_395] {strides = array<i32>} : memref<4x40x512xf32, #tpu.memory_space<vmem>>, vector<1x1x16xf32>,
          %swap3A_397 = vector.shape_cast %swap3A_396 : vector<1x1x16xf32> to vector<16xf32>
          %swap3A_398 = vector.shape_cast %get3A_391 : vector<16xf32> to vector<1x1x16xf32>
          tpu.vector_store %arg8[%swap3A_393, %swap3A_394, %swap3A_395], %swap3A_398 {add = true, strides = array<i32>} : memref<4x40x512xf32, #tpu.memory_space<vmem>>, vector<1x1x16xf32>,
          %get3A_399 = arith.index_cast %scan3A_235 : i32 to index
          %get3A_400 = arith.constant 240 : index
          %get3A_401 = tpu.vector_load %arg7[%get3A_399, %get3A_400] {strides = array<i32>} : memref<40x512xf32, #tpu.memory_space<vmem>>, vector<1x16xf32>,
          %get3A_402 = vector.shape_cast %get3A_401 : vector<1x16xf32> to vector<16xf32>
          %swap3A_403 = arith.constant 1 : i32
          %swap3A_404 = arith.index_cast %swap3A_403 : i32 to index
          %swap3A_405 = arith.index_cast %scan3A_235 : i32 to index
          %swap3A_406 = arith.constant 240 : index
          %swap3A_407 = tpu.vector_load %arg8[%swap3A_404, %swap3A_405, %swap3A_406] {strides = array<i32>} : memref<4x40x512xf32, #tpu.memory_space<vmem>>, vector<1x1x16xf32>,
          %swap3A_408 = vector.shape_cast %swap3A_407 : vector<1x1x16xf32> to vector<16xf32>
          %swap3A_409 = vector.shape_cast %get3A_402 : vector<16xf32> to vector<1x1x16xf32>
          tpu.vector_store %arg8[%swap3A_404, %swap3A_405, %swap3A_406], %swap3A_409 {add = true, strides = array<i32>} : memref<4x40x512xf32, #tpu.memory_space<vmem>>, vector<1x1x16xf32>,
          %get3A_410 = arith.index_cast %scan3A_235 : i32 to index
          %get3A_411 = arith.constant 256 : index
          %get3A_412 = tpu.vector_load %arg7[%get3A_410, %get3A_411] {strides = array<i32>} : memref<40x512xf32, #tpu.memory_space<vmem>>, vector<1x16xf32>,
          %get3A_413 = vector.shape_cast %get3A_412 : vector<1x16xf32> to vector<16xf32>
          %swap3A_414 = arith.constant 1 : i32
          %swap3A_415 = arith.index_cast %swap3A_414 : i32 to index
          %swap3A_416 = arith.index_cast %scan3A_235 : i32 to index
          %swap3A_417 = arith.constant 256 : index
          %swap3A_418 = tpu.vector_load %arg8[%swap3A_415, %swap3A_416, %swap3A_417] {strides = array<i32>} : memref<4x40x512xf32, #tpu.memory_space<vmem>>, vector<1x1x16xf32>,
          %swap3A_419 = vector.shape_cast %swap3A_418 : vector<1x1x16xf32> to vector<16xf32>
          %swap3A_420 = vector.shape_cast %get3A_413 : vector<16xf32> to vector<1x1x16xf32>
          tpu.vector_store %arg8[%swap3A_415, %swap3A_416, %swap3A_417], %swap3A_420 {add = true, strides = array<i32>} : memref<4x40x512xf32, #tpu.memory_space<vmem>>, vector<1x1x16xf32>,
          %get3A_421 = arith.index_cast %scan3A_235 : i32 to index
          %get3A_422 = arith.constant 272 : index
          %get3A_423 = tpu.vector_load %arg7[%get3A_421, %get3A_422] {strides = array<i32>} : memref<40x512xf32, #tpu.memory_space<vmem>>, vector<1x16xf32>,
          %get3A_424 = vector.shape_cast %get3A_423 : vector<1x16xf32> to vector<16xf32>
          %swap3A_425 = arith.constant 1 : i32
          %swap3A_426 = arith.index_cast %swap3A_425 : i32 to index
          %swap3A_427 = arith.index_cast %scan3A_235 : i32 to index
          %swap3A_428 = arith.constant 272 : index
          %swap3A_429 = tpu.vector_load %arg8[%swap3A_426, %swap3A_427, %swap3A_428] {strides = array<i32>} : memref<4x40x512xf32, #tpu.memory_space<vmem>>, vector<1x1x16xf32>,
          %swap3A_430 = vector.shape_cast %swap3A_429 : vector<1x1x16xf32> to vector<16xf32>
          %swap3A_431 = vector.shape_cast %get3A_424 : vector<16xf32> to vector<1x1x16xf32>
          tpu.vector_store %arg8[%swap3A_426, %swap3A_427, %swap3A_428], %swap3A_431 {add = true, strides = array<i32>} : memref<4x40x512xf32, #tpu.memory_space<vmem>>, vector<1x1x16xf32>,
          %get3A_432 = arith.index_cast %scan3A_235 : i32 to index
          %get3A_433 = arith.constant 288 : index
          %get3A_434 = tpu.vector_load %arg7[%get3A_432, %get3A_433] {strides = array<i32>} : memref<40x512xf32, #tpu.memory_space<vmem>>, vector<1x16xf32>,
          %get3A_435 = vector.shape_cast %get3A_434 : vector<1x16xf32> to vector<16xf32>
          %swap3A_436 = arith.constant 1 : i32
          %swap3A_437 = arith.index_cast %swap3A_436 : i32 to index
          %swap3A_438 = arith.index_cast %scan3A_235 : i32 to index
          %swap3A_439 = arith.constant 288 : index
          %swap3A_440 = tpu.vector_load %arg8[%swap3A_437, %swap3A_438, %swap3A_439] {strides = array<i32>} : memref<4x40x512xf32, #tpu.memory_space<vmem>>, vector<1x1x16xf32>,
          %swap3A_441 = vector.shape_cast %swap3A_440 : vector<1x1x16xf32> to vector<16xf32>
          %swap3A_442 = vector.shape_cast %get3A_435 : vector<16xf32> to vector<1x1x16xf32>
          tpu.vector_store %arg8[%swap3A_437, %swap3A_438, %swap3A_439], %swap3A_442 {add = true, strides = array<i32>} : memref<4x40x512xf32, #tpu.memory_space<vmem>>, vector<1x1x16xf32>,
          %get3A_443 = arith.index_cast %scan3A_235 : i32 to index
          %get3A_444 = arith.constant 304 : index
          %get3A_445 = tpu.vector_load %arg7[%get3A_443, %get3A_444] {strides = array<i32>} : memref<40x512xf32, #tpu.memory_space<vmem>>, vector<1x16xf32>,
          %get3A_446 = vector.shape_cast %get3A_445 : vector<1x16xf32> to vector<16xf32>
          %swap3A_447 = arith.constant 1 : i32
          %swap3A_448 = arith.index_cast %swap3A_447 : i32 to index
          %swap3A_449 = arith.index_cast %scan3A_235 : i32 to index
          %swap3A_450 = arith.constant 304 : index
          %swap3A_451 = tpu.vector_load %arg8[%swap3A_448, %swap3A_449, %swap3A_450] {strides = array<i32>} : memref<4x40x512xf32, #tpu.memory_space<vmem>>, vector<1x1x16xf32>,
          %swap3A_452 = vector.shape_cast %swap3A_451 : vector<1x1x16xf32> to vector<16xf32>
          %swap3A_453 = vector.shape_cast %get3A_446 : vector<16xf32> to vector<1x1x16xf32>
          tpu.vector_store %arg8[%swap3A_448, %swap3A_449, %swap3A_450], %swap3A_453 {add = true, strides = array<i32>} : memref<4x40x512xf32, #tpu.memory_space<vmem>>, vector<1x1x16xf32>,
          %get3A_454 = arith.index_cast %scan3A_235 : i32 to index
          %get3A_455 = arith.constant 320 : index
          %get3A_456 = tpu.vector_load %arg7[%get3A_454, %get3A_455] {strides = array<i32>} : memref<40x512xf32, #tpu.memory_space<vmem>>, vector<1x16xf32>,
          %get3A_457 = vector.shape_cast %get3A_456 : vector<1x16xf32> to vector<16xf32>
          %swap3A_458 = arith.constant 1 : i32
          %swap3A_459 = arith.index_cast %swap3A_458 : i32 to index
          %swap3A_460 = arith.index_cast %scan3A_235 : i32 to index
          %swap3A_461 = arith.constant 320 : index
          %swap3A_462 = tpu.vector_load %arg8[%swap3A_459, %swap3A_460, %swap3A_461] {strides = array<i32>} : memref<4x40x512xf32, #tpu.memory_space<vmem>>, vector<1x1x16xf32>,
          %swap3A_463 = vector.shape_cast %swap3A_462 : vector<1x1x16xf32> to vector<16xf32>
          %swap3A_464 = vector.shape_cast %get3A_457 : vector<16xf32> to vector<1x1x16xf32>
          tpu.vector_store %arg8[%swap3A_459, %swap3A_460, %swap3A_461], %swap3A_464 {add = true, strides = array<i32>} : memref<4x40x512xf32, #tpu.memory_space<vmem>>, vector<1x1x16xf32>,
          %get3A_465 = arith.index_cast %scan3A_235 : i32 to index
          %get3A_466 = arith.constant 336 : index
          %get3A_467 = tpu.vector_load %arg7[%get3A_465, %get3A_466] {strides = array<i32>} : memref<40x512xf32, #tpu.memory_space<vmem>>, vector<1x16xf32>,
          %get3A_468 = vector.shape_cast %get3A_467 : vector<1x16xf32> to vector<16xf32>
          %swap3A_469 = arith.constant 1 : i32
          %swap3A_470 = arith.index_cast %swap3A_469 : i32 to index
          %swap3A_471 = arith.index_cast %scan3A_235 : i32 to index
          %swap3A_472 = arith.constant 336 : index
          %swap3A_473 = tpu.vector_load %arg8[%swap3A_470, %swap3A_471, %swap3A_472] {strides = array<i32>} : memref<4x40x512xf32, #tpu.memory_space<vmem>>, vector<1x1x16xf32>,
          %swap3A_474 = vector.shape_cast %swap3A_473 : vector<1x1x16xf32> to vector<16xf32>
          %swap3A_475 = vector.shape_cast %get3A_468 : vector<16xf32> to vector<1x1x16xf32>
          tpu.vector_store %arg8[%swap3A_470, %swap3A_471, %swap3A_472], %swap3A_475 {add = true, strides = array<i32>} : memref<4x40x512xf32, #tpu.memory_space<vmem>>, vector<1x1x16xf32>,
          %get3A_476 = arith.index_cast %scan3A_235 : i32 to index
          %get3A_477 = arith.constant 352 : index
          %get3A_478 = tpu.vector_load %arg7[%get3A_476, %get3A_477] {strides = array<i32>} : memref<40x512xf32, #tpu.memory_space<vmem>>, vector<1x16xf32>,
          %get3A_479 = vector.shape_cast %get3A_478 : vector<1x16xf32> to vector<16xf32>
          %swap3A_480 = arith.constant 1 : i32
          %swap3A_481 = arith.index_cast %swap3A_480 : i32 to index
          %swap3A_482 = arith.index_cast %scan3A_235 : i32 to index
          %swap3A_483 = arith.constant 352 : index
          %swap3A_484 = tpu.vector_load %arg8[%swap3A_481, %swap3A_482, %swap3A_483] {strides = array<i32>} : memref<4x40x512xf32, #tpu.memory_space<vmem>>, vector<1x1x16xf32>,
          %swap3A_485 = vector.shape_cast %swap3A_484 : vector<1x1x16xf32> to vector<16xf32>
          %swap3A_486 = vector.shape_cast %get3A_479 : vector<16xf32> to vector<1x1x16xf32>
          tpu.vector_store %arg8[%swap3A_481, %swap3A_482, %swap3A_483], %swap3A_486 {add = true, strides = array<i32>} : memref<4x40x512xf32, #tpu.memory_space<vmem>>, vector<1x1x16xf32>,
          %get3A_487 = arith.index_cast %scan3A_235 : i32 to index
          %get3A_488 = arith.constant 368 : index
          %get3A_489 = tpu.vector_load %arg7[%get3A_487, %get3A_488] {strides = array<i32>} : memref<40x512xf32, #tpu.memory_space<vmem>>, vector<1x16xf32>,
          %get3A_490 = vector.shape_cast %get3A_489 : vector<1x16xf32> to vector<16xf32>
          %swap3A_491 = arith.constant 1 : i32
          %swap3A_492 = arith.index_cast %swap3A_491 : i32 to index
          %swap3A_493 = arith.index_cast %scan3A_235 : i32 to index
          %swap3A_494 = arith.constant 368 : index
          %swap3A_495 = tpu.vector_load %arg8[%swap3A_492, %swap3A_493, %swap3A_494] {strides = array<i32>} : memref<4x40x512xf32, #tpu.memory_space<vmem>>, vector<1x1x16xf32>,
          %swap3A_496 = vector.shape_cast %swap3A_495 : vector<1x1x16xf32> to vector<16xf32>
          %swap3A_497 = vector.shape_cast %get3A_490 : vector<16xf32> to vector<1x1x16xf32>
          tpu.vector_store %arg8[%swap3A_492, %swap3A_493, %swap3A_494], %swap3A_497 {add = true, strides = array<i32>} : memref<4x40x512xf32, #tpu.memory_space<vmem>>, vector<1x1x16xf32>,
          %get3A_498 = arith.index_cast %scan3A_235 : i32 to index
          %get3A_499 = arith.constant 384 : index
          %get3A_500 = tpu.vector_load %arg7[%get3A_498, %get3A_499] {strides = array<i32>} : memref<40x512xf32, #tpu.memory_space<vmem>>, vector<1x16xf32>,
          %get3A_501 = vector.shape_cast %get3A_500 : vector<1x16xf32> to vector<16xf32>
          %swap3A_502 = arith.constant 1 : i32
          %swap3A_503 = arith.index_cast %swap3A_502 : i32 to index
          %swap3A_504 = arith.index_cast %scan3A_235 : i32 to index
          %swap3A_505 = arith.constant 384 : index
          %swap3A_506 = tpu.vector_load %arg8[%swap3A_503, %swap3A_504, %swap3A_505] {strides = array<i32>} : memref<4x40x512xf32, #tpu.memory_space<vmem>>, vector<1x1x16xf32>,
          %swap3A_507 = vector.shape_cast %swap3A_506 : vector<1x1x16xf32> to vector<16xf32>
          %swap3A_508 = vector.shape_cast %get3A_501 : vector<16xf32> to vector<1x1x16xf32>
          tpu.vector_store %arg8[%swap3A_503, %swap3A_504, %swap3A_505], %swap3A_508 {add = true, strides = array<i32>} : memref<4x40x512xf32, #tpu.memory_space<vmem>>, vector<1x1x16xf32>,
          %get3A_509 = arith.index_cast %scan3A_235 : i32 to index
          %get3A_510 = arith.constant 400 : index
          %get3A_511 = tpu.vector_load %arg7[%get3A_509, %get3A_510] {strides = array<i32>} : memref<40x512xf32, #tpu.memory_space<vmem>>, vector<1x16xf32>,
          %get3A_512 = vector.shape_cast %get3A_511 : vector<1x16xf32> to vector<16xf32>
          %swap3A_513 = arith.constant 1 : i32
          %swap3A_514 = arith.index_cast %swap3A_513 : i32 to index
          %swap3A_515 = arith.index_cast %scan3A_235 : i32 to index
          %swap3A_516 = arith.constant 400 : index
          %swap3A_517 = tpu.vector_load %arg8[%swap3A_514, %swap3A_515, %swap3A_516] {strides = array<i32>} : memref<4x40x512xf32, #tpu.memory_space<vmem>>, vector<1x1x16xf32>,
          %swap3A_518 = vector.shape_cast %swap3A_517 : vector<1x1x16xf32> to vector<16xf32>
          %swap3A_519 = vector.shape_cast %get3A_512 : vector<16xf32> to vector<1x1x16xf32>
          tpu.vector_store %arg8[%swap3A_514, %swap3A_515, %swap3A_516], %swap3A_519 {add = true, strides = array<i32>} : memref<4x40x512xf32, #tpu.memory_space<vmem>>, vector<1x1x16xf32>,
          %get3A_520 = arith.index_cast %scan3A_235 : i32 to index
          %get3A_521 = arith.constant 416 : index
          %get3A_522 = tpu.vector_load %arg7[%get3A_520, %get3A_521] {strides = array<i32>} : memref<40x512xf32, #tpu.memory_space<vmem>>, vector<1x16xf32>,
          %get3A_523 = vector.shape_cast %get3A_522 : vector<1x16xf32> to vector<16xf32>
          %swap3A_524 = arith.constant 1 : i32
          %swap3A_525 = arith.index_cast %swap3A_524 : i32 to index
          %swap3A_526 = arith.index_cast %scan3A_235 : i32 to index
          %swap3A_527 = arith.constant 416 : index
          %swap3A_528 = tpu.vector_load %arg8[%swap3A_525, %swap3A_526, %swap3A_527] {strides = array<i32>} : memref<4x40x512xf32, #tpu.memory_space<vmem>>, vector<1x1x16xf32>,
          %swap3A_529 = vector.shape_cast %swap3A_528 : vector<1x1x16xf32> to vector<16xf32>
          %swap3A_530 = vector.shape_cast %get3A_523 : vector<16xf32> to vector<1x1x16xf32>
          tpu.vector_store %arg8[%swap3A_525, %swap3A_526, %swap3A_527], %swap3A_530 {add = true, strides = array<i32>} : memref<4x40x512xf32, #tpu.memory_space<vmem>>, vector<1x1x16xf32>,
          %get3A_531 = arith.index_cast %scan3A_235 : i32 to index
          %get3A_532 = arith.constant 432 : index
          %get3A_533 = tpu.vector_load %arg7[%get3A_531, %get3A_532] {strides = array<i32>} : memref<40x512xf32, #tpu.memory_space<vmem>>, vector<1x16xf32>,
          %get3A_534 = vector.shape_cast %get3A_533 : vector<1x16xf32> to vector<16xf32>
          %swap3A_535 = arith.constant 1 : i32
          %swap3A_536 = arith.index_cast %swap3A_535 : i32 to index
          %swap3A_537 = arith.index_cast %scan3A_235 : i32 to index
          %swap3A_538 = arith.constant 432 : index
          %swap3A_539 = tpu.vector_load %arg8[%swap3A_536, %swap3A_537, %swap3A_538] {strides = array<i32>} : memref<4x40x512xf32, #tpu.memory_space<vmem>>, vector<1x1x16xf32>,
          %swap3A_540 = vector.shape_cast %swap3A_539 : vector<1x1x16xf32> to vector<16xf32>
          %swap3A_541 = vector.shape_cast %get3A_534 : vector<16xf32> to vector<1x1x16xf32>
          tpu.vector_store %arg8[%swap3A_536, %swap3A_537, %swap3A_538], %swap3A_541 {add = true, strides = array<i32>} : memref<4x40x512xf32, #tpu.memory_space<vmem>>, vector<1x1x16xf32>,
          %get3A_542 = arith.index_cast %scan3A_235 : i32 to index
          %get3A_543 = arith.constant 448 : index
          %get3A_544 = tpu.vector_load %arg7[%get3A_542, %get3A_543] {strides = array<i32>} : memref<40x512xf32, #tpu.memory_space<vmem>>, vector<1x16xf32>,
          %get3A_545 = vector.shape_cast %get3A_544 : vector<1x16xf32> to vector<16xf32>
          %swap3A_546 = arith.constant 1 : i32
          %swap3A_547 = arith.index_cast %swap3A_546 : i32 to index
          %swap3A_548 = arith.index_cast %scan3A_235 : i32 to index
          %swap3A_549 = arith.constant 448 : index
          %swap3A_550 = tpu.vector_load %arg8[%swap3A_547, %swap3A_548, %swap3A_549] {strides = array<i32>} : memref<4x40x512xf32, #tpu.memory_space<vmem>>, vector<1x1x16xf32>,
          %swap3A_551 = vector.shape_cast %swap3A_550 : vector<1x1x16xf32> to vector<16xf32>
          %swap3A_552 = vector.shape_cast %get3A_545 : vector<16xf32> to vector<1x1x16xf32>
          tpu.vector_store %arg8[%swap3A_547, %swap3A_548, %swap3A_549], %swap3A_552 {add = true, strides = array<i32>} : memref<4x40x512xf32, #tpu.memory_space<vmem>>, vector<1x1x16xf32>,
          %get3A_553 = arith.index_cast %scan3A_235 : i32 to index
          %get3A_554 = arith.constant 464 : index
          %get3A_555 = tpu.vector_load %arg7[%get3A_553, %get3A_554] {strides = array<i32>} : memref<40x512xf32, #tpu.memory_space<vmem>>, vector<1x16xf32>,
          %get3A_556 = vector.shape_cast %get3A_555 : vector<1x16xf32> to vector<16xf32>
          %swap3A_557 = arith.constant 1 : i32
          %swap3A_558 = arith.index_cast %swap3A_557 : i32 to index
          %swap3A_559 = arith.index_cast %scan3A_235 : i32 to index
          %swap3A_560 = arith.constant 464 : index
          %swap3A_561 = tpu.vector_load %arg8[%swap3A_558, %swap3A_559, %swap3A_560] {strides = array<i32>} : memref<4x40x512xf32, #tpu.memory_space<vmem>>, vector<1x1x16xf32>,
          %swap3A_562 = vector.shape_cast %swap3A_561 : vector<1x1x16xf32> to vector<16xf32>
          %swap3A_563 = vector.shape_cast %get3A_556 : vector<16xf32> to vector<1x1x16xf32>
          tpu.vector_store %arg8[%swap3A_558, %swap3A_559, %swap3A_560], %swap3A_563 {add = true, strides = array<i32>} : memref<4x40x512xf32, #tpu.memory_space<vmem>>, vector<1x1x16xf32>,
          %get3A_564 = arith.index_cast %scan3A_235 : i32 to index
          %get3A_565 = arith.constant 480 : index
          %get3A_566 = tpu.vector_load %arg7[%get3A_564, %get3A_565] {strides = array<i32>} : memref<40x512xf32, #tpu.memory_space<vmem>>, vector<1x16xf32>,
          %get3A_567 = vector.shape_cast %get3A_566 : vector<1x16xf32> to vector<16xf32>
          %swap3A_568 = arith.constant 1 : i32
          %swap3A_569 = arith.index_cast %swap3A_568 : i32 to index
          %swap3A_570 = arith.index_cast %scan3A_235 : i32 to index
          %swap3A_571 = arith.constant 480 : index
          %swap3A_572 = tpu.vector_load %arg8[%swap3A_569, %swap3A_570, %swap3A_571] {strides = array<i32>} : memref<4x40x512xf32, #tpu.memory_space<vmem>>, vector<1x1x16xf32>,
          %swap3A_573 = vector.shape_cast %swap3A_572 : vector<1x1x16xf32> to vector<16xf32>
          %swap3A_574 = vector.shape_cast %get3A_567 : vector<16xf32> to vector<1x1x16xf32>
          tpu.vector_store %arg8[%swap3A_569, %swap3A_570, %swap3A_571], %swap3A_574 {add = true, strides = array<i32>} : memref<4x40x512xf32, #tpu.memory_space<vmem>>, vector<1x1x16xf32>,
          %get3A_575 = arith.index_cast %scan3A_235 : i32 to index
          %get3A_576 = arith.constant 496 : index
          %get3A_577 = tpu.vector_load %arg7[%get3A_575, %get3A_576] {strides = array<i32>} : memref<40x512xf32, #tpu.memory_space<vmem>>, vector<1x16xf32>,
          %get3A_578 = vector.shape_cast %get3A_577 : vector<1x16xf32> to vector<16xf32>
          %swap3A_579 = arith.constant 1 : i32
          %swap3A_580 = arith.index_cast %swap3A_579 : i32 to index
          %swap3A_581 = arith.index_cast %scan3A_235 : i32 to index
          %swap3A_582 = arith.constant 496 : index
          %swap3A_583 = tpu.vector_load %arg8[%swap3A_580, %swap3A_581, %swap3A_582] {strides = array<i32>} : memref<4x40x512xf32, #tpu.memory_space<vmem>>, vector<1x1x16xf32>,
          %swap3A_584 = vector.shape_cast %swap3A_583 : vector<1x1x16xf32> to vector<16xf32>
          %swap3A_585 = vector.shape_cast %get3A_578 : vector<16xf32> to vector<1x1x16xf32>
          tpu.vector_store %arg8[%swap3A_580, %swap3A_581, %swap3A_582], %swap3A_585 {add = true, strides = array<i32>} : memref<4x40x512xf32, #tpu.memory_space<vmem>>, vector<1x1x16xf32>,
        }
        %scan3A_129 = arith.constant 40 : i32
        %add3A_130 = arith.addi %mul3A_2, %add3A_113 : i32
        %dma_start3A_131 = arith.constant 1 : i32
        %dma_start3A_132 = arith.constant 0 : i32
        %dma_start3A_133 = arith.constant 0 : i32
        %dma_start3A_134 = tpu.memref_slice %arg8[%dma_start3A_131, %dma_start3A_132, %dma_start3A_133] : memref<4x40x512xf32, #tpu.memory_space<vmem>> -> memref<1x40x512xf32, #tpu.memory_space<vmem>>
        %dma_start3A_135 = tpu.memref_squeeze %dma_start3A_134 : memref<1x40x512xf32, #tpu.memory_space<vmem>> -> memref<40x512xf32, #tpu.memory_space<vmem>>
        %dma_start3A_136 = arith.constant 0 : i32
        %dma_start3A_137 = tpu.memref_slice %arg5[%add3A_130, %mul3A_10, %dma_start3A_136] : memref<1024x200x512xf32, #tpu.memory_space<hbm>> -> memref<1x40x512xf32, #tpu.memory_space<hbm>>
        %dma_start3A_138 = tpu.memref_squeeze %dma_start3A_137 : memref<1x40x512xf32, #tpu.memory_space<hbm>> -> memref<40x512xf32, #tpu.memory_space<hbm>>
        %dma_start3A_139 = arith.constant 0 : i32
        %dma_start3A_140 = tpu.memref_slice %arg5[%add3A_130, %mul3A_10, %dma_start3A_139] : memref<1024x200x512xf32, #tpu.memory_space<hbm>> -> memref<1x40x512xf32, #tpu.memory_space<hbm>>
        %dma_start3A_141 = tpu.memref_squeeze %dma_start3A_140 : memref<1x40x512xf32, #tpu.memory_space<hbm>> -> memref<40x512xf32, #tpu.memory_space<hbm>>
        %dma_start3A_142 = arith.constant 0 : i32
        %dma_start3A_143 = arith.constant 0 : i32
        %dma_start3A_144 = tpu.memref_slice %arg8[%dma_start3A_131, %dma_start3A_142, %dma_start3A_143] : memref<4x40x512xf32, #tpu.memory_space<vmem>> -> memref<1x40x512xf32, #tpu.memory_space<vmem>>
        %dma_start3A_145 = tpu.memref_squeeze %dma_start3A_144 : memref<1x40x512xf32, #tpu.memory_space<vmem>> -> memref<40x512xf32, #tpu.memory_space<vmem>>
        tpu.enqueue_dma source(%dma_start3A_145 : memref<40x512xf32, #tpu.memory_space<vmem>>) target(%dma_start3A_141 : memref<40x512xf32, #tpu.memory_space<hbm>>) target_semaphore(%arg14 : memref<!tpu.dma_semaphore, #tpu.memory_space<semaphore_mem>>)
        %add3A_146 = arith.constant 2 : i32
        %add3A_147 = arith.addi %add3A_113, %add3A_146 : i32
        %lt3A_148 = arith.constant 32 : i32
        %lt3A_149 = arith.cmpi slt, %add3A_147, %lt3A_148 : i32
        %convert_element_type3A_150 = arith.extui %lt3A_149 : i1 to i32
        %cond3A_151 = arith.constant 0 : i32
        %cond3A_152 = arith.cmpi ne, %convert_element_type3A_150, %cond3A_151 : i32
        scf.if %cond3A_152 {
          %sub3A = arith.constant 4 : i32
          %sub3A_235 = arith.subi %add3A_147, %sub3A : i32
          %ge3A = arith.constant 0 : i32
          %ge3A_236 = arith.cmpi sge, %sub3A_235, %ge3A : i32
          %convert_element_type3A_237 = arith.extui %ge3A_236 : i1 to i32
          %cond3A_238 = arith.constant 0 : i32
          %cond3A_239 = arith.cmpi ne, %convert_element_type3A_237, %cond3A_238 : i32
          scf.if %cond3A_239 {
            %add3A_250 = arith.addi %mul3A_2, %sub3A_235 : i32
            %dma_wait3A_251 = arith.constant 3 : i32
            %dma_wait3A_252 = arith.constant 0 : i32
            %dma_wait3A_253 = arith.constant 0 : i32
            %dma_wait3A_254 = tpu.memref_slice %arg8[%dma_wait3A_251, %dma_wait3A_252, %dma_wait3A_253] : memref<4x40x512xf32, #tpu.memory_space<vmem>> -> memref<1x40x512xf32, #tpu.memory_space<vmem>>
            %dma_wait3A_255 = tpu.memref_squeeze %dma_wait3A_254 : memref<1x40x512xf32, #tpu.memory_space<vmem>> -> memref<40x512xf32, #tpu.memory_space<vmem>>
            %dma_wait3A_256 = arith.constant 0 : i32
            %dma_wait3A_257 = tpu.memref_slice %arg5[%add3A_250, %mul3A_10, %dma_wait3A_256] : memref<1024x200x512xf32, #tpu.memory_space<hbm>> -> memref<1x40x512xf32, #tpu.memory_space<hbm>>
            %dma_wait3A_258 = tpu.memref_squeeze %dma_wait3A_257 : memref<1x40x512xf32, #tpu.memory_space<hbm>> -> memref<40x512xf32, #tpu.memory_space<hbm>>
            %dma_wait3A_259 = arith.constant 0 : i32
            %dma_wait3A_260 = tpu.memref_slice %arg5[%add3A_250, %mul3A_10, %dma_wait3A_259] : memref<1024x200x512xf32, #tpu.memory_space<hbm>> -> memref<1x40x512xf32, #tpu.memory_space<hbm>>
            %dma_wait3A_261 = tpu.memref_squeeze %dma_wait3A_260 : memref<1x40x512xf32, #tpu.memory_space<hbm>> -> memref<40x512xf32, #tpu.memory_space<hbm>>
            %dma_wait3A_262 = arith.constant 0 : i32
            %dma_wait3A_263 = arith.constant 0 : i32
            %dma_wait3A_264 = tpu.memref_slice %arg8[%dma_wait3A_251, %dma_wait3A_262, %dma_wait3A_263] : memref<4x40x512xf32, #tpu.memory_space<vmem>> -> memref<1x40x512xf32, #tpu.memory_space<vmem>>
            %dma_wait3A_265 = tpu.memref_squeeze %dma_wait3A_264 : memref<1x40x512xf32, #tpu.memory_space<vmem>> -> memref<40x512xf32, #tpu.memory_space<vmem>>
            tpu.wait_dma2 semaphore(%arg16 : memref<!tpu.dma_semaphore, #tpu.memory_space<semaphore_mem>>) src(%dma_wait3A_265 : memref<40x512xf32, #tpu.memory_space<vmem>>) dst(%dma_wait3A_261 : memref<40x512xf32, #tpu.memory_space<hbm>>)
          } else {
          }
          %dma_start3A_240 = arith.constant 3 : i32
          %dma_start3A_241 = arith.constant 0 : i32
          %dma_start3A_242 = arith.constant 0 : i32
          %dma_start3A_243 = tpu.memref_slice %arg8[%dma_start3A_240, %dma_start3A_241, %dma_start3A_242] : memref<4x40x512xf32, #tpu.memory_space<vmem>> -> memref<1x40x512xf32, #tpu.memory_space<vmem>>
          %dma_start3A_244 = tpu.memref_squeeze %dma_start3A_243 : memref<1x40x512xf32, #tpu.memory_space<vmem>> -> memref<40x512xf32, #tpu.memory_space<vmem>>
          %dma_start3A_245 = tpu.memref_slice %arg6[%add3A_147, %mul3A_10] : memref<32x200xi32, #tpu.memory_space<vmem>> -> memref<1x40xi32, #tpu.memory_space<vmem>>
          %dma_start3A_246 = tpu.memref_squeeze %dma_start3A_245 : memref<1x40xi32, #tpu.memory_space<vmem>> -> memref<40xi32, #tpu.memory_space<vmem>>
          %dma_start3A_247 = arith.constant 0 : i32
          %dma_start3A_248 = arith.constant 0 : i32
          %dma_start3A_249 = tpu.memref_slice %arg2[%dma_start3A_247, %dma_start3A_248] : memref<1000x512xf32, #tpu.memory_space<hbm>> -> memref<1000x512xf32, #tpu.memory_space<hbm>>
          tpu.enqueue_indirect_dma source(%dma_start3A_249 : memref<1000x512xf32, #tpu.memory_space<hbm>>) target(%dma_start3A_244 : memref<40x512xf32, #tpu.memory_space<vmem>>) offsets(%dma_start3A_246 : memref<40xi32, #tpu.memory_space<vmem>>) semaphore(%arg12 : memref<!tpu.dma_semaphore, #tpu.memory_space<semaphore_mem>>)
        } else {
        }
        %add3A_153 = arith.constant 2 : i32
        %add3A_154 = arith.addi %mul3A_73, %add3A_153 : i32
        %dma_wait3A_155 = arith.constant 2 : i32
        %dma_wait3A_156 = arith.constant 0 : i32
        %dma_wait3A_157 = arith.constant 0 : i32
        %dma_wait3A_158 = tpu.memref_slice %arg8[%dma_wait3A_155, %dma_wait3A_156, %dma_wait3A_157] : memref<4x40x512xf32, #tpu.memory_space<vmem>> -> memref<1x40x512xf32, #tpu.memory_space<vmem>>
        %dma_wait3A_159 = tpu.memref_squeeze %dma_wait3A_158 : memref<1x40x512xf32, #tpu.memory_space<vmem>> -> memref<40x512xf32, #tpu.memory_space<vmem>>
        %dma_wait3A_160 = tpu.memref_slice %arg6[%add3A_154, %mul3A_10] : memref<32x200xi32, #tpu.memory_space<vmem>> -> memref<1x40xi32, #tpu.memory_space<vmem>>
        %dma_wait3A_161 = tpu.memref_squeeze %dma_wait3A_160 : memref<1x40xi32, #tpu.memory_space<vmem>> -> memref<40xi32, #tpu.memory_space<vmem>>
        %dma_wait3A_162 = arith.constant 0 : i32
        %dma_wait3A_163 = arith.constant 0 : i32
        %dma_wait3A_164 = tpu.memref_slice %arg2[%dma_wait3A_162, %dma_wait3A_163] : memref<1000x512xf32, #tpu.memory_space<hbm>> -> memref<1000x512xf32, #tpu.memory_space<hbm>>
        tpu.wait_indirect_dma semaphore(%arg11 : memref<!tpu.dma_semaphore, #tpu.memory_space<semaphore_mem>>) src(%dma_wait3A_164 : memref<1000x512xf32, #tpu.memory_space<hbm>>) dst(%dma_wait3A_159 : memref<40x512xf32, #tpu.memory_space<vmem>>)
        %scan3A_165 = arith.constant 0 : i32
        %scan3A_166 = arith.constant 0 : i32
        %scan3A_167 = arith.constant 40 : i32
        %scan3A_168 = arith.addi %scan3A_166, %scan3A_167 : i32
        %scan3A_169 = arith.constant 1 : i32
        scf.for %scan3A_235 = %scan3A_166 to %scan3A_168 step %scan3A_169  : i32 {
          %get3A = arith.index_cast %scan3A_235 : i32 to index
          %get3A_236 = arith.constant 0 : index
          %get3A_237 = tpu.vector_load %arg7[%get3A, %get3A_236] {strides = array<i32>} : memref<40x512xf32, #tpu.memory_space<vmem>>, vector<1x16xf32>,
          %get3A_238 = vector.shape_cast %get3A_237 : vector<1x16xf32> to vector<16xf32>
          %swap3A = arith.constant 2 : i32
          %swap3A_239 = arith.index_cast %swap3A : i32 to index
          %swap3A_240 = arith.index_cast %scan3A_235 : i32 to index
          %swap3A_241 = arith.constant 0 : index
          %swap3A_242 = tpu.vector_load %arg8[%swap3A_239, %swap3A_240, %swap3A_241] {strides = array<i32>} : memref<4x40x512xf32, #tpu.memory_space<vmem>>, vector<1x1x16xf32>,
          %swap3A_243 = vector.shape_cast %swap3A_242 : vector<1x1x16xf32> to vector<16xf32>
          %swap3A_244 = vector.shape_cast %get3A_238 : vector<16xf32> to vector<1x1x16xf32>
          tpu.vector_store %arg8[%swap3A_239, %swap3A_240, %swap3A_241], %swap3A_244 {add = true, strides = array<i32>} : memref<4x40x512xf32, #tpu.memory_space<vmem>>, vector<1x1x16xf32>,
          %get3A_245 = arith.index_cast %scan3A_235 : i32 to index
          %get3A_246 = arith.constant 16 : index
          %get3A_247 = tpu.vector_load %arg7[%get3A_245, %get3A_246] {strides = array<i32>} : memref<40x512xf32, #tpu.memory_space<vmem>>, vector<1x16xf32>,
          %get3A_248 = vector.shape_cast %get3A_247 : vector<1x16xf32> to vector<16xf32>
          %swap3A_249 = arith.constant 2 : i32
          %swap3A_250 = arith.index_cast %swap3A_249 : i32 to index
          %swap3A_251 = arith.index_cast %scan3A_235 : i32 to index
          %swap3A_252 = arith.constant 16 : index
          %swap3A_253 = tpu.vector_load %arg8[%swap3A_250, %swap3A_251, %swap3A_252] {strides = array<i32>} : memref<4x40x512xf32, #tpu.memory_space<vmem>>, vector<1x1x16xf32>,
          %swap3A_254 = vector.shape_cast %swap3A_253 : vector<1x1x16xf32> to vector<16xf32>
          %swap3A_255 = vector.shape_cast %get3A_248 : vector<16xf32> to vector<1x1x16xf32>
          tpu.vector_store %arg8[%swap3A_250, %swap3A_251, %swap3A_252], %swap3A_255 {add = true, strides = array<i32>} : memref<4x40x512xf32, #tpu.memory_space<vmem>>, vector<1x1x16xf32>,
          %get3A_256 = arith.index_cast %scan3A_235 : i32 to index
          %get3A_257 = arith.constant 32 : index
          %get3A_258 = tpu.vector_load %arg7[%get3A_256, %get3A_257] {strides = array<i32>} : memref<40x512xf32, #tpu.memory_space<vmem>>, vector<1x16xf32>,
          %get3A_259 = vector.shape_cast %get3A_258 : vector<1x16xf32> to vector<16xf32>
          %swap3A_260 = arith.constant 2 : i32
          %swap3A_261 = arith.index_cast %swap3A_260 : i32 to index
          %swap3A_262 = arith.index_cast %scan3A_235 : i32 to index
          %swap3A_263 = arith.constant 32 : index
          %swap3A_264 = tpu.vector_load %arg8[%swap3A_261, %swap3A_262, %swap3A_263] {strides = array<i32>} : memref<4x40x512xf32, #tpu.memory_space<vmem>>, vector<1x1x16xf32>,
          %swap3A_265 = vector.shape_cast %swap3A_264 : vector<1x1x16xf32> to vector<16xf32>
          %swap3A_266 = vector.shape_cast %get3A_259 : vector<16xf32> to vector<1x1x16xf32>
          tpu.vector_store %arg8[%swap3A_261, %swap3A_262, %swap3A_263], %swap3A_266 {add = true, strides = array<i32>} : memref<4x40x512xf32, #tpu.memory_space<vmem>>, vector<1x1x16xf32>,
          %get3A_267 = arith.index_cast %scan3A_235 : i32 to index
          %get3A_268 = arith.constant 48 : index
          %get3A_269 = tpu.vector_load %arg7[%get3A_267, %get3A_268] {strides = array<i32>} : memref<40x512xf32, #tpu.memory_space<vmem>>, vector<1x16xf32>,
          %get3A_270 = vector.shape_cast %get3A_269 : vector<1x16xf32> to vector<16xf32>
          %swap3A_271 = arith.constant 2 : i32
          %swap3A_272 = arith.index_cast %swap3A_271 : i32 to index
          %swap3A_273 = arith.index_cast %scan3A_235 : i32 to index
          %swap3A_274 = arith.constant 48 : index
          %swap3A_275 = tpu.vector_load %arg8[%swap3A_272, %swap3A_273, %swap3A_274] {strides = array<i32>} : memref<4x40x512xf32, #tpu.memory_space<vmem>>, vector<1x1x16xf32>,
          %swap3A_276 = vector.shape_cast %swap3A_275 : vector<1x1x16xf32> to vector<16xf32>
          %swap3A_277 = vector.shape_cast %get3A_270 : vector<16xf32> to vector<1x1x16xf32>
          tpu.vector_store %arg8[%swap3A_272, %swap3A_273, %swap3A_274], %swap3A_277 {add = true, strides = array<i32>} : memref<4x40x512xf32, #tpu.memory_space<vmem>>, vector<1x1x16xf32>,
          %get3A_278 = arith.index_cast %scan3A_235 : i32 to index
          %get3A_279 = arith.constant 64 : index
          %get3A_280 = tpu.vector_load %arg7[%get3A_278, %get3A_279] {strides = array<i32>} : memref<40x512xf32, #tpu.memory_space<vmem>>, vector<1x16xf32>,
          %get3A_281 = vector.shape_cast %get3A_280 : vector<1x16xf32> to vector<16xf32>
          %swap3A_282 = arith.constant 2 : i32
          %swap3A_283 = arith.index_cast %swap3A_282 : i32 to index
          %swap3A_284 = arith.index_cast %scan3A_235 : i32 to index
          %swap3A_285 = arith.constant 64 : index
          %swap3A_286 = tpu.vector_load %arg8[%swap3A_283, %swap3A_284, %swap3A_285] {strides = array<i32>} : memref<4x40x512xf32, #tpu.memory_space<vmem>>, vector<1x1x16xf32>,
          %swap3A_287 = vector.shape_cast %swap3A_286 : vector<1x1x16xf32> to vector<16xf32>
          %swap3A_288 = vector.shape_cast %get3A_281 : vector<16xf32> to vector<1x1x16xf32>
          tpu.vector_store %arg8[%swap3A_283, %swap3A_284, %swap3A_285], %swap3A_288 {add = true, strides = array<i32>} : memref<4x40x512xf32, #tpu.memory_space<vmem>>, vector<1x1x16xf32>,
          %get3A_289 = arith.index_cast %scan3A_235 : i32 to index
          %get3A_290 = arith.constant 80 : index
          %get3A_291 = tpu.vector_load %arg7[%get3A_289, %get3A_290] {strides = array<i32>} : memref<40x512xf32, #tpu.memory_space<vmem>>, vector<1x16xf32>,
          %get3A_292 = vector.shape_cast %get3A_291 : vector<1x16xf32> to vector<16xf32>
          %swap3A_293 = arith.constant 2 : i32
          %swap3A_294 = arith.index_cast %swap3A_293 : i32 to index
          %swap3A_295 = arith.index_cast %scan3A_235 : i32 to index
          %swap3A_296 = arith.constant 80 : index
          %swap3A_297 = tpu.vector_load %arg8[%swap3A_294, %swap3A_295, %swap3A_296] {strides = array<i32>} : memref<4x40x512xf32, #tpu.memory_space<vmem>>, vector<1x1x16xf32>,
          %swap3A_298 = vector.shape_cast %swap3A_297 : vector<1x1x16xf32> to vector<16xf32>
          %swap3A_299 = vector.shape_cast %get3A_292 : vector<16xf32> to vector<1x1x16xf32>
          tpu.vector_store %arg8[%swap3A_294, %swap3A_295, %swap3A_296], %swap3A_299 {add = true, strides = array<i32>} : memref<4x40x512xf32, #tpu.memory_space<vmem>>, vector<1x1x16xf32>,
          %get3A_300 = arith.index_cast %scan3A_235 : i32 to index
          %get3A_301 = arith.constant 96 : index
          %get3A_302 = tpu.vector_load %arg7[%get3A_300, %get3A_301] {strides = array<i32>} : memref<40x512xf32, #tpu.memory_space<vmem>>, vector<1x16xf32>,
          %get3A_303 = vector.shape_cast %get3A_302 : vector<1x16xf32> to vector<16xf32>
          %swap3A_304 = arith.constant 2 : i32
          %swap3A_305 = arith.index_cast %swap3A_304 : i32 to index
          %swap3A_306 = arith.index_cast %scan3A_235 : i32 to index
          %swap3A_307 = arith.constant 96 : index
          %swap3A_308 = tpu.vector_load %arg8[%swap3A_305, %swap3A_306, %swap3A_307] {strides = array<i32>} : memref<4x40x512xf32, #tpu.memory_space<vmem>>, vector<1x1x16xf32>,
          %swap3A_309 = vector.shape_cast %swap3A_308 : vector<1x1x16xf32> to vector<16xf32>
          %swap3A_310 = vector.shape_cast %get3A_303 : vector<16xf32> to vector<1x1x16xf32>
          tpu.vector_store %arg8[%swap3A_305, %swap3A_306, %swap3A_307], %swap3A_310 {add = true, strides = array<i32>} : memref<4x40x512xf32, #tpu.memory_space<vmem>>, vector<1x1x16xf32>,
          %get3A_311 = arith.index_cast %scan3A_235 : i32 to index
          %get3A_312 = arith.constant 112 : index
          %get3A_313 = tpu.vector_load %arg7[%get3A_311, %get3A_312] {strides = array<i32>} : memref<40x512xf32, #tpu.memory_space<vmem>>, vector<1x16xf32>,
          %get3A_314 = vector.shape_cast %get3A_313 : vector<1x16xf32> to vector<16xf32>
          %swap3A_315 = arith.constant 2 : i32
          %swap3A_316 = arith.index_cast %swap3A_315 : i32 to index
          %swap3A_317 = arith.index_cast %scan3A_235 : i32 to index
          %swap3A_318 = arith.constant 112 : index
          %swap3A_319 = tpu.vector_load %arg8[%swap3A_316, %swap3A_317, %swap3A_318] {strides = array<i32>} : memref<4x40x512xf32, #tpu.memory_space<vmem>>, vector<1x1x16xf32>,
          %swap3A_320 = vector.shape_cast %swap3A_319 : vector<1x1x16xf32> to vector<16xf32>
          %swap3A_321 = vector.shape_cast %get3A_314 : vector<16xf32> to vector<1x1x16xf32>
          tpu.vector_store %arg8[%swap3A_316, %swap3A_317, %swap3A_318], %swap3A_321 {add = true, strides = array<i32>} : memref<4x40x512xf32, #tpu.memory_space<vmem>>, vector<1x1x16xf32>,
          %get3A_322 = arith.index_cast %scan3A_235 : i32 to index
          %get3A_323 = arith.constant 128 : index
          %get3A_324 = tpu.vector_load %arg7[%get3A_322, %get3A_323] {strides = array<i32>} : memref<40x512xf32, #tpu.memory_space<vmem>>, vector<1x16xf32>,
          %get3A_325 = vector.shape_cast %get3A_324 : vector<1x16xf32> to vector<16xf32>
          %swap3A_326 = arith.constant 2 : i32
          %swap3A_327 = arith.index_cast %swap3A_326 : i32 to index
          %swap3A_328 = arith.index_cast %scan3A_235 : i32 to index
          %swap3A_329 = arith.constant 128 : index
          %swap3A_330 = tpu.vector_load %arg8[%swap3A_327, %swap3A_328, %swap3A_329] {strides = array<i32>} : memref<4x40x512xf32, #tpu.memory_space<vmem>>, vector<1x1x16xf32>,
          %swap3A_331 = vector.shape_cast %swap3A_330 : vector<1x1x16xf32> to vector<16xf32>
          %swap3A_332 = vector.shape_cast %get3A_325 : vector<16xf32> to vector<1x1x16xf32>
          tpu.vector_store %arg8[%swap3A_327, %swap3A_328, %swap3A_329], %swap3A_332 {add = true, strides = array<i32>} : memref<4x40x512xf32, #tpu.memory_space<vmem>>, vector<1x1x16xf32>,
          %get3A_333 = arith.index_cast %scan3A_235 : i32 to index
          %get3A_334 = arith.constant 144 : index
          %get3A_335 = tpu.vector_load %arg7[%get3A_333, %get3A_334] {strides = array<i32>} : memref<40x512xf32, #tpu.memory_space<vmem>>, vector<1x16xf32>,
          %get3A_336 = vector.shape_cast %get3A_335 : vector<1x16xf32> to vector<16xf32>
          %swap3A_337 = arith.constant 2 : i32
          %swap3A_338 = arith.index_cast %swap3A_337 : i32 to index
          %swap3A_339 = arith.index_cast %scan3A_235 : i32 to index
          %swap3A_340 = arith.constant 144 : index
          %swap3A_341 = tpu.vector_load %arg8[%swap3A_338, %swap3A_339, %swap3A_340] {strides = array<i32>} : memref<4x40x512xf32, #tpu.memory_space<vmem>>, vector<1x1x16xf32>,
          %swap3A_342 = vector.shape_cast %swap3A_341 : vector<1x1x16xf32> to vector<16xf32>
          %swap3A_343 = vector.shape_cast %get3A_336 : vector<16xf32> to vector<1x1x16xf32>
          tpu.vector_store %arg8[%swap3A_338, %swap3A_339, %swap3A_340], %swap3A_343 {add = true, strides = array<i32>} : memref<4x40x512xf32, #tpu.memory_space<vmem>>, vector<1x1x16xf32>,
          %get3A_344 = arith.index_cast %scan3A_235 : i32 to index
          %get3A_345 = arith.constant 160 : index
          %get3A_346 = tpu.vector_load %arg7[%get3A_344, %get3A_345] {strides = array<i32>} : memref<40x512xf32, #tpu.memory_space<vmem>>, vector<1x16xf32>,
          %get3A_347 = vector.shape_cast %get3A_346 : vector<1x16xf32> to vector<16xf32>
          %swap3A_348 = arith.constant 2 : i32
          %swap3A_349 = arith.index_cast %swap3A_348 : i32 to index
          %swap3A_350 = arith.index_cast %scan3A_235 : i32 to index
          %swap3A_351 = arith.constant 160 : index
          %swap3A_352 = tpu.vector_load %arg8[%swap3A_349, %swap3A_350, %swap3A_351] {strides = array<i32>} : memref<4x40x512xf32, #tpu.memory_space<vmem>>, vector<1x1x16xf32>,
          %swap3A_353 = vector.shape_cast %swap3A_352 : vector<1x1x16xf32> to vector<16xf32>
          %swap3A_354 = vector.shape_cast %get3A_347 : vector<16xf32> to vector<1x1x16xf32>
          tpu.vector_store %arg8[%swap3A_349, %swap3A_350, %swap3A_351], %swap3A_354 {add = true, strides = array<i32>} : memref<4x40x512xf32, #tpu.memory_space<vmem>>, vector<1x1x16xf32>,
          %get3A_355 = arith.index_cast %scan3A_235 : i32 to index
          %get3A_356 = arith.constant 176 : index
          %get3A_357 = tpu.vector_load %arg7[%get3A_355, %get3A_356] {strides = array<i32>} : memref<40x512xf32, #tpu.memory_space<vmem>>, vector<1x16xf32>,
          %get3A_358 = vector.shape_cast %get3A_357 : vector<1x16xf32> to vector<16xf32>
          %swap3A_359 = arith.constant 2 : i32
          %swap3A_360 = arith.index_cast %swap3A_359 : i32 to index
          %swap3A_361 = arith.index_cast %scan3A_235 : i32 to index
          %swap3A_362 = arith.constant 176 : index
          %swap3A_363 = tpu.vector_load %arg8[%swap3A_360, %swap3A_361, %swap3A_362] {strides = array<i32>} : memref<4x40x512xf32, #tpu.memory_space<vmem>>, vector<1x1x16xf32>,
          %swap3A_364 = vector.shape_cast %swap3A_363 : vector<1x1x16xf32> to vector<16xf32>
          %swap3A_365 = vector.shape_cast %get3A_358 : vector<16xf32> to vector<1x1x16xf32>
          tpu.vector_store %arg8[%swap3A_360, %swap3A_361, %swap3A_362], %swap3A_365 {add = true, strides = array<i32>} : memref<4x40x512xf32, #tpu.memory_space<vmem>>, vector<1x1x16xf32>,
          %get3A_366 = arith.index_cast %scan3A_235 : i32 to index
          %get3A_367 = arith.constant 192 : index
          %get3A_368 = tpu.vector_load %arg7[%get3A_366, %get3A_367] {strides = array<i32>} : memref<40x512xf32, #tpu.memory_space<vmem>>, vector<1x16xf32>,
          %get3A_369 = vector.shape_cast %get3A_368 : vector<1x16xf32> to vector<16xf32>
          %swap3A_370 = arith.constant 2 : i32
          %swap3A_371 = arith.index_cast %swap3A_370 : i32 to index
          %swap3A_372 = arith.index_cast %scan3A_235 : i32 to index
          %swap3A_373 = arith.constant 192 : index
          %swap3A_374 = tpu.vector_load %arg8[%swap3A_371, %swap3A_372, %swap3A_373] {strides = array<i32>} : memref<4x40x512xf32, #tpu.memory_space<vmem>>, vector<1x1x16xf32>,
          %swap3A_375 = vector.shape_cast %swap3A_374 : vector<1x1x16xf32> to vector<16xf32>
          %swap3A_376 = vector.shape_cast %get3A_369 : vector<16xf32> to vector<1x1x16xf32>
          tpu.vector_store %arg8[%swap3A_371, %swap3A_372, %swap3A_373], %swap3A_376 {add = true, strides = array<i32>} : memref<4x40x512xf32, #tpu.memory_space<vmem>>, vector<1x1x16xf32>,
          %get3A_377 = arith.index_cast %scan3A_235 : i32 to index
          %get3A_378 = arith.constant 208 : index
          %get3A_379 = tpu.vector_load %arg7[%get3A_377, %get3A_378] {strides = array<i32>} : memref<40x512xf32, #tpu.memory_space<vmem>>, vector<1x16xf32>,
          %get3A_380 = vector.shape_cast %get3A_379 : vector<1x16xf32> to vector<16xf32>
          %swap3A_381 = arith.constant 2 : i32
          %swap3A_382 = arith.index_cast %swap3A_381 : i32 to index
          %swap3A_383 = arith.index_cast %scan3A_235 : i32 to index
          %swap3A_384 = arith.constant 208 : index
          %swap3A_385 = tpu.vector_load %arg8[%swap3A_382, %swap3A_383, %swap3A_384] {strides = array<i32>} : memref<4x40x512xf32, #tpu.memory_space<vmem>>, vector<1x1x16xf32>,
          %swap3A_386 = vector.shape_cast %swap3A_385 : vector<1x1x16xf32> to vector<16xf32>
          %swap3A_387 = vector.shape_cast %get3A_380 : vector<16xf32> to vector<1x1x16xf32>
          tpu.vector_store %arg8[%swap3A_382, %swap3A_383, %swap3A_384], %swap3A_387 {add = true, strides = array<i32>} : memref<4x40x512xf32, #tpu.memory_space<vmem>>, vector<1x1x16xf32>,
          %get3A_388 = arith.index_cast %scan3A_235 : i32 to index
          %get3A_389 = arith.constant 224 : index
          %get3A_390 = tpu.vector_load %arg7[%get3A_388, %get3A_389] {strides = array<i32>} : memref<40x512xf32, #tpu.memory_space<vmem>>, vector<1x16xf32>,
          %get3A_391 = vector.shape_cast %get3A_390 : vector<1x16xf32> to vector<16xf32>
          %swap3A_392 = arith.constant 2 : i32
          %swap3A_393 = arith.index_cast %swap3A_392 : i32 to index
          %swap3A_394 = arith.index_cast %scan3A_235 : i32 to index
          %swap3A_395 = arith.constant 224 : index
          %swap3A_396 = tpu.vector_load %arg8[%swap3A_393, %swap3A_394, %swap3A_395] {strides = array<i32>} : memref<4x40x512xf32, #tpu.memory_space<vmem>>, vector<1x1x16xf32>,
          %swap3A_397 = vector.shape_cast %swap3A_396 : vector<1x1x16xf32> to vector<16xf32>
          %swap3A_398 = vector.shape_cast %get3A_391 : vector<16xf32> to vector<1x1x16xf32>
          tpu.vector_store %arg8[%swap3A_393, %swap3A_394, %swap3A_395], %swap3A_398 {add = true, strides = array<i32>} : memref<4x40x512xf32, #tpu.memory_space<vmem>>, vector<1x1x16xf32>,
          %get3A_399 = arith.index_cast %scan3A_235 : i32 to index
          %get3A_400 = arith.constant 240 : index
          %get3A_401 = tpu.vector_load %arg7[%get3A_399, %get3A_400] {strides = array<i32>} : memref<40x512xf32, #tpu.memory_space<vmem>>, vector<1x16xf32>,
          %get3A_402 = vector.shape_cast %get3A_401 : vector<1x16xf32> to vector<16xf32>
          %swap3A_403 = arith.constant 2 : i32
          %swap3A_404 = arith.index_cast %swap3A_403 : i32 to index
          %swap3A_405 = arith.index_cast %scan3A_235 : i32 to index
          %swap3A_406 = arith.constant 240 : index
          %swap3A_407 = tpu.vector_load %arg8[%swap3A_404, %swap3A_405, %swap3A_406] {strides = array<i32>} : memref<4x40x512xf32, #tpu.memory_space<vmem>>, vector<1x1x16xf32>,
          %swap3A_408 = vector.shape_cast %swap3A_407 : vector<1x1x16xf32> to vector<16xf32>
          %swap3A_409 = vector.shape_cast %get3A_402 : vector<16xf32> to vector<1x1x16xf32>
          tpu.vector_store %arg8[%swap3A_404, %swap3A_405, %swap3A_406], %swap3A_409 {add = true, strides = array<i32>} : memref<4x40x512xf32, #tpu.memory_space<vmem>>, vector<1x1x16xf32>,
          %get3A_410 = arith.index_cast %scan3A_235 : i32 to index
          %get3A_411 = arith.constant 256 : index
          %get3A_412 = tpu.vector_load %arg7[%get3A_410, %get3A_411] {strides = array<i32>} : memref<40x512xf32, #tpu.memory_space<vmem>>, vector<1x16xf32>,
          %get3A_413 = vector.shape_cast %get3A_412 : vector<1x16xf32> to vector<16xf32>
          %swap3A_414 = arith.constant 2 : i32
          %swap3A_415 = arith.index_cast %swap3A_414 : i32 to index
          %swap3A_416 = arith.index_cast %scan3A_235 : i32 to index
          %swap3A_417 = arith.constant 256 : index
          %swap3A_418 = tpu.vector_load %arg8[%swap3A_415, %swap3A_416, %swap3A_417] {strides = array<i32>} : memref<4x40x512xf32, #tpu.memory_space<vmem>>, vector<1x1x16xf32>,
          %swap3A_419 = vector.shape_cast %swap3A_418 : vector<1x1x16xf32> to vector<16xf32>
          %swap3A_420 = vector.shape_cast %get3A_413 : vector<16xf32> to vector<1x1x16xf32>
          tpu.vector_store %arg8[%swap3A_415, %swap3A_416, %swap3A_417], %swap3A_420 {add = true, strides = array<i32>} : memref<4x40x512xf32, #tpu.memory_space<vmem>>, vector<1x1x16xf32>,
          %get3A_421 = arith.index_cast %scan3A_235 : i32 to index
          %get3A_422 = arith.constant 272 : index
          %get3A_423 = tpu.vector_load %arg7[%get3A_421, %get3A_422] {strides = array<i32>} : memref<40x512xf32, #tpu.memory_space<vmem>>, vector<1x16xf32>,
          %get3A_424 = vector.shape_cast %get3A_423 : vector<1x16xf32> to vector<16xf32>
          %swap3A_425 = arith.constant 2 : i32
          %swap3A_426 = arith.index_cast %swap3A_425 : i32 to index
          %swap3A_427 = arith.index_cast %scan3A_235 : i32 to index
          %swap3A_428 = arith.constant 272 : index
          %swap3A_429 = tpu.vector_load %arg8[%swap3A_426, %swap3A_427, %swap3A_428] {strides = array<i32>} : memref<4x40x512xf32, #tpu.memory_space<vmem>>, vector<1x1x16xf32>,
          %swap3A_430 = vector.shape_cast %swap3A_429 : vector<1x1x16xf32> to vector<16xf32>
          %swap3A_431 = vector.shape_cast %get3A_424 : vector<16xf32> to vector<1x1x16xf32>
          tpu.vector_store %arg8[%swap3A_426, %swap3A_427, %swap3A_428], %swap3A_431 {add = true, strides = array<i32>} : memref<4x40x512xf32, #tpu.memory_space<vmem>>, vector<1x1x16xf32>,
          %get3A_432 = arith.index_cast %scan3A_235 : i32 to index
          %get3A_433 = arith.constant 288 : index
          %get3A_434 = tpu.vector_load %arg7[%get3A_432, %get3A_433] {strides = array<i32>} : memref<40x512xf32, #tpu.memory_space<vmem>>, vector<1x16xf32>,
          %get3A_435 = vector.shape_cast %get3A_434 : vector<1x16xf32> to vector<16xf32>
          %swap3A_436 = arith.constant 2 : i32
          %swap3A_437 = arith.index_cast %swap3A_436 : i32 to index
          %swap3A_438 = arith.index_cast %scan3A_235 : i32 to index
          %swap3A_439 = arith.constant 288 : index
          %swap3A_440 = tpu.vector_load %arg8[%swap3A_437, %swap3A_438, %swap3A_439] {strides = array<i32>} : memref<4x40x512xf32, #tpu.memory_space<vmem>>, vector<1x1x16xf32>,
          %swap3A_441 = vector.shape_cast %swap3A_440 : vector<1x1x16xf32> to vector<16xf32>
          %swap3A_442 = vector.shape_cast %get3A_435 : vector<16xf32> to vector<1x1x16xf32>
          tpu.vector_store %arg8[%swap3A_437, %swap3A_438, %swap3A_439], %swap3A_442 {add = true, strides = array<i32>} : memref<4x40x512xf32, #tpu.memory_space<vmem>>, vector<1x1x16xf32>,
          %get3A_443 = arith.index_cast %scan3A_235 : i32 to index
          %get3A_444 = arith.constant 304 : index
          %get3A_445 = tpu.vector_load %arg7[%get3A_443, %get3A_444] {strides = array<i32>} : memref<40x512xf32, #tpu.memory_space<vmem>>, vector<1x16xf32>,
          %get3A_446 = vector.shape_cast %get3A_445 : vector<1x16xf32> to vector<16xf32>
          %swap3A_447 = arith.constant 2 : i32
          %swap3A_448 = arith.index_cast %swap3A_447 : i32 to index
          %swap3A_449 = arith.index_cast %scan3A_235 : i32 to index
          %swap3A_450 = arith.constant 304 : index
          %swap3A_451 = tpu.vector_load %arg8[%swap3A_448, %swap3A_449, %swap3A_450] {strides = array<i32>} : memref<4x40x512xf32, #tpu.memory_space<vmem>>, vector<1x1x16xf32>,
          %swap3A_452 = vector.shape_cast %swap3A_451 : vector<1x1x16xf32> to vector<16xf32>
          %swap3A_453 = vector.shape_cast %get3A_446 : vector<16xf32> to vector<1x1x16xf32>
          tpu.vector_store %arg8[%swap3A_448, %swap3A_449, %swap3A_450], %swap3A_453 {add = true, strides = array<i32>} : memref<4x40x512xf32, #tpu.memory_space<vmem>>, vector<1x1x16xf32>,
          %get3A_454 = arith.index_cast %scan3A_235 : i32 to index
          %get3A_455 = arith.constant 320 : index
          %get3A_456 = tpu.vector_load %arg7[%get3A_454, %get3A_455] {strides = array<i32>} : memref<40x512xf32, #tpu.memory_space<vmem>>, vector<1x16xf32>,
          %get3A_457 = vector.shape_cast %get3A_456 : vector<1x16xf32> to vector<16xf32>
          %swap3A_458 = arith.constant 2 : i32
          %swap3A_459 = arith.index_cast %swap3A_458 : i32 to index
          %swap3A_460 = arith.index_cast %scan3A_235 : i32 to index
          %swap3A_461 = arith.constant 320 : index
          %swap3A_462 = tpu.vector_load %arg8[%swap3A_459, %swap3A_460, %swap3A_461] {strides = array<i32>} : memref<4x40x512xf32, #tpu.memory_space<vmem>>, vector<1x1x16xf32>,
          %swap3A_463 = vector.shape_cast %swap3A_462 : vector<1x1x16xf32> to vector<16xf32>
          %swap3A_464 = vector.shape_cast %get3A_457 : vector<16xf32> to vector<1x1x16xf32>
          tpu.vector_store %arg8[%swap3A_459, %swap3A_460, %swap3A_461], %swap3A_464 {add = true, strides = array<i32>} : memref<4x40x512xf32, #tpu.memory_space<vmem>>, vector<1x1x16xf32>,
          %get3A_465 = arith.index_cast %scan3A_235 : i32 to index
          %get3A_466 = arith.constant 336 : index
          %get3A_467 = tpu.vector_load %arg7[%get3A_465, %get3A_466] {strides = array<i32>} : memref<40x512xf32, #tpu.memory_space<vmem>>, vector<1x16xf32>,
          %get3A_468 = vector.shape_cast %get3A_467 : vector<1x16xf32> to vector<16xf32>
          %swap3A_469 = arith.constant 2 : i32
          %swap3A_470 = arith.index_cast %swap3A_469 : i32 to index
          %swap3A_471 = arith.index_cast %scan3A_235 : i32 to index
          %swap3A_472 = arith.constant 336 : index
          %swap3A_473 = tpu.vector_load %arg8[%swap3A_470, %swap3A_471, %swap3A_472] {strides = array<i32>} : memref<4x40x512xf32, #tpu.memory_space<vmem>>, vector<1x1x16xf32>,
          %swap3A_474 = vector.shape_cast %swap3A_473 : vector<1x1x16xf32> to vector<16xf32>
          %swap3A_475 = vector.shape_cast %get3A_468 : vector<16xf32> to vector<1x1x16xf32>
          tpu.vector_store %arg8[%swap3A_470, %swap3A_471, %swap3A_472], %swap3A_475 {add = true, strides = array<i32>} : memref<4x40x512xf32, #tpu.memory_space<vmem>>, vector<1x1x16xf32>,
          %get3A_476 = arith.index_cast %scan3A_235 : i32 to index
          %get3A_477 = arith.constant 352 : index
          %get3A_478 = tpu.vector_load %arg7[%get3A_476, %get3A_477] {strides = array<i32>} : memref<40x512xf32, #tpu.memory_space<vmem>>, vector<1x16xf32>,
          %get3A_479 = vector.shape_cast %get3A_478 : vector<1x16xf32> to vector<16xf32>
          %swap3A_480 = arith.constant 2 : i32
          %swap3A_481 = arith.index_cast %swap3A_480 : i32 to index
          %swap3A_482 = arith.index_cast %scan3A_235 : i32 to index
          %swap3A_483 = arith.constant 352 : index
          %swap3A_484 = tpu.vector_load %arg8[%swap3A_481, %swap3A_482, %swap3A_483] {strides = array<i32>} : memref<4x40x512xf32, #tpu.memory_space<vmem>>, vector<1x1x16xf32>,
          %swap3A_485 = vector.shape_cast %swap3A_484 : vector<1x1x16xf32> to vector<16xf32>
          %swap3A_486 = vector.shape_cast %get3A_479 : vector<16xf32> to vector<1x1x16xf32>
          tpu.vector_store %arg8[%swap3A_481, %swap3A_482, %swap3A_483], %swap3A_486 {add = true, strides = array<i32>} : memref<4x40x512xf32, #tpu.memory_space<vmem>>, vector<1x1x16xf32>,
          %get3A_487 = arith.index_cast %scan3A_235 : i32 to index
          %get3A_488 = arith.constant 368 : index
          %get3A_489 = tpu.vector_load %arg7[%get3A_487, %get3A_488] {strides = array<i32>} : memref<40x512xf32, #tpu.memory_space<vmem>>, vector<1x16xf32>,
          %get3A_490 = vector.shape_cast %get3A_489 : vector<1x16xf32> to vector<16xf32>
          %swap3A_491 = arith.constant 2 : i32
          %swap3A_492 = arith.index_cast %swap3A_491 : i32 to index
          %swap3A_493 = arith.index_cast %scan3A_235 : i32 to index
          %swap3A_494 = arith.constant 368 : index
          %swap3A_495 = tpu.vector_load %arg8[%swap3A_492, %swap3A_493, %swap3A_494] {strides = array<i32>} : memref<4x40x512xf32, #tpu.memory_space<vmem>>, vector<1x1x16xf32>,
          %swap3A_496 = vector.shape_cast %swap3A_495 : vector<1x1x16xf32> to vector<16xf32>
          %swap3A_497 = vector.shape_cast %get3A_490 : vector<16xf32> to vector<1x1x16xf32>
          tpu.vector_store %arg8[%swap3A_492, %swap3A_493, %swap3A_494], %swap3A_497 {add = true, strides = array<i32>} : memref<4x40x512xf32, #tpu.memory_space<vmem>>, vector<1x1x16xf32>,
          %get3A_498 = arith.index_cast %scan3A_235 : i32 to index
          %get3A_499 = arith.constant 384 : index
          %get3A_500 = tpu.vector_load %arg7[%get3A_498, %get3A_499] {strides = array<i32>} : memref<40x512xf32, #tpu.memory_space<vmem>>, vector<1x16xf32>,
          %get3A_501 = vector.shape_cast %get3A_500 : vector<1x16xf32> to vector<16xf32>
          %swap3A_502 = arith.constant 2 : i32
          %swap3A_503 = arith.index_cast %swap3A_502 : i32 to index
          %swap3A_504 = arith.index_cast %scan3A_235 : i32 to index
          %swap3A_505 = arith.constant 384 : index
          %swap3A_506 = tpu.vector_load %arg8[%swap3A_503, %swap3A_504, %swap3A_505] {strides = array<i32>} : memref<4x40x512xf32, #tpu.memory_space<vmem>>, vector<1x1x16xf32>,
          %swap3A_507 = vector.shape_cast %swap3A_506 : vector<1x1x16xf32> to vector<16xf32>
          %swap3A_508 = vector.shape_cast %get3A_501 : vector<16xf32> to vector<1x1x16xf32>
          tpu.vector_store %arg8[%swap3A_503, %swap3A_504, %swap3A_505], %swap3A_508 {add = true, strides = array<i32>} : memref<4x40x512xf32, #tpu.memory_space<vmem>>, vector<1x1x16xf32>,
          %get3A_509 = arith.index_cast %scan3A_235 : i32 to index
          %get3A_510 = arith.constant 400 : index
          %get3A_511 = tpu.vector_load %arg7[%get3A_509, %get3A_510] {strides = array<i32>} : memref<40x512xf32, #tpu.memory_space<vmem>>, vector<1x16xf32>,
          %get3A_512 = vector.shape_cast %get3A_511 : vector<1x16xf32> to vector<16xf32>
          %swap3A_513 = arith.constant 2 : i32
          %swap3A_514 = arith.index_cast %swap3A_513 : i32 to index
          %swap3A_515 = arith.index_cast %scan3A_235 : i32 to index
          %swap3A_516 = arith.constant 400 : index
          %swap3A_517 = tpu.vector_load %arg8[%swap3A_514, %swap3A_515, %swap3A_516] {strides = array<i32>} : memref<4x40x512xf32, #tpu.memory_space<vmem>>, vector<1x1x16xf32>,
          %swap3A_518 = vector.shape_cast %swap3A_517 : vector<1x1x16xf32> to vector<16xf32>
          %swap3A_519 = vector.shape_cast %get3A_512 : vector<16xf32> to vector<1x1x16xf32>
          tpu.vector_store %arg8[%swap3A_514, %swap3A_515, %swap3A_516], %swap3A_519 {add = true, strides = array<i32>} : memref<4x40x512xf32, #tpu.memory_space<vmem>>, vector<1x1x16xf32>,
          %get3A_520 = arith.index_cast %scan3A_235 : i32 to index
          %get3A_521 = arith.constant 416 : index
          %get3A_522 = tpu.vector_load %arg7[%get3A_520, %get3A_521] {strides = array<i32>} : memref<40x512xf32, #tpu.memory_space<vmem>>, vector<1x16xf32>,
          %get3A_523 = vector.shape_cast %get3A_522 : vector<1x16xf32> to vector<16xf32>
          %swap3A_524 = arith.constant 2 : i32
          %swap3A_525 = arith.index_cast %swap3A_524 : i32 to index
          %swap3A_526 = arith.index_cast %scan3A_235 : i32 to index
          %swap3A_527 = arith.constant 416 : index
          %swap3A_528 = tpu.vector_load %arg8[%swap3A_525, %swap3A_526, %swap3A_527] {strides = array<i32>} : memref<4x40x512xf32, #tpu.memory_space<vmem>>, vector<1x1x16xf32>,
          %swap3A_529 = vector.shape_cast %swap3A_528 : vector<1x1x16xf32> to vector<16xf32>
          %swap3A_530 = vector.shape_cast %get3A_523 : vector<16xf32> to vector<1x1x16xf32>
          tpu.vector_store %arg8[%swap3A_525, %swap3A_526, %swap3A_527], %swap3A_530 {add = true, strides = array<i32>} : memref<4x40x512xf32, #tpu.memory_space<vmem>>, vector<1x1x16xf32>,
          %get3A_531 = arith.index_cast %scan3A_235 : i32 to index
          %get3A_532 = arith.constant 432 : index
          %get3A_533 = tpu.vector_load %arg7[%get3A_531, %get3A_532] {strides = array<i32>} : memref<40x512xf32, #tpu.memory_space<vmem>>, vector<1x16xf32>,
          %get3A_534 = vector.shape_cast %get3A_533 : vector<1x16xf32> to vector<16xf32>
          %swap3A_535 = arith.constant 2 : i32
          %swap3A_536 = arith.index_cast %swap3A_535 : i32 to index
          %swap3A_537 = arith.index_cast %scan3A_235 : i32 to index
          %swap3A_538 = arith.constant 432 : index
          %swap3A_539 = tpu.vector_load %arg8[%swap3A_536, %swap3A_537, %swap3A_538] {strides = array<i32>} : memref<4x40x512xf32, #tpu.memory_space<vmem>>, vector<1x1x16xf32>,
          %swap3A_540 = vector.shape_cast %swap3A_539 : vector<1x1x16xf32> to vector<16xf32>
          %swap3A_541 = vector.shape_cast %get3A_534 : vector<16xf32> to vector<1x1x16xf32>
          tpu.vector_store %arg8[%swap3A_536, %swap3A_537, %swap3A_538], %swap3A_541 {add = true, strides = array<i32>} : memref<4x40x512xf32, #tpu.memory_space<vmem>>, vector<1x1x16xf32>,
          %get3A_542 = arith.index_cast %scan3A_235 : i32 to index
          %get3A_543 = arith.constant 448 : index
          %get3A_544 = tpu.vector_load %arg7[%get3A_542, %get3A_543] {strides = array<i32>} : memref<40x512xf32, #tpu.memory_space<vmem>>, vector<1x16xf32>,
          %get3A_545 = vector.shape_cast %get3A_544 : vector<1x16xf32> to vector<16xf32>
          %swap3A_546 = arith.constant 2 : i32
          %swap3A_547 = arith.index_cast %swap3A_546 : i32 to index
          %swap3A_548 = arith.index_cast %scan3A_235 : i32 to index
          %swap3A_549 = arith.constant 448 : index
          %swap3A_550 = tpu.vector_load %arg8[%swap3A_547, %swap3A_548, %swap3A_549] {strides = array<i32>} : memref<4x40x512xf32, #tpu.memory_space<vmem>>, vector<1x1x16xf32>,
          %swap3A_551 = vector.shape_cast %swap3A_550 : vector<1x1x16xf32> to vector<16xf32>
          %swap3A_552 = vector.shape_cast %get3A_545 : vector<16xf32> to vector<1x1x16xf32>
          tpu.vector_store %arg8[%swap3A_547, %swap3A_548, %swap3A_549], %swap3A_552 {add = true, strides = array<i32>} : memref<4x40x512xf32, #tpu.memory_space<vmem>>, vector<1x1x16xf32>,
          %get3A_553 = arith.index_cast %scan3A_235 : i32 to index
          %get3A_554 = arith.constant 464 : index
          %get3A_555 = tpu.vector_load %arg7[%get3A_553, %get3A_554] {strides = array<i32>} : memref<40x512xf32, #tpu.memory_space<vmem>>, vector<1x16xf32>,
          %get3A_556 = vector.shape_cast %get3A_555 : vector<1x16xf32> to vector<16xf32>
          %swap3A_557 = arith.constant 2 : i32
          %swap3A_558 = arith.index_cast %swap3A_557 : i32 to index
          %swap3A_559 = arith.index_cast %scan3A_235 : i32 to index
          %swap3A_560 = arith.constant 464 : index
          %swap3A_561 = tpu.vector_load %arg8[%swap3A_558, %swap3A_559, %swap3A_560] {strides = array<i32>} : memref<4x40x512xf32, #tpu.memory_space<vmem>>, vector<1x1x16xf32>,
          %swap3A_562 = vector.shape_cast %swap3A_561 : vector<1x1x16xf32> to vector<16xf32>
          %swap3A_563 = vector.shape_cast %get3A_556 : vector<16xf32> to vector<1x1x16xf32>
          tpu.vector_store %arg8[%swap3A_558, %swap3A_559, %swap3A_560], %swap3A_563 {add = true, strides = array<i32>} : memref<4x40x512xf32, #tpu.memory_space<vmem>>, vector<1x1x16xf32>,
          %get3A_564 = arith.index_cast %scan3A_235 : i32 to index
          %get3A_565 = arith.constant 480 : index
          %get3A_566 = tpu.vector_load %arg7[%get3A_564, %get3A_565] {strides = array<i32>} : memref<40x512xf32, #tpu.memory_space<vmem>>, vector<1x16xf32>,
          %get3A_567 = vector.shape_cast %get3A_566 : vector<1x16xf32> to vector<16xf32>
          %swap3A_568 = arith.constant 2 : i32
          %swap3A_569 = arith.index_cast %swap3A_568 : i32 to index
          %swap3A_570 = arith.index_cast %scan3A_235 : i32 to index
          %swap3A_571 = arith.constant 480 : index
          %swap3A_572 = tpu.vector_load %arg8[%swap3A_569, %swap3A_570, %swap3A_571] {strides = array<i32>} : memref<4x40x512xf32, #tpu.memory_space<vmem>>, vector<1x1x16xf32>,
          %swap3A_573 = vector.shape_cast %swap3A_572 : vector<1x1x16xf32> to vector<16xf32>
          %swap3A_574 = vector.shape_cast %get3A_567 : vector<16xf32> to vector<1x1x16xf32>
          tpu.vector_store %arg8[%swap3A_569, %swap3A_570, %swap3A_571], %swap3A_574 {add = true, strides = array<i32>} : memref<4x40x512xf32, #tpu.memory_space<vmem>>, vector<1x1x16xf32>,
          %get3A_575 = arith.index_cast %scan3A_235 : i32 to index
          %get3A_576 = arith.constant 496 : index
          %get3A_577 = tpu.vector_load %arg7[%get3A_575, %get3A_576] {strides = array<i32>} : memref<40x512xf32, #tpu.memory_space<vmem>>, vector<1x16xf32>,
          %get3A_578 = vector.shape_cast %get3A_577 : vector<1x16xf32> to vector<16xf32>
          %swap3A_579 = arith.constant 2 : i32
          %swap3A_580 = arith.index_cast %swap3A_579 : i32 to index
          %swap3A_581 = arith.index_cast %scan3A_235 : i32 to index
          %swap3A_582 = arith.constant 496 : index
          %swap3A_583 = tpu.vector_load %arg8[%swap3A_580, %swap3A_581, %swap3A_582] {strides = array<i32>} : memref<4x40x512xf32, #tpu.memory_space<vmem>>, vector<1x1x16xf32>,
          %swap3A_584 = vector.shape_cast %swap3A_583 : vector<1x1x16xf32> to vector<16xf32>
          %swap3A_585 = vector.shape_cast %get3A_578 : vector<16xf32> to vector<1x1x16xf32>
          tpu.vector_store %arg8[%swap3A_580, %swap3A_581, %swap3A_582], %swap3A_585 {add = true, strides = array<i32>} : memref<4x40x512xf32, #tpu.memory_space<vmem>>, vector<1x1x16xf32>,
        }
        %scan3A_170 = arith.constant 40 : i32
        %add3A_171 = arith.addi %mul3A_2, %add3A_154 : i32
        %dma_start3A_172 = arith.constant 2 : i32
        %dma_start3A_173 = arith.constant 0 : i32
        %dma_start3A_174 = arith.constant 0 : i32
        %dma_start3A_175 = tpu.memref_slice %arg8[%dma_start3A_172, %dma_start3A_173, %dma_start3A_174] : memref<4x40x512xf32, #tpu.memory_space<vmem>> -> memref<1x40x512xf32, #tpu.memory_space<vmem>>
        %dma_start3A_176 = tpu.memref_squeeze %dma_start3A_175 : memref<1x40x512xf32, #tpu.memory_space<vmem>> -> memref<40x512xf32, #tpu.memory_space<vmem>>
        %dma_start3A_177 = arith.constant 0 : i32
        %dma_start3A_178 = tpu.memref_slice %arg5[%add3A_171, %mul3A_10, %dma_start3A_177] : memref<1024x200x512xf32, #tpu.memory_space<hbm>> -> memref<1x40x512xf32, #tpu.memory_space<hbm>>
        %dma_start3A_179 = tpu.memref_squeeze %dma_start3A_178 : memref<1x40x512xf32, #tpu.memory_space<hbm>> -> memref<40x512xf32, #tpu.memory_space<hbm>>
        %dma_start3A_180 = arith.constant 0 : i32
        %dma_start3A_181 = tpu.memref_slice %arg5[%add3A_171, %mul3A_10, %dma_start3A_180] : memref<1024x200x512xf32, #tpu.memory_space<hbm>> -> memref<1x40x512xf32, #tpu.memory_space<hbm>>
        %dma_start3A_182 = tpu.memref_squeeze %dma_start3A_181 : memref<1x40x512xf32, #tpu.memory_space<hbm>> -> memref<40x512xf32, #tpu.memory_space<hbm>>
        %dma_start3A_183 = arith.constant 0 : i32
        %dma_start3A_184 = arith.constant 0 : i32
        %dma_start3A_185 = tpu.memref_slice %arg8[%dma_start3A_172, %dma_start3A_183, %dma_start3A_184] : memref<4x40x512xf32, #tpu.memory_space<vmem>> -> memref<1x40x512xf32, #tpu.memory_space<vmem>>
        %dma_start3A_186 = tpu.memref_squeeze %dma_start3A_185 : memref<1x40x512xf32, #tpu.memory_space<vmem>> -> memref<40x512xf32, #tpu.memory_space<vmem>>
        tpu.enqueue_dma source(%dma_start3A_186 : memref<40x512xf32, #tpu.memory_space<vmem>>) target(%dma_start3A_182 : memref<40x512xf32, #tpu.memory_space<hbm>>) target_semaphore(%arg15 : memref<!tpu.dma_semaphore, #tpu.memory_space<semaphore_mem>>)
        %add3A_187 = arith.constant 2 : i32
        %add3A_188 = arith.addi %add3A_154, %add3A_187 : i32
        %lt3A_189 = arith.constant 32 : i32
        %lt3A_190 = arith.cmpi slt, %add3A_188, %lt3A_189 : i32
        %convert_element_type3A_191 = arith.extui %lt3A_190 : i1 to i32
        %cond3A_192 = arith.constant 0 : i32
        %cond3A_193 = arith.cmpi ne, %convert_element_type3A_191, %cond3A_192 : i32
        scf.if %cond3A_193 {
          %sub3A = arith.constant 4 : i32
          %sub3A_235 = arith.subi %add3A_188, %sub3A : i32
          %ge3A = arith.constant 0 : i32
          %ge3A_236 = arith.cmpi sge, %sub3A_235, %ge3A : i32
          %convert_element_type3A_237 = arith.extui %ge3A_236 : i1 to i32
          %cond3A_238 = arith.constant 0 : i32
          %cond3A_239 = arith.cmpi ne, %convert_element_type3A_237, %cond3A_238 : i32
          scf.if %cond3A_239 {
            %add3A_250 = arith.addi %mul3A_2, %sub3A_235 : i32
            %dma_wait3A_251 = arith.constant 0 : i32
            %dma_wait3A_252 = arith.constant 0 : i32
            %dma_wait3A_253 = arith.constant 0 : i32
            %dma_wait3A_254 = tpu.memref_slice %arg8[%dma_wait3A_251, %dma_wait3A_252, %dma_wait3A_253] : memref<4x40x512xf32, #tpu.memory_space<vmem>> -> memref<1x40x512xf32, #tpu.memory_space<vmem>>
            %dma_wait3A_255 = tpu.memref_squeeze %dma_wait3A_254 : memref<1x40x512xf32, #tpu.memory_space<vmem>> -> memref<40x512xf32, #tpu.memory_space<vmem>>
            %dma_wait3A_256 = arith.constant 0 : i32
            %dma_wait3A_257 = tpu.memref_slice %arg5[%add3A_250, %mul3A_10, %dma_wait3A_256] : memref<1024x200x512xf32, #tpu.memory_space<hbm>> -> memref<1x40x512xf32, #tpu.memory_space<hbm>>
            %dma_wait3A_258 = tpu.memref_squeeze %dma_wait3A_257 : memref<1x40x512xf32, #tpu.memory_space<hbm>> -> memref<40x512xf32, #tpu.memory_space<hbm>>
            %dma_wait3A_259 = arith.constant 0 : i32
            %dma_wait3A_260 = tpu.memref_slice %arg5[%add3A_250, %mul3A_10, %dma_wait3A_259] : memref<1024x200x512xf32, #tpu.memory_space<hbm>> -> memref<1x40x512xf32, #tpu.memory_space<hbm>>
            %dma_wait3A_261 = tpu.memref_squeeze %dma_wait3A_260 : memref<1x40x512xf32, #tpu.memory_space<hbm>> -> memref<40x512xf32, #tpu.memory_space<hbm>>
            %dma_wait3A_262 = arith.constant 0 : i32
            %dma_wait3A_263 = arith.constant 0 : i32
            %dma_wait3A_264 = tpu.memref_slice %arg8[%dma_wait3A_251, %dma_wait3A_262, %dma_wait3A_263] : memref<4x40x512xf32, #tpu.memory_space<vmem>> -> memref<1x40x512xf32, #tpu.memory_space<vmem>>
            %dma_wait3A_265 = tpu.memref_squeeze %dma_wait3A_264 : memref<1x40x512xf32, #tpu.memory_space<vmem>> -> memref<40x512xf32, #tpu.memory_space<vmem>>
            tpu.wait_dma2 semaphore(%arg13 : memref<!tpu.dma_semaphore, #tpu.memory_space<semaphore_mem>>) src(%dma_wait3A_265 : memref<40x512xf32, #tpu.memory_space<vmem>>) dst(%dma_wait3A_261 : memref<40x512xf32, #tpu.memory_space<hbm>>)
          } else {
          }
          %dma_start3A_240 = arith.constant 0 : i32
          %dma_start3A_241 = arith.constant 0 : i32
          %dma_start3A_242 = arith.constant 0 : i32
          %dma_start3A_243 = tpu.memref_slice %arg8[%dma_start3A_240, %dma_start3A_241, %dma_start3A_242] : memref<4x40x512xf32, #tpu.memory_space<vmem>> -> memref<1x40x512xf32, #tpu.memory_space<vmem>>
          %dma_start3A_244 = tpu.memref_squeeze %dma_start3A_243 : memref<1x40x512xf32, #tpu.memory_space<vmem>> -> memref<40x512xf32, #tpu.memory_space<vmem>>
          %dma_start3A_245 = tpu.memref_slice %arg6[%add3A_188, %mul3A_10] : memref<32x200xi32, #tpu.memory_space<vmem>> -> memref<1x40xi32, #tpu.memory_space<vmem>>
          %dma_start3A_246 = tpu.memref_squeeze %dma_start3A_245 : memref<1x40xi32, #tpu.memory_space<vmem>> -> memref<40xi32, #tpu.memory_space<vmem>>
          %dma_start3A_247 = arith.constant 0 : i32
          %dma_start3A_248 = arith.constant 0 : i32
          %dma_start3A_249 = tpu.memref_slice %arg2[%dma_start3A_247, %dma_start3A_248] : memref<1000x512xf32, #tpu.memory_space<hbm>> -> memref<1000x512xf32, #tpu.memory_space<hbm>>
          tpu.enqueue_indirect_dma source(%dma_start3A_249 : memref<1000x512xf32, #tpu.memory_space<hbm>>) target(%dma_start3A_244 : memref<40x512xf32, #tpu.memory_space<vmem>>) offsets(%dma_start3A_246 : memref<40xi32, #tpu.memory_space<vmem>>) semaphore(%arg9 : memref<!tpu.dma_semaphore, #tpu.memory_space<semaphore_mem>>)
        } else {
        }
        %add3A_194 = arith.constant 3 : i32
        %add3A_195 = arith.addi %mul3A_73, %add3A_194 : i32
        %dma_wait3A_196 = arith.constant 3 : i32
        %dma_wait3A_197 = arith.constant 0 : i32
        %dma_wait3A_198 = arith.constant 0 : i32
        %dma_wait3A_199 = tpu.memref_slice %arg8[%dma_wait3A_196, %dma_wait3A_197, %dma_wait3A_198] : memref<4x40x512xf32, #tpu.memory_space<vmem>> -> memref<1x40x512xf32, #tpu.memory_space<vmem>>
        %dma_wait3A_200 = tpu.memref_squeeze %dma_wait3A_199 : memref<1x40x512xf32, #tpu.memory_space<vmem>> -> memref<40x512xf32, #tpu.memory_space<vmem>>
        %dma_wait3A_201 = tpu.memref_slice %arg6[%add3A_195, %mul3A_10] : memref<32x200xi32, #tpu.memory_space<vmem>> -> memref<1x40xi32, #tpu.memory_space<vmem>>
        %dma_wait3A_202 = tpu.memref_squeeze %dma_wait3A_201 : memref<1x40xi32, #tpu.memory_space<vmem>> -> memref<40xi32, #tpu.memory_space<vmem>>
        %dma_wait3A_203 = arith.constant 0 : i32
        %dma_wait3A_204 = arith.constant 0 : i32
        %dma_wait3A_205 = tpu.memref_slice %arg2[%dma_wait3A_203, %dma_wait3A_204] : memref<1000x512xf32, #tpu.memory_space<hbm>> -> memref<1000x512xf32, #tpu.memory_space<hbm>>
        tpu.wait_indirect_dma semaphore(%arg12 : memref<!tpu.dma_semaphore, #tpu.memory_space<semaphore_mem>>) src(%dma_wait3A_205 : memref<1000x512xf32, #tpu.memory_space<hbm>>) dst(%dma_wait3A_200 : memref<40x512xf32, #tpu.memory_space<vmem>>)
        %scan3A_206 = arith.constant 0 : i32
        %scan3A_207 = arith.constant 0 : i32
        %scan3A_208 = arith.constant 40 : i32
        %scan3A_209 = arith.addi %scan3A_207, %scan3A_208 : i32
        %scan3A_210 = arith.constant 1 : i32
        scf.for %scan3A_235 = %scan3A_207 to %scan3A_209 step %scan3A_210  : i32 {
          %get3A = arith.index_cast %scan3A_235 : i32 to index
          %get3A_236 = arith.constant 0 : index
          %get3A_237 = tpu.vector_load %arg7[%get3A, %get3A_236] {strides = array<i32>} : memref<40x512xf32, #tpu.memory_space<vmem>>, vector<1x16xf32>,
          %get3A_238 = vector.shape_cast %get3A_237 : vector<1x16xf32> to vector<16xf32>
          %swap3A = arith.constant 3 : i32
          %swap3A_239 = arith.index_cast %swap3A : i32 to index
          %swap3A_240 = arith.index_cast %scan3A_235 : i32 to index
          %swap3A_241 = arith.constant 0 : index
          %swap3A_242 = tpu.vector_load %arg8[%swap3A_239, %swap3A_240, %swap3A_241] {strides = array<i32>} : memref<4x40x512xf32, #tpu.memory_space<vmem>>, vector<1x1x16xf32>,
          %swap3A_243 = vector.shape_cast %swap3A_242 : vector<1x1x16xf32> to vector<16xf32>
          %swap3A_244 = vector.shape_cast %get3A_238 : vector<16xf32> to vector<1x1x16xf32>
          tpu.vector_store %arg8[%swap3A_239, %swap3A_240, %swap3A_241], %swap3A_244 {add = true, strides = array<i32>} : memref<4x40x512xf32, #tpu.memory_space<vmem>>, vector<1x1x16xf32>,
          %get3A_245 = arith.index_cast %scan3A_235 : i32 to index
          %get3A_246 = arith.constant 16 : index
          %get3A_247 = tpu.vector_load %arg7[%get3A_245, %get3A_246] {strides = array<i32>} : memref<40x512xf32, #tpu.memory_space<vmem>>, vector<1x16xf32>,
          %get3A_248 = vector.shape_cast %get3A_247 : vector<1x16xf32> to vector<16xf32>
          %swap3A_249 = arith.constant 3 : i32
          %swap3A_250 = arith.index_cast %swap3A_249 : i32 to index
          %swap3A_251 = arith.index_cast %scan3A_235 : i32 to index
          %swap3A_252 = arith.constant 16 : index
          %swap3A_253 = tpu.vector_load %arg8[%swap3A_250, %swap3A_251, %swap3A_252] {strides = array<i32>} : memref<4x40x512xf32, #tpu.memory_space<vmem>>, vector<1x1x16xf32>,
          %swap3A_254 = vector.shape_cast %swap3A_253 : vector<1x1x16xf32> to vector<16xf32>
          %swap3A_255 = vector.shape_cast %get3A_248 : vector<16xf32> to vector<1x1x16xf32>
          tpu.vector_store %arg8[%swap3A_250, %swap3A_251, %swap3A_252], %swap3A_255 {add = true, strides = array<i32>} : memref<4x40x512xf32, #tpu.memory_space<vmem>>, vector<1x1x16xf32>,
          %get3A_256 = arith.index_cast %scan3A_235 : i32 to index
          %get3A_257 = arith.constant 32 : index
          %get3A_258 = tpu.vector_load %arg7[%get3A_256, %get3A_257] {strides = array<i32>} : memref<40x512xf32, #tpu.memory_space<vmem>>, vector<1x16xf32>,
          %get3A_259 = vector.shape_cast %get3A_258 : vector<1x16xf32> to vector<16xf32>
          %swap3A_260 = arith.constant 3 : i32
          %swap3A_261 = arith.index_cast %swap3A_260 : i32 to index
          %swap3A_262 = arith.index_cast %scan3A_235 : i32 to index
          %swap3A_263 = arith.constant 32 : index
          %swap3A_264 = tpu.vector_load %arg8[%swap3A_261, %swap3A_262, %swap3A_263] {strides = array<i32>} : memref<4x40x512xf32, #tpu.memory_space<vmem>>, vector<1x1x16xf32>,
          %swap3A_265 = vector.shape_cast %swap3A_264 : vector<1x1x16xf32> to vector<16xf32>
          %swap3A_266 = vector.shape_cast %get3A_259 : vector<16xf32> to vector<1x1x16xf32>
          tpu.vector_store %arg8[%swap3A_261, %swap3A_262, %swap3A_263], %swap3A_266 {add = true, strides = array<i32>} : memref<4x40x512xf32, #tpu.memory_space<vmem>>, vector<1x1x16xf32>,
          %get3A_267 = arith.index_cast %scan3A_235 : i32 to index
          %get3A_268 = arith.constant 48 : index
          %get3A_269 = tpu.vector_load %arg7[%get3A_267, %get3A_268] {strides = array<i32>} : memref<40x512xf32, #tpu.memory_space<vmem>>, vector<1x16xf32>,
          %get3A_270 = vector.shape_cast %get3A_269 : vector<1x16xf32> to vector<16xf32>
          %swap3A_271 = arith.constant 3 : i32
          %swap3A_272 = arith.index_cast %swap3A_271 : i32 to index
          %swap3A_273 = arith.index_cast %scan3A_235 : i32 to index
          %swap3A_274 = arith.constant 48 : index
          %swap3A_275 = tpu.vector_load %arg8[%swap3A_272, %swap3A_273, %swap3A_274] {strides = array<i32>} : memref<4x40x512xf32, #tpu.memory_space<vmem>>, vector<1x1x16xf32>,
          %swap3A_276 = vector.shape_cast %swap3A_275 : vector<1x1x16xf32> to vector<16xf32>
          %swap3A_277 = vector.shape_cast %get3A_270 : vector<16xf32> to vector<1x1x16xf32>
          tpu.vector_store %arg8[%swap3A_272, %swap3A_273, %swap3A_274], %swap3A_277 {add = true, strides = array<i32>} : memref<4x40x512xf32, #tpu.memory_space<vmem>>, vector<1x1x16xf32>,
          %get3A_278 = arith.index_cast %scan3A_235 : i32 to index
          %get3A_279 = arith.constant 64 : index
          %get3A_280 = tpu.vector_load %arg7[%get3A_278, %get3A_279] {strides = array<i32>} : memref<40x512xf32, #tpu.memory_space<vmem>>, vector<1x16xf32>,
          %get3A_281 = vector.shape_cast %get3A_280 : vector<1x16xf32> to vector<16xf32>
          %swap3A_282 = arith.constant 3 : i32
          %swap3A_283 = arith.index_cast %swap3A_282 : i32 to index
          %swap3A_284 = arith.index_cast %scan3A_235 : i32 to index
          %swap3A_285 = arith.constant 64 : index
          %swap3A_286 = tpu.vector_load %arg8[%swap3A_283, %swap3A_284, %swap3A_285] {strides = array<i32>} : memref<4x40x512xf32, #tpu.memory_space<vmem>>, vector<1x1x16xf32>,
          %swap3A_287 = vector.shape_cast %swap3A_286 : vector<1x1x16xf32> to vector<16xf32>
          %swap3A_288 = vector.shape_cast %get3A_281 : vector<16xf32> to vector<1x1x16xf32>
          tpu.vector_store %arg8[%swap3A_283, %swap3A_284, %swap3A_285], %swap3A_288 {add = true, strides = array<i32>} : memref<4x40x512xf32, #tpu.memory_space<vmem>>, vector<1x1x16xf32>,
          %get3A_289 = arith.index_cast %scan3A_235 : i32 to index
          %get3A_290 = arith.constant 80 : index
          %get3A_291 = tpu.vector_load %arg7[%get3A_289, %get3A_290] {strides = array<i32>} : memref<40x512xf32, #tpu.memory_space<vmem>>, vector<1x16xf32>,
          %get3A_292 = vector.shape_cast %get3A_291 : vector<1x16xf32> to vector<16xf32>
          %swap3A_293 = arith.constant 3 : i32
          %swap3A_294 = arith.index_cast %swap3A_293 : i32 to index
          %swap3A_295 = arith.index_cast %scan3A_235 : i32 to index
          %swap3A_296 = arith.constant 80 : index
          %swap3A_297 = tpu.vector_load %arg8[%swap3A_294, %swap3A_295, %swap3A_296] {strides = array<i32>} : memref<4x40x512xf32, #tpu.memory_space<vmem>>, vector<1x1x16xf32>,
          %swap3A_298 = vector.shape_cast %swap3A_297 : vector<1x1x16xf32> to vector<16xf32>
          %swap3A_299 = vector.shape_cast %get3A_292 : vector<16xf32> to vector<1x1x16xf32>
          tpu.vector_store %arg8[%swap3A_294, %swap3A_295, %swap3A_296], %swap3A_299 {add = true, strides = array<i32>} : memref<4x40x512xf32, #tpu.memory_space<vmem>>, vector<1x1x16xf32>,
          %get3A_300 = arith.index_cast %scan3A_235 : i32 to index
          %get3A_301 = arith.constant 96 : index
          %get3A_302 = tpu.vector_load %arg7[%get3A_300, %get3A_301] {strides = array<i32>} : memref<40x512xf32, #tpu.memory_space<vmem>>, vector<1x16xf32>,
          %get3A_303 = vector.shape_cast %get3A_302 : vector<1x16xf32> to vector<16xf32>
          %swap3A_304 = arith.constant 3 : i32
          %swap3A_305 = arith.index_cast %swap3A_304 : i32 to index
          %swap3A_306 = arith.index_cast %scan3A_235 : i32 to index
          %swap3A_307 = arith.constant 96 : index
          %swap3A_308 = tpu.vector_load %arg8[%swap3A_305, %swap3A_306, %swap3A_307] {strides = array<i32>} : memref<4x40x512xf32, #tpu.memory_space<vmem>>, vector<1x1x16xf32>,
          %swap3A_309 = vector.shape_cast %swap3A_308 : vector<1x1x16xf32> to vector<16xf32>
          %swap3A_310 = vector.shape_cast %get3A_303 : vector<16xf32> to vector<1x1x16xf32>
          tpu.vector_store %arg8[%swap3A_305, %swap3A_306, %swap3A_307], %swap3A_310 {add = true, strides = array<i32>} : memref<4x40x512xf32, #tpu.memory_space<vmem>>, vector<1x1x16xf32>,
          %get3A_311 = arith.index_cast %scan3A_235 : i32 to index
          %get3A_312 = arith.constant 112 : index
          %get3A_313 = tpu.vector_load %arg7[%get3A_311, %get3A_312] {strides = array<i32>} : memref<40x512xf32, #tpu.memory_space<vmem>>, vector<1x16xf32>,
          %get3A_314 = vector.shape_cast %get3A_313 : vector<1x16xf32> to vector<16xf32>
          %swap3A_315 = arith.constant 3 : i32
          %swap3A_316 = arith.index_cast %swap3A_315 : i32 to index
          %swap3A_317 = arith.index_cast %scan3A_235 : i32 to index
          %swap3A_318 = arith.constant 112 : index
          %swap3A_319 = tpu.vector_load %arg8[%swap3A_316, %swap3A_317, %swap3A_318] {strides = array<i32>} : memref<4x40x512xf32, #tpu.memory_space<vmem>>, vector<1x1x16xf32>,
          %swap3A_320 = vector.shape_cast %swap3A_319 : vector<1x1x16xf32> to vector<16xf32>
          %swap3A_321 = vector.shape_cast %get3A_314 : vector<16xf32> to vector<1x1x16xf32>
          tpu.vector_store %arg8[%swap3A_316, %swap3A_317, %swap3A_318], %swap3A_321 {add = true, strides = array<i32>} : memref<4x40x512xf32, #tpu.memory_space<vmem>>, vector<1x1x16xf32>,
          %get3A_322 = arith.index_cast %scan3A_235 : i32 to index
          %get3A_323 = arith.constant 128 : index
          %get3A_324 = tpu.vector_load %arg7[%get3A_322, %get3A_323] {strides = array<i32>} : memref<40x512xf32, #tpu.memory_space<vmem>>, vector<1x16xf32>,
          %get3A_325 = vector.shape_cast %get3A_324 : vector<1x16xf32> to vector<16xf32>
          %swap3A_326 = arith.constant 3 : i32
          %swap3A_327 = arith.index_cast %swap3A_326 : i32 to index
          %swap3A_328 = arith.index_cast %scan3A_235 : i32 to index
          %swap3A_329 = arith.constant 128 : index
          %swap3A_330 = tpu.vector_load %arg8[%swap3A_327, %swap3A_328, %swap3A_329] {strides = array<i32>} : memref<4x40x512xf32, #tpu.memory_space<vmem>>, vector<1x1x16xf32>,
          %swap3A_331 = vector.shape_cast %swap3A_330 : vector<1x1x16xf32> to vector<16xf32>
          %swap3A_332 = vector.shape_cast %get3A_325 : vector<16xf32> to vector<1x1x16xf32>
          tpu.vector_store %arg8[%swap3A_327, %swap3A_328, %swap3A_329], %swap3A_332 {add = true, strides = array<i32>} : memref<4x40x512xf32, #tpu.memory_space<vmem>>, vector<1x1x16xf32>,
          %get3A_333 = arith.index_cast %scan3A_235 : i32 to index
          %get3A_334 = arith.constant 144 : index
          %get3A_335 = tpu.vector_load %arg7[%get3A_333, %get3A_334] {strides = array<i32>} : memref<40x512xf32, #tpu.memory_space<vmem>>, vector<1x16xf32>,
          %get3A_336 = vector.shape_cast %get3A_335 : vector<1x16xf32> to vector<16xf32>
          %swap3A_337 = arith.constant 3 : i32
          %swap3A_338 = arith.index_cast %swap3A_337 : i32 to index
          %swap3A_339 = arith.index_cast %scan3A_235 : i32 to index
          %swap3A_340 = arith.constant 144 : index
          %swap3A_341 = tpu.vector_load %arg8[%swap3A_338, %swap3A_339, %swap3A_340] {strides = array<i32>} : memref<4x40x512xf32, #tpu.memory_space<vmem>>, vector<1x1x16xf32>,
          %swap3A_342 = vector.shape_cast %swap3A_341 : vector<1x1x16xf32> to vector<16xf32>
          %swap3A_343 = vector.shape_cast %get3A_336 : vector<16xf32> to vector<1x1x16xf32>
          tpu.vector_store %arg8[%swap3A_338, %swap3A_339, %swap3A_340], %swap3A_343 {add = true, strides = array<i32>} : memref<4x40x512xf32, #tpu.memory_space<vmem>>, vector<1x1x16xf32>,
          %get3A_344 = arith.index_cast %scan3A_235 : i32 to index
          %get3A_345 = arith.constant 160 : index
          %get3A_346 = tpu.vector_load %arg7[%get3A_344, %get3A_345] {strides = array<i32>} : memref<40x512xf32, #tpu.memory_space<vmem>>, vector<1x16xf32>,
          %get3A_347 = vector.shape_cast %get3A_346 : vector<1x16xf32> to vector<16xf32>
          %swap3A_348 = arith.constant 3 : i32
          %swap3A_349 = arith.index_cast %swap3A_348 : i32 to index
          %swap3A_350 = arith.index_cast %scan3A_235 : i32 to index
          %swap3A_351 = arith.constant 160 : index
          %swap3A_352 = tpu.vector_load %arg8[%swap3A_349, %swap3A_350, %swap3A_351] {strides = array<i32>} : memref<4x40x512xf32, #tpu.memory_space<vmem>>, vector<1x1x16xf32>,
          %swap3A_353 = vector.shape_cast %swap3A_352 : vector<1x1x16xf32> to vector<16xf32>
          %swap3A_354 = vector.shape_cast %get3A_347 : vector<16xf32> to vector<1x1x16xf32>
          tpu.vector_store %arg8[%swap3A_349, %swap3A_350, %swap3A_351], %swap3A_354 {add = true, strides = array<i32>} : memref<4x40x512xf32, #tpu.memory_space<vmem>>, vector<1x1x16xf32>,
          %get3A_355 = arith.index_cast %scan3A_235 : i32 to index
          %get3A_356 = arith.constant 176 : index
          %get3A_357 = tpu.vector_load %arg7[%get3A_355, %get3A_356] {strides = array<i32>} : memref<40x512xf32, #tpu.memory_space<vmem>>, vector<1x16xf32>,
          %get3A_358 = vector.shape_cast %get3A_357 : vector<1x16xf32> to vector<16xf32>
          %swap3A_359 = arith.constant 3 : i32
          %swap3A_360 = arith.index_cast %swap3A_359 : i32 to index
          %swap3A_361 = arith.index_cast %scan3A_235 : i32 to index
          %swap3A_362 = arith.constant 176 : index
          %swap3A_363 = tpu.vector_load %arg8[%swap3A_360, %swap3A_361, %swap3A_362] {strides = array<i32>} : memref<4x40x512xf32, #tpu.memory_space<vmem>>, vector<1x1x16xf32>,
          %swap3A_364 = vector.shape_cast %swap3A_363 : vector<1x1x16xf32> to vector<16xf32>
          %swap3A_365 = vector.shape_cast %get3A_358 : vector<16xf32> to vector<1x1x16xf32>
          tpu.vector_store %arg8[%swap3A_360, %swap3A_361, %swap3A_362], %swap3A_365 {add = true, strides = array<i32>} : memref<4x40x512xf32, #tpu.memory_space<vmem>>, vector<1x1x16xf32>,
          %get3A_366 = arith.index_cast %scan3A_235 : i32 to index
          %get3A_367 = arith.constant 192 : index
          %get3A_368 = tpu.vector_load %arg7[%get3A_366, %get3A_367] {strides = array<i32>} : memref<40x512xf32, #tpu.memory_space<vmem>>, vector<1x16xf32>,
          %get3A_369 = vector.shape_cast %get3A_368 : vector<1x16xf32> to vector<16xf32>
          %swap3A_370 = arith.constant 3 : i32
          %swap3A_371 = arith.index_cast %swap3A_370 : i32 to index
          %swap3A_372 = arith.index_cast %scan3A_235 : i32 to index
          %swap3A_373 = arith.constant 192 : index
          %swap3A_374 = tpu.vector_load %arg8[%swap3A_371, %swap3A_372, %swap3A_373] {strides = array<i32>} : memref<4x40x512xf32, #tpu.memory_space<vmem>>, vector<1x1x16xf32>,
          %swap3A_375 = vector.shape_cast %swap3A_374 : vector<1x1x16xf32> to vector<16xf32>
          %swap3A_376 = vector.shape_cast %get3A_369 : vector<16xf32> to vector<1x1x16xf32>
          tpu.vector_store %arg8[%swap3A_371, %swap3A_372, %swap3A_373], %swap3A_376 {add = true, strides = array<i32>} : memref<4x40x512xf32, #tpu.memory_space<vmem>>, vector<1x1x16xf32>,
          %get3A_377 = arith.index_cast %scan3A_235 : i32 to index
          %get3A_378 = arith.constant 208 : index
          %get3A_379 = tpu.vector_load %arg7[%get3A_377, %get3A_378] {strides = array<i32>} : memref<40x512xf32, #tpu.memory_space<vmem>>, vector<1x16xf32>,
          %get3A_380 = vector.shape_cast %get3A_379 : vector<1x16xf32> to vector<16xf32>
          %swap3A_381 = arith.constant 3 : i32
          %swap3A_382 = arith.index_cast %swap3A_381 : i32 to index
          %swap3A_383 = arith.index_cast %scan3A_235 : i32 to index
          %swap3A_384 = arith.constant 208 : index
          %swap3A_385 = tpu.vector_load %arg8[%swap3A_382, %swap3A_383, %swap3A_384] {strides = array<i32>} : memref<4x40x512xf32, #tpu.memory_space<vmem>>, vector<1x1x16xf32>,
          %swap3A_386 = vector.shape_cast %swap3A_385 : vector<1x1x16xf32> to vector<16xf32>
          %swap3A_387 = vector.shape_cast %get3A_380 : vector<16xf32> to vector<1x1x16xf32>
          tpu.vector_store %arg8[%swap3A_382, %swap3A_383, %swap3A_384], %swap3A_387 {add = true, strides = array<i32>} : memref<4x40x512xf32, #tpu.memory_space<vmem>>, vector<1x1x16xf32>,
          %get3A_388 = arith.index_cast %scan3A_235 : i32 to index
          %get3A_389 = arith.constant 224 : index
          %get3A_390 = tpu.vector_load %arg7[%get3A_388, %get3A_389] {strides = array<i32>} : memref<40x512xf32, #tpu.memory_space<vmem>>, vector<1x16xf32>,
          %get3A_391 = vector.shape_cast %get3A_390 : vector<1x16xf32> to vector<16xf32>
          %swap3A_392 = arith.constant 3 : i32
          %swap3A_393 = arith.index_cast %swap3A_392 : i32 to index
          %swap3A_394 = arith.index_cast %scan3A_235 : i32 to index
          %swap3A_395 = arith.constant 224 : index
          %swap3A_396 = tpu.vector_load %arg8[%swap3A_393, %swap3A_394, %swap3A_395] {strides = array<i32>} : memref<4x40x512xf32, #tpu.memory_space<vmem>>, vector<1x1x16xf32>,
          %swap3A_397 = vector.shape_cast %swap3A_396 : vector<1x1x16xf32> to vector<16xf32>
          %swap3A_398 = vector.shape_cast %get3A_391 : vector<16xf32> to vector<1x1x16xf32>
          tpu.vector_store %arg8[%swap3A_393, %swap3A_394, %swap3A_395], %swap3A_398 {add = true, strides = array<i32>} : memref<4x40x512xf32, #tpu.memory_space<vmem>>, vector<1x1x16xf32>,
          %get3A_399 = arith.index_cast %scan3A_235 : i32 to index
          %get3A_400 = arith.constant 240 : index
          %get3A_401 = tpu.vector_load %arg7[%get3A_399, %get3A_400] {strides = array<i32>} : memref<40x512xf32, #tpu.memory_space<vmem>>, vector<1x16xf32>,
          %get3A_402 = vector.shape_cast %get3A_401 : vector<1x16xf32> to vector<16xf32>
          %swap3A_403 = arith.constant 3 : i32
          %swap3A_404 = arith.index_cast %swap3A_403 : i32 to index
          %swap3A_405 = arith.index_cast %scan3A_235 : i32 to index
          %swap3A_406 = arith.constant 240 : index
          %swap3A_407 = tpu.vector_load %arg8[%swap3A_404, %swap3A_405, %swap3A_406] {strides = array<i32>} : memref<4x40x512xf32, #tpu.memory_space<vmem>>, vector<1x1x16xf32>,
          %swap3A_408 = vector.shape_cast %swap3A_407 : vector<1x1x16xf32> to vector<16xf32>
          %swap3A_409 = vector.shape_cast %get3A_402 : vector<16xf32> to vector<1x1x16xf32>
          tpu.vector_store %arg8[%swap3A_404, %swap3A_405, %swap3A_406], %swap3A_409 {add = true, strides = array<i32>} : memref<4x40x512xf32, #tpu.memory_space<vmem>>, vector<1x1x16xf32>,
          %get3A_410 = arith.index_cast %scan3A_235 : i32 to index
          %get3A_411 = arith.constant 256 : index
          %get3A_412 = tpu.vector_load %arg7[%get3A_410, %get3A_411] {strides = array<i32>} : memref<40x512xf32, #tpu.memory_space<vmem>>, vector<1x16xf32>,
          %get3A_413 = vector.shape_cast %get3A_412 : vector<1x16xf32> to vector<16xf32>
          %swap3A_414 = arith.constant 3 : i32
          %swap3A_415 = arith.index_cast %swap3A_414 : i32 to index
          %swap3A_416 = arith.index_cast %scan3A_235 : i32 to index
          %swap3A_417 = arith.constant 256 : index
          %swap3A_418 = tpu.vector_load %arg8[%swap3A_415, %swap3A_416, %swap3A_417] {strides = array<i32>} : memref<4x40x512xf32, #tpu.memory_space<vmem>>, vector<1x1x16xf32>,
          %swap3A_419 = vector.shape_cast %swap3A_418 : vector<1x1x16xf32> to vector<16xf32>
          %swap3A_420 = vector.shape_cast %get3A_413 : vector<16xf32> to vector<1x1x16xf32>
          tpu.vector_store %arg8[%swap3A_415, %swap3A_416, %swap3A_417], %swap3A_420 {add = true, strides = array<i32>} : memref<4x40x512xf32, #tpu.memory_space<vmem>>, vector<1x1x16xf32>,
          %get3A_421 = arith.index_cast %scan3A_235 : i32 to index
          %get3A_422 = arith.constant 272 : index
          %get3A_423 = tpu.vector_load %arg7[%get3A_421, %get3A_422] {strides = array<i32>} : memref<40x512xf32, #tpu.memory_space<vmem>>, vector<1x16xf32>,
          %get3A_424 = vector.shape_cast %get3A_423 : vector<1x16xf32> to vector<16xf32>
          %swap3A_425 = arith.constant 3 : i32
          %swap3A_426 = arith.index_cast %swap3A_425 : i32 to index
          %swap3A_427 = arith.index_cast %scan3A_235 : i32 to index
          %swap3A_428 = arith.constant 272 : index
          %swap3A_429 = tpu.vector_load %arg8[%swap3A_426, %swap3A_427, %swap3A_428] {strides = array<i32>} : memref<4x40x512xf32, #tpu.memory_space<vmem>>, vector<1x1x16xf32>,
          %swap3A_430 = vector.shape_cast %swap3A_429 : vector<1x1x16xf32> to vector<16xf32>
          %swap3A_431 = vector.shape_cast %get3A_424 : vector<16xf32> to vector<1x1x16xf32>
          tpu.vector_store %arg8[%swap3A_426, %swap3A_427, %swap3A_428], %swap3A_431 {add = true, strides = array<i32>} : memref<4x40x512xf32, #tpu.memory_space<vmem>>, vector<1x1x16xf32>,
          %get3A_432 = arith.index_cast %scan3A_235 : i32 to index
          %get3A_433 = arith.constant 288 : index
          %get3A_434 = tpu.vector_load %arg7[%get3A_432, %get3A_433] {strides = array<i32>} : memref<40x512xf32, #tpu.memory_space<vmem>>, vector<1x16xf32>,
          %get3A_435 = vector.shape_cast %get3A_434 : vector<1x16xf32> to vector<16xf32>
          %swap3A_436 = arith.constant 3 : i32
          %swap3A_437 = arith.index_cast %swap3A_436 : i32 to index
          %swap3A_438 = arith.index_cast %scan3A_235 : i32 to index
          %swap3A_439 = arith.constant 288 : index
          %swap3A_440 = tpu.vector_load %arg8[%swap3A_437, %swap3A_438, %swap3A_439] {strides = array<i32>} : memref<4x40x512xf32, #tpu.memory_space<vmem>>, vector<1x1x16xf32>,
          %swap3A_441 = vector.shape_cast %swap3A_440 : vector<1x1x16xf32> to vector<16xf32>
          %swap3A_442 = vector.shape_cast %get3A_435 : vector<16xf32> to vector<1x1x16xf32>
          tpu.vector_store %arg8[%swap3A_437, %swap3A_438, %swap3A_439], %swap3A_442 {add = true, strides = array<i32>} : memref<4x40x512xf32, #tpu.memory_space<vmem>>, vector<1x1x16xf32>,
          %get3A_443 = arith.index_cast %scan3A_235 : i32 to index
          %get3A_444 = arith.constant 304 : index
          %get3A_445 = tpu.vector_load %arg7[%get3A_443, %get3A_444] {strides = array<i32>} : memref<40x512xf32, #tpu.memory_space<vmem>>, vector<1x16xf32>,
          %get3A_446 = vector.shape_cast %get3A_445 : vector<1x16xf32> to vector<16xf32>
          %swap3A_447 = arith.constant 3 : i32
          %swap3A_448 = arith.index_cast %swap3A_447 : i32 to index
          %swap3A_449 = arith.index_cast %scan3A_235 : i32 to index
          %swap3A_450 = arith.constant 304 : index
          %swap3A_451 = tpu.vector_load %arg8[%swap3A_448, %swap3A_449, %swap3A_450] {strides = array<i32>} : memref<4x40x512xf32, #tpu.memory_space<vmem>>, vector<1x1x16xf32>,
          %swap3A_452 = vector.shape_cast %swap3A_451 : vector<1x1x16xf32> to vector<16xf32>
          %swap3A_453 = vector.shape_cast %get3A_446 : vector<16xf32> to vector<1x1x16xf32>
          tpu.vector_store %arg8[%swap3A_448, %swap3A_449, %swap3A_450], %swap3A_453 {add = true, strides = array<i32>} : memref<4x40x512xf32, #tpu.memory_space<vmem>>, vector<1x1x16xf32>,
          %get3A_454 = arith.index_cast %scan3A_235 : i32 to index
          %get3A_455 = arith.constant 320 : index
          %get3A_456 = tpu.vector_load %arg7[%get3A_454, %get3A_455] {strides = array<i32>} : memref<40x512xf32, #tpu.memory_space<vmem>>, vector<1x16xf32>,
          %get3A_457 = vector.shape_cast %get3A_456 : vector<1x16xf32> to vector<16xf32>
          %swap3A_458 = arith.constant 3 : i32
          %swap3A_459 = arith.index_cast %swap3A_458 : i32 to index
          %swap3A_460 = arith.index_cast %scan3A_235 : i32 to index
          %swap3A_461 = arith.constant 320 : index
          %swap3A_462 = tpu.vector_load %arg8[%swap3A_459, %swap3A_460, %swap3A_461] {strides = array<i32>} : memref<4x40x512xf32, #tpu.memory_space<vmem>>, vector<1x1x16xf32>,
          %swap3A_463 = vector.shape_cast %swap3A_462 : vector<1x1x16xf32> to vector<16xf32>
          %swap3A_464 = vector.shape_cast %get3A_457 : vector<16xf32> to vector<1x1x16xf32>
          tpu.vector_store %arg8[%swap3A_459, %swap3A_460, %swap3A_461], %swap3A_464 {add = true, strides = array<i32>} : memref<4x40x512xf32, #tpu.memory_space<vmem>>, vector<1x1x16xf32>,
          %get3A_465 = arith.index_cast %scan3A_235 : i32 to index
          %get3A_466 = arith.constant 336 : index
          %get3A_467 = tpu.vector_load %arg7[%get3A_465, %get3A_466] {strides = array<i32>} : memref<40x512xf32, #tpu.memory_space<vmem>>, vector<1x16xf32>,
          %get3A_468 = vector.shape_cast %get3A_467 : vector<1x16xf32> to vector<16xf32>
          %swap3A_469 = arith.constant 3 : i32
          %swap3A_470 = arith.index_cast %swap3A_469 : i32 to index
          %swap3A_471 = arith.index_cast %scan3A_235 : i32 to index
          %swap3A_472 = arith.constant 336 : index
          %swap3A_473 = tpu.vector_load %arg8[%swap3A_470, %swap3A_471, %swap3A_472] {strides = array<i32>} : memref<4x40x512xf32, #tpu.memory_space<vmem>>, vector<1x1x16xf32>,
          %swap3A_474 = vector.shape_cast %swap3A_473 : vector<1x1x16xf32> to vector<16xf32>
          %swap3A_475 = vector.shape_cast %get3A_468 : vector<16xf32> to vector<1x1x16xf32>
          tpu.vector_store %arg8[%swap3A_470, %swap3A_471, %swap3A_472], %swap3A_475 {add = true, strides = array<i32>} : memref<4x40x512xf32, #tpu.memory_space<vmem>>, vector<1x1x16xf32>,
          %get3A_476 = arith.index_cast %scan3A_235 : i32 to index
          %get3A_477 = arith.constant 352 : index
          %get3A_478 = tpu.vector_load %arg7[%get3A_476, %get3A_477] {strides = array<i32>} : memref<40x512xf32, #tpu.memory_space<vmem>>, vector<1x16xf32>,
          %get3A_479 = vector.shape_cast %get3A_478 : vector<1x16xf32> to vector<16xf32>
          %swap3A_480 = arith.constant 3 : i32
          %swap3A_481 = arith.index_cast %swap3A_480 : i32 to index
          %swap3A_482 = arith.index_cast %scan3A_235 : i32 to index
          %swap3A_483 = arith.constant 352 : index
          %swap3A_484 = tpu.vector_load %arg8[%swap3A_481, %swap3A_482, %swap3A_483] {strides = array<i32>} : memref<4x40x512xf32, #tpu.memory_space<vmem>>, vector<1x1x16xf32>,
          %swap3A_485 = vector.shape_cast %swap3A_484 : vector<1x1x16xf32> to vector<16xf32>
          %swap3A_486 = vector.shape_cast %get3A_479 : vector<16xf32> to vector<1x1x16xf32>
          tpu.vector_store %arg8[%swap3A_481, %swap3A_482, %swap3A_483], %swap3A_486 {add = true, strides = array<i32>} : memref<4x40x512xf32, #tpu.memory_space<vmem>>, vector<1x1x16xf32>,
          %get3A_487 = arith.index_cast %scan3A_235 : i32 to index
          %get3A_488 = arith.constant 368 : index
          %get3A_489 = tpu.vector_load %arg7[%get3A_487, %get3A_488] {strides = array<i32>} : memref<40x512xf32, #tpu.memory_space<vmem>>, vector<1x16xf32>,
          %get3A_490 = vector.shape_cast %get3A_489 : vector<1x16xf32> to vector<16xf32>
          %swap3A_491 = arith.constant 3 : i32
          %swap3A_492 = arith.index_cast %swap3A_491 : i32 to index
          %swap3A_493 = arith.index_cast %scan3A_235 : i32 to index
          %swap3A_494 = arith.constant 368 : index
          %swap3A_495 = tpu.vector_load %arg8[%swap3A_492, %swap3A_493, %swap3A_494] {strides = array<i32>} : memref<4x40x512xf32, #tpu.memory_space<vmem>>, vector<1x1x16xf32>,
          %swap3A_496 = vector.shape_cast %swap3A_495 : vector<1x1x16xf32> to vector<16xf32>
          %swap3A_497 = vector.shape_cast %get3A_490 : vector<16xf32> to vector<1x1x16xf32>
          tpu.vector_store %arg8[%swap3A_492, %swap3A_493, %swap3A_494], %swap3A_497 {add = true, strides = array<i32>} : memref<4x40x512xf32, #tpu.memory_space<vmem>>, vector<1x1x16xf32>,
          %get3A_498 = arith.index_cast %scan3A_235 : i32 to index
          %get3A_499 = arith.constant 384 : index
          %get3A_500 = tpu.vector_load %arg7[%get3A_498, %get3A_499] {strides = array<i32>} : memref<40x512xf32, #tpu.memory_space<vmem>>, vector<1x16xf32>,
          %get3A_501 = vector.shape_cast %get3A_500 : vector<1x16xf32> to vector<16xf32>
          %swap3A_502 = arith.constant 3 : i32
          %swap3A_503 = arith.index_cast %swap3A_502 : i32 to index
          %swap3A_504 = arith.index_cast %scan3A_235 : i32 to index
          %swap3A_505 = arith.constant 384 : index
          %swap3A_506 = tpu.vector_load %arg8[%swap3A_503, %swap3A_504, %swap3A_505] {strides = array<i32>} : memref<4x40x512xf32, #tpu.memory_space<vmem>>, vector<1x1x16xf32>,
          %swap3A_507 = vector.shape_cast %swap3A_506 : vector<1x1x16xf32> to vector<16xf32>
          %swap3A_508 = vector.shape_cast %get3A_501 : vector<16xf32> to vector<1x1x16xf32>
          tpu.vector_store %arg8[%swap3A_503, %swap3A_504, %swap3A_505], %swap3A_508 {add = true, strides = array<i32>} : memref<4x40x512xf32, #tpu.memory_space<vmem>>, vector<1x1x16xf32>,
          %get3A_509 = arith.index_cast %scan3A_235 : i32 to index
          %get3A_510 = arith.constant 400 : index
          %get3A_511 = tpu.vector_load %arg7[%get3A_509, %get3A_510] {strides = array<i32>} : memref<40x512xf32, #tpu.memory_space<vmem>>, vector<1x16xf32>,
          %get3A_512 = vector.shape_cast %get3A_511 : vector<1x16xf32> to vector<16xf32>
          %swap3A_513 = arith.constant 3 : i32
          %swap3A_514 = arith.index_cast %swap3A_513 : i32 to index
          %swap3A_515 = arith.index_cast %scan3A_235 : i32 to index
          %swap3A_516 = arith.constant 400 : index
          %swap3A_517 = tpu.vector_load %arg8[%swap3A_514, %swap3A_515, %swap3A_516] {strides = array<i32>} : memref<4x40x512xf32, #tpu.memory_space<vmem>>, vector<1x1x16xf32>,
          %swap3A_518 = vector.shape_cast %swap3A_517 : vector<1x1x16xf32> to vector<16xf32>
          %swap3A_519 = vector.shape_cast %get3A_512 : vector<16xf32> to vector<1x1x16xf32>
          tpu.vector_store %arg8[%swap3A_514, %swap3A_515, %swap3A_516], %swap3A_519 {add = true, strides = array<i32>} : memref<4x40x512xf32, #tpu.memory_space<vmem>>, vector<1x1x16xf32>,
          %get3A_520 = arith.index_cast %scan3A_235 : i32 to index
          %get3A_521 = arith.constant 416 : index
          %get3A_522 = tpu.vector_load %arg7[%get3A_520, %get3A_521] {strides = array<i32>} : memref<40x512xf32, #tpu.memory_space<vmem>>, vector<1x16xf32>,
          %get3A_523 = vector.shape_cast %get3A_522 : vector<1x16xf32> to vector<16xf32>
          %swap3A_524 = arith.constant 3 : i32
          %swap3A_525 = arith.index_cast %swap3A_524 : i32 to index
          %swap3A_526 = arith.index_cast %scan3A_235 : i32 to index
          %swap3A_527 = arith.constant 416 : index
          %swap3A_528 = tpu.vector_load %arg8[%swap3A_525, %swap3A_526, %swap3A_527] {strides = array<i32>} : memref<4x40x512xf32, #tpu.memory_space<vmem>>, vector<1x1x16xf32>,
          %swap3A_529 = vector.shape_cast %swap3A_528 : vector<1x1x16xf32> to vector<16xf32>
          %swap3A_530 = vector.shape_cast %get3A_523 : vector<16xf32> to vector<1x1x16xf32>
          tpu.vector_store %arg8[%swap3A_525, %swap3A_526, %swap3A_527], %swap3A_530 {add = true, strides = array<i32>} : memref<4x40x512xf32, #tpu.memory_space<vmem>>, vector<1x1x16xf32>,
          %get3A_531 = arith.index_cast %scan3A_235 : i32 to index
          %get3A_532 = arith.constant 432 : index
          %get3A_533 = tpu.vector_load %arg7[%get3A_531, %get3A_532] {strides = array<i32>} : memref<40x512xf32, #tpu.memory_space<vmem>>, vector<1x16xf32>,
          %get3A_534 = vector.shape_cast %get3A_533 : vector<1x16xf32> to vector<16xf32>
          %swap3A_535 = arith.constant 3 : i32
          %swap3A_536 = arith.index_cast %swap3A_535 : i32 to index
          %swap3A_537 = arith.index_cast %scan3A_235 : i32 to index
          %swap3A_538 = arith.constant 432 : index
          %swap3A_539 = tpu.vector_load %arg8[%swap3A_536, %swap3A_537, %swap3A_538] {strides = array<i32>} : memref<4x40x512xf32, #tpu.memory_space<vmem>>, vector<1x1x16xf32>,
          %swap3A_540 = vector.shape_cast %swap3A_539 : vector<1x1x16xf32> to vector<16xf32>
          %swap3A_541 = vector.shape_cast %get3A_534 : vector<16xf32> to vector<1x1x16xf32>
          tpu.vector_store %arg8[%swap3A_536, %swap3A_537, %swap3A_538], %swap3A_541 {add = true, strides = array<i32>} : memref<4x40x512xf32, #tpu.memory_space<vmem>>, vector<1x1x16xf32>,
          %get3A_542 = arith.index_cast %scan3A_235 : i32 to index
          %get3A_543 = arith.constant 448 : index
          %get3A_544 = tpu.vector_load %arg7[%get3A_542, %get3A_543] {strides = array<i32>} : memref<40x512xf32, #tpu.memory_space<vmem>>, vector<1x16xf32>,
          %get3A_545 = vector.shape_cast %get3A_544 : vector<1x16xf32> to vector<16xf32>
          %swap3A_546 = arith.constant 3 : i32
          %swap3A_547 = arith.index_cast %swap3A_546 : i32 to index
          %swap3A_548 = arith.index_cast %scan3A_235 : i32 to index
          %swap3A_549 = arith.constant 448 : index
          %swap3A_550 = tpu.vector_load %arg8[%swap3A_547, %swap3A_548, %swap3A_549] {strides = array<i32>} : memref<4x40x512xf32, #tpu.memory_space<vmem>>, vector<1x1x16xf32>,
          %swap3A_551 = vector.shape_cast %swap3A_550 : vector<1x1x16xf32> to vector<16xf32>
          %swap3A_552 = vector.shape_cast %get3A_545 : vector<16xf32> to vector<1x1x16xf32>
          tpu.vector_store %arg8[%swap3A_547, %swap3A_548, %swap3A_549], %swap3A_552 {add = true, strides = array<i32>} : memref<4x40x512xf32, #tpu.memory_space<vmem>>, vector<1x1x16xf32>,
          %get3A_553 = arith.index_cast %scan3A_235 : i32 to index
          %get3A_554 = arith.constant 464 : index
          %get3A_555 = tpu.vector_load %arg7[%get3A_553, %get3A_554] {strides = array<i32>} : memref<40x512xf32, #tpu.memory_space<vmem>>, vector<1x16xf32>,
          %get3A_556 = vector.shape_cast %get3A_555 : vector<1x16xf32> to vector<16xf32>
          %swap3A_557 = arith.constant 3 : i32
          %swap3A_558 = arith.index_cast %swap3A_557 : i32 to index
          %swap3A_559 = arith.index_cast %scan3A_235 : i32 to index
          %swap3A_560 = arith.constant 464 : index
          %swap3A_561 = tpu.vector_load %arg8[%swap3A_558, %swap3A_559, %swap3A_560] {strides = array<i32>} : memref<4x40x512xf32, #tpu.memory_space<vmem>>, vector<1x1x16xf32>,
          %swap3A_562 = vector.shape_cast %swap3A_561 : vector<1x1x16xf32> to vector<16xf32>
          %swap3A_563 = vector.shape_cast %get3A_556 : vector<16xf32> to vector<1x1x16xf32>
          tpu.vector_store %arg8[%swap3A_558, %swap3A_559, %swap3A_560], %swap3A_563 {add = true, strides = array<i32>} : memref<4x40x512xf32, #tpu.memory_space<vmem>>, vector<1x1x16xf32>,
          %get3A_564 = arith.index_cast %scan3A_235 : i32 to index
          %get3A_565 = arith.constant 480 : index
          %get3A_566 = tpu.vector_load %arg7[%get3A_564, %get3A_565] {strides = array<i32>} : memref<40x512xf32, #tpu.memory_space<vmem>>, vector<1x16xf32>,
          %get3A_567 = vector.shape_cast %get3A_566 : vector<1x16xf32> to vector<16xf32>
          %swap3A_568 = arith.constant 3 : i32
          %swap3A_569 = arith.index_cast %swap3A_568 : i32 to index
          %swap3A_570 = arith.index_cast %scan3A_235 : i32 to index
          %swap3A_571 = arith.constant 480 : index
          %swap3A_572 = tpu.vector_load %arg8[%swap3A_569, %swap3A_570, %swap3A_571] {strides = array<i32>} : memref<4x40x512xf32, #tpu.memory_space<vmem>>, vector<1x1x16xf32>,
          %swap3A_573 = vector.shape_cast %swap3A_572 : vector<1x1x16xf32> to vector<16xf32>
          %swap3A_574 = vector.shape_cast %get3A_567 : vector<16xf32> to vector<1x1x16xf32>
          tpu.vector_store %arg8[%swap3A_569, %swap3A_570, %swap3A_571], %swap3A_574 {add = true, strides = array<i32>} : memref<4x40x512xf32, #tpu.memory_space<vmem>>, vector<1x1x16xf32>,
          %get3A_575 = arith.index_cast %scan3A_235 : i32 to index
          %get3A_576 = arith.constant 496 : index
          %get3A_577 = tpu.vector_load %arg7[%get3A_575, %get3A_576] {strides = array<i32>} : memref<40x512xf32, #tpu.memory_space<vmem>>, vector<1x16xf32>,
          %get3A_578 = vector.shape_cast %get3A_577 : vector<1x16xf32> to vector<16xf32>
          %swap3A_579 = arith.constant 3 : i32
          %swap3A_580 = arith.index_cast %swap3A_579 : i32 to index
          %swap3A_581 = arith.index_cast %scan3A_235 : i32 to index
          %swap3A_582 = arith.constant 496 : index
          %swap3A_583 = tpu.vector_load %arg8[%swap3A_580, %swap3A_581, %swap3A_582] {strides = array<i32>} : memref<4x40x512xf32, #tpu.memory_space<vmem>>, vector<1x1x16xf32>,
          %swap3A_584 = vector.shape_cast %swap3A_583 : vector<1x1x16xf32> to vector<16xf32>
          %swap3A_585 = vector.shape_cast %get3A_578 : vector<16xf32> to vector<1x1x16xf32>
          tpu.vector_store %arg8[%swap3A_580, %swap3A_581, %swap3A_582], %swap3A_585 {add = true, strides = array<i32>} : memref<4x40x512xf32, #tpu.memory_space<vmem>>, vector<1x1x16xf32>,
        }
        %scan3A_211 = arith.constant 40 : i32
        %add3A_212 = arith.addi %mul3A_2, %add3A_195 : i32
        %dma_start3A_213 = arith.constant 3 : i32
        %dma_start3A_214 = arith.constant 0 : i32
        %dma_start3A_215 = arith.constant 0 : i32
        %dma_start3A_216 = tpu.memref_slice %arg8[%dma_start3A_213, %dma_start3A_214, %dma_start3A_215] : memref<4x40x512xf32, #tpu.memory_space<vmem>> -> memref<1x40x512xf32, #tpu.memory_space<vmem>>
        %dma_start3A_217 = tpu.memref_squeeze %dma_start3A_216 : memref<1x40x512xf32, #tpu.memory_space<vmem>> -> memref<40x512xf32, #tpu.memory_space<vmem>>
        %dma_start3A_218 = arith.constant 0 : i32
        %dma_start3A_219 = tpu.memref_slice %arg5[%add3A_212, %mul3A_10, %dma_start3A_218] : memref<1024x200x512xf32, #tpu.memory_space<hbm>> -> memref<1x40x512xf32, #tpu.memory_space<hbm>>
        %dma_start3A_220 = tpu.memref_squeeze %dma_start3A_219 : memref<1x40x512xf32, #tpu.memory_space<hbm>> -> memref<40x512xf32, #tpu.memory_space<hbm>>
        %dma_start3A_221 = arith.constant 0 : i32
        %dma_start3A_222 = tpu.memref_slice %arg5[%add3A_212, %mul3A_10, %dma_start3A_221] : memref<1024x200x512xf32, #tpu.memory_space<hbm>> -> memref<1x40x512xf32, #tpu.memory_space<hbm>>
        %dma_start3A_223 = tpu.memref_squeeze %dma_start3A_222 : memref<1x40x512xf32, #tpu.memory_space<hbm>> -> memref<40x512xf32, #tpu.memory_space<hbm>>
        %dma_start3A_224 = arith.constant 0 : i32
        %dma_start3A_225 = arith.constant 0 : i32
        %dma_start3A_226 = tpu.memref_slice %arg8[%dma_start3A_213, %dma_start3A_224, %dma_start3A_225] : memref<4x40x512xf32, #tpu.memory_space<vmem>> -> memref<1x40x512xf32, #tpu.memory_space<vmem>>
        %dma_start3A_227 = tpu.memref_squeeze %dma_start3A_226 : memref<1x40x512xf32, #tpu.memory_space<vmem>> -> memref<40x512xf32, #tpu.memory_space<vmem>>
        tpu.enqueue_dma source(%dma_start3A_227 : memref<40x512xf32, #tpu.memory_space<vmem>>) target(%dma_start3A_223 : memref<40x512xf32, #tpu.memory_space<hbm>>) target_semaphore(%arg16 : memref<!tpu.dma_semaphore, #tpu.memory_space<semaphore_mem>>)
        %add3A_228 = arith.constant 2 : i32
        %add3A_229 = arith.addi %add3A_195, %add3A_228 : i32
        %lt3A_230 = arith.constant 32 : i32
        %lt3A_231 = arith.cmpi slt, %add3A_229, %lt3A_230 : i32
        %convert_element_type3A_232 = arith.extui %lt3A_231 : i1 to i32
        %cond3A_233 = arith.constant 0 : i32
        %cond3A_234 = arith.cmpi ne, %convert_element_type3A_232, %cond3A_233 : i32
        scf.if %cond3A_234 {
          %sub3A = arith.constant 4 : i32
          %sub3A_235 = arith.subi %add3A_229, %sub3A : i32
          %ge3A = arith.constant 0 : i32
          %ge3A_236 = arith.cmpi sge, %sub3A_235, %ge3A : i32
          %convert_element_type3A_237 = arith.extui %ge3A_236 : i1 to i32
          %cond3A_238 = arith.constant 0 : i32
          %cond3A_239 = arith.cmpi ne, %convert_element_type3A_237, %cond3A_238 : i32
          scf.if %cond3A_239 {
            %add3A_250 = arith.addi %mul3A_2, %sub3A_235 : i32
            %dma_wait3A_251 = arith.constant 1 : i32
            %dma_wait3A_252 = arith.constant 0 : i32
            %dma_wait3A_253 = arith.constant 0 : i32
            %dma_wait3A_254 = tpu.memref_slice %arg8[%dma_wait3A_251, %dma_wait3A_252, %dma_wait3A_253] : memref<4x40x512xf32, #tpu.memory_space<vmem>> -> memref<1x40x512xf32, #tpu.memory_space<vmem>>
            %dma_wait3A_255 = tpu.memref_squeeze %dma_wait3A_254 : memref<1x40x512xf32, #tpu.memory_space<vmem>> -> memref<40x512xf32, #tpu.memory_space<vmem>>
            %dma_wait3A_256 = arith.constant 0 : i32
            %dma_wait3A_257 = tpu.memref_slice %arg5[%add3A_250, %mul3A_10, %dma_wait3A_256] : memref<1024x200x512xf32, #tpu.memory_space<hbm>> -> memref<1x40x512xf32, #tpu.memory_space<hbm>>
            %dma_wait3A_258 = tpu.memref_squeeze %dma_wait3A_257 : memref<1x40x512xf32, #tpu.memory_space<hbm>> -> memref<40x512xf32, #tpu.memory_space<hbm>>
            %dma_wait3A_259 = arith.constant 0 : i32
            %dma_wait3A_260 = tpu.memref_slice %arg5[%add3A_250, %mul3A_10, %dma_wait3A_259] : memref<1024x200x512xf32, #tpu.memory_space<hbm>> -> memref<1x40x512xf32, #tpu.memory_space<hbm>>
            %dma_wait3A_261 = tpu.memref_squeeze %dma_wait3A_260 : memref<1x40x512xf32, #tpu.memory_space<hbm>> -> memref<40x512xf32, #tpu.memory_space<hbm>>
            %dma_wait3A_262 = arith.constant 0 : i32
            %dma_wait3A_263 = arith.constant 0 : i32
            %dma_wait3A_264 = tpu.memref_slice %arg8[%dma_wait3A_251, %dma_wait3A_262, %dma_wait3A_263] : memref<4x40x512xf32, #tpu.memory_space<vmem>> -> memref<1x40x512xf32, #tpu.memory_space<vmem>>
            %dma_wait3A_265 = tpu.memref_squeeze %dma_wait3A_264 : memref<1x40x512xf32, #tpu.memory_space<vmem>> -> memref<40x512xf32, #tpu.memory_space<vmem>>
            tpu.wait_dma2 semaphore(%arg14 : memref<!tpu.dma_semaphore, #tpu.memory_space<semaphore_mem>>) src(%dma_wait3A_265 : memref<40x512xf32, #tpu.memory_space<vmem>>) dst(%dma_wait3A_261 : memref<40x512xf32, #tpu.memory_space<hbm>>)
          } else {
          }
          %dma_start3A_240 = arith.constant 1 : i32
          %dma_start3A_241 = arith.constant 0 : i32
          %dma_start3A_242 = arith.constant 0 : i32
          %dma_start3A_243 = tpu.memref_slice %arg8[%dma_start3A_240, %dma_start3A_241, %dma_start3A_242] : memref<4x40x512xf32, #tpu.memory_space<vmem>> -> memref<1x40x512xf32, #tpu.memory_space<vmem>>
          %dma_start3A_244 = tpu.memref_squeeze %dma_start3A_243 : memref<1x40x512xf32, #tpu.memory_space<vmem>> -> memref<40x512xf32, #tpu.memory_space<vmem>>
          %dma_start3A_245 = tpu.memref_slice %arg6[%add3A_229, %mul3A_10] : memref<32x200xi32, #tpu.memory_space<vmem>> -> memref<1x40xi32, #tpu.memory_space<vmem>>
          %dma_start3A_246 = tpu.memref_squeeze %dma_start3A_245 : memref<1x40xi32, #tpu.memory_space<vmem>> -> memref<40xi32, #tpu.memory_space<vmem>>
          %dma_start3A_247 = arith.constant 0 : i32
          %dma_start3A_248 = arith.constant 0 : i32
          %dma_start3A_249 = tpu.memref_slice %arg2[%dma_start3A_247, %dma_start3A_248] : memref<1000x512xf32, #tpu.memory_space<hbm>> -> memref<1000x512xf32, #tpu.memory_space<hbm>>
          tpu.enqueue_indirect_dma source(%dma_start3A_249 : memref<1000x512xf32, #tpu.memory_space<hbm>>) target(%dma_start3A_244 : memref<40x512xf32, #tpu.memory_space<vmem>>) offsets(%dma_start3A_246 : memref<40xi32, #tpu.memory_space<vmem>>) semaphore(%arg10 : memref<!tpu.dma_semaphore, #tpu.memory_space<semaphore_mem>>)
        } else {
        }
      }
      %scan3A_37 = arith.constant 8 : i32
      %add3A_38 = arith.constant 30 : i32
      %add3A_39 = arith.addi %mul3A_2, %add3A_38 : i32
      %dma_wait3A = arith.constant 2 : i32
      %dma_wait3A_40 = arith.constant 0 : i32
      %dma_wait3A_41 = arith.constant 0 : i32
      %dma_wait3A_42 = tpu.memref_slice %arg8[%dma_wait3A, %dma_wait3A_40, %dma_wait3A_41] : memref<4x40x512xf32, #tpu.memory_space<vmem>> -> memref<1x40x512xf32, #tpu.memory_space<vmem>>
      %dma_wait3A_43 = tpu.memref_squeeze %dma_wait3A_42 : memref<1x40x512xf32, #tpu.memory_space<vmem>> -> memref<40x512xf32, #tpu.memory_space<vmem>>
      %dma_wait3A_44 = arith.constant 0 : i32
      %dma_wait3A_45 = tpu.memref_slice %arg5[%add3A_39, %mul3A_10, %dma_wait3A_44] : memref<1024x200x512xf32, #tpu.memory_space<hbm>> -> memref<1x40x512xf32, #tpu.memory_space<hbm>>
      %dma_wait3A_46 = tpu.memref_squeeze %dma_wait3A_45 : memref<1x40x512xf32, #tpu.memory_space<hbm>> -> memref<40x512xf32, #tpu.memory_space<hbm>>
      %dma_wait3A_47 = arith.constant 0 : i32
      %dma_wait3A_48 = tpu.memref_slice %arg5[%add3A_39, %mul3A_10, %dma_wait3A_47] : memref<1024x200x512xf32, #tpu.memory_space<hbm>> -> memref<1x40x512xf32, #tpu.memory_space<hbm>>
      %dma_wait3A_49 = tpu.memref_squeeze %dma_wait3A_48 : memref<1x40x512xf32, #tpu.memory_space<hbm>> -> memref<40x512xf32, #tpu.memory_space<hbm>>
      %dma_wait3A_50 = arith.constant 0 : i32
      %dma_wait3A_51 = arith.constant 0 : i32
      %dma_wait3A_52 = tpu.memref_slice %arg8[%dma_wait3A, %dma_wait3A_50, %dma_wait3A_51] : memref<4x40x512xf32, #tpu.memory_space<vmem>> -> memref<1x40x512xf32, #tpu.memory_space<vmem>>
      %dma_wait3A_53 = tpu.memref_squeeze %dma_wait3A_52 : memref<1x40x512xf32, #tpu.memory_space<vmem>> -> memref<40x512xf32, #tpu.memory_space<vmem>>
      tpu.wait_dma2 semaphore(%arg15 : memref<!tpu.dma_semaphore, #tpu.memory_space<semaphore_mem>>) src(%dma_wait3A_53 : memref<40x512xf32, #tpu.memory_space<vmem>>) dst(%dma_wait3A_49 : memref<40x512xf32, #tpu.memory_space<hbm>>)
      %add3A_54 = arith.constant 31 : i32
      %add3A_55 = arith.addi %mul3A_2, %add3A_54 : i32
      %dma_wait3A_56 = arith.constant 3 : i32
      %dma_wait3A_57 = arith.constant 0 : i32
      %dma_wait3A_58 = arith.constant 0 : i32
      %dma_wait3A_59 = tpu.memref_slice %arg8[%dma_wait3A_56, %dma_wait3A_57, %dma_wait3A_58] : memref<4x40x512xf32, #tpu.memory_space<vmem>> -> memref<1x40x512xf32, #tpu.memory_space<vmem>>
      %dma_wait3A_60 = tpu.memref_squeeze %dma_wait3A_59 : memref<1x40x512xf32, #tpu.memory_space<vmem>> -> memref<40x512xf32, #tpu.memory_space<vmem>>
      %dma_wait3A_61 = arith.constant 0 : i32
      %dma_wait3A_62 = tpu.memref_slice %arg5[%add3A_55, %mul3A_10, %dma_wait3A_61] : memref<1024x200x512xf32, #tpu.memory_space<hbm>> -> memref<1x40x512xf32, #tpu.memory_space<hbm>>
      %dma_wait3A_63 = tpu.memref_squeeze %dma_wait3A_62 : memref<1x40x512xf32, #tpu.memory_space<hbm>> -> memref<40x512xf32, #tpu.memory_space<hbm>>
      %dma_wait3A_64 = arith.constant 0 : i32
      %dma_wait3A_65 = tpu.memref_slice %arg5[%add3A_55, %mul3A_10, %dma_wait3A_64] : memref<1024x200x512xf32, #tpu.memory_space<hbm>> -> memref<1x40x512xf32, #tpu.memory_space<hbm>>
      %dma_wait3A_66 = tpu.memref_squeeze %dma_wait3A_65 : memref<1x40x512xf32, #tpu.memory_space<hbm>> -> memref<40x512xf32, #tpu.memory_space<hbm>>
      %dma_wait3A_67 = arith.constant 0 : i32
      %dma_wait3A_68 = arith.constant 0 : i32
      %dma_wait3A_69 = tpu.memref_slice %arg8[%dma_wait3A_56, %dma_wait3A_67, %dma_wait3A_68] : memref<4x40x512xf32, #tpu.memory_space<vmem>> -> memref<1x40x512xf32, #tpu.memory_space<vmem>>
      %dma_wait3A_70 = tpu.memref_squeeze %dma_wait3A_69 : memref<1x40x512xf32, #tpu.memory_space<vmem>> -> memref<40x512xf32, #tpu.memory_space<vmem>>
      tpu.wait_dma2 semaphore(%arg16 : memref<!tpu.dma_semaphore, #tpu.memory_space<semaphore_mem>>) src(%dma_wait3A_70 : memref<40x512xf32, #tpu.memory_space<vmem>>) dst(%dma_wait3A_66 : memref<40x512xf32, #tpu.memory_space<hbm>>)
    }
    %scan3A_7 = arith.constant 5 : i32
    return
  }
}

module attributes {stable_mosaic.version = 14 : i64} {
  func.func @_prep_body(%arg0: memref<1024x200xi32, #tpu.memory_space<vmem>>, %arg1: memref<1024x200xi32, #tpu.memory_space<vmem>>, %arg2: memref<1000x512xf32, #tpu.memory_space<vmem>>, %arg3: memref<1000x512xf32, #tpu.memory_space<vmem>>, %arg4: memref<1000x512xbf16, #tpu.memory_space<vmem>>, %arg5: memref<1000x512xbf16, #tpu.memory_space<vmem>>, %arg6: memref<1024x200xf32, #tpu.memory_space<vmem>>, %arg7: memref<1024x200xf32, #tpu.memory_space<vmem>>) attributes {dimension_semantics = [], scalar_prefetch = 0 : i64, scratch_operands = 0 : i64, tpu.core_type = #tpu.core_type<tc>} {
    %get3A = arith.constant 0 : index
    %get3A_0 = arith.constant 0 : index
    %get3A_1 = vector.load %arg2[%get3A, %get3A_0] : memref<1000x512xf32, #tpu.memory_space<vmem>>, vector<1000x512xf32>
    %mul3A = arith.constant 22.6274166 : f32
    %mul3A_2 = vector.broadcast %mul3A : f32 to vector<1000x512xf32>
    %mul3A_3 = arith.mulf %get3A_1, %mul3A_2 : vector<1000x512xf32>
    %swap3A = arith.constant 0 : index
    %swap3A_4 = arith.constant 0 : index
    %swap3A_5 = vector.load %arg3[%swap3A, %swap3A_4] : memref<1000x512xf32, #tpu.memory_space<vmem>>, vector<1000x512xf32>
    tpu.vector_store %arg3[%swap3A, %swap3A_4], %mul3A_3 {strides = array<i32>} : memref<1000x512xf32, #tpu.memory_space<vmem>>, vector<1000x512xf32>,
    %convert_element_type3A = arith.truncf %mul3A_3 : vector<1000x512xf32> to vector<1000x512xbf16>
    %swap3A_6 = arith.constant 0 : index
    %swap3A_7 = arith.constant 0 : index
    %swap3A_8 = vector.load %arg4[%swap3A_6, %swap3A_7] : memref<1000x512xbf16, #tpu.memory_space<vmem>>, vector<1000x512xbf16>
    tpu.vector_store %arg4[%swap3A_6, %swap3A_7], %convert_element_type3A {strides = array<i32>} : memref<1000x512xbf16, #tpu.memory_space<vmem>>, vector<1000x512xbf16>,
    %convert_element_type3A_9 = arith.extf %convert_element_type3A : vector<1000x512xbf16> to vector<1000x512xf32>
    %sub3A = arith.subf %mul3A_3, %convert_element_type3A_9 : vector<1000x512xf32>
    %convert_element_type3A_10 = arith.truncf %sub3A : vector<1000x512xf32> to vector<1000x512xbf16>
    %swap3A_11 = arith.constant 0 : index
    %swap3A_12 = arith.constant 0 : index
    %swap3A_13 = vector.load %arg5[%swap3A_11, %swap3A_12] : memref<1000x512xbf16, #tpu.memory_space<vmem>>, vector<1000x512xbf16>
    tpu.vector_store %arg5[%swap3A_11, %swap3A_12], %convert_element_type3A_10 {strides = array<i32>} : memref<1000x512xbf16, #tpu.memory_space<vmem>>, vector<1000x512xbf16>,
    %get3A_14 = arith.constant 0 : index
    %get3A_15 = arith.constant 0 : index
    %get3A_16 = vector.load %arg0[%get3A_14, %get3A_15] : memref<1024x200xi32, #tpu.memory_space<vmem>>, vector<1024x200xi32>
    %eq3A = arith.constant 0 : i32
    %eq3A_17 = vector.broadcast %eq3A : i32 to vector<1024x200xi32>
    %eq3A_18 = arith.cmpi eq, %get3A_16, %eq3A_17 : vector<1024x200xi32>
    %jit3A = arith.constant 0xFF800000 : f32
    %jit3A_19 = arith.constant 0.000000e+00 : f32
    %broadcast_in_dim3A = vector.broadcast %jit3A : f32 to vector<1024x200xf32>
    %broadcast_in_dim3A_20 = vector.broadcast %jit3A_19 : f32 to vector<1024x200xf32>
    %select_n3A = arith.select %eq3A_18, %broadcast_in_dim3A, %broadcast_in_dim3A_20 : vector<1024x200xi1>, vector<1024x200xf32>
    %swap3A_21 = arith.constant 0 : index
    %swap3A_22 = arith.constant 0 : index
    %swap3A_23 = vector.load %arg6[%swap3A_21, %swap3A_22] : memref<1024x200xf32, #tpu.memory_space<vmem>>, vector<1024x200xf32>
    tpu.vector_store %arg6[%swap3A_21, %swap3A_22], %select_n3A {strides = array<i32>} : memref<1024x200xf32, #tpu.memory_space<vmem>>, vector<1024x200xf32>,
    %get3A_24 = arith.constant 0 : index
    %get3A_25 = arith.constant 0 : index
    %get3A_26 = vector.load %arg1[%get3A_24, %get3A_25] : memref<1024x200xi32, #tpu.memory_space<vmem>>, vector<1024x200xi32>
    %eq3A_27 = arith.constant 0 : i32
    %eq3A_28 = vector.broadcast %eq3A_27 : i32 to vector<1024x200xi32>
    %eq3A_29 = arith.cmpi eq, %get3A_26, %eq3A_28 : vector<1024x200xi32>
    %jit3A_30 = arith.constant 0xFF800000 : f32
    %jit3A_31 = arith.constant 0.000000e+00 : f32
    %broadcast_in_dim3A_32 = vector.broadcast %jit3A_30 : f32 to vector<1024x200xf32>
    %broadcast_in_dim3A_33 = vector.broadcast %jit3A_31 : f32 to vector<1024x200xf32>
    %select_n3A_34 = arith.select %eq3A_29, %broadcast_in_dim3A_32, %broadcast_in_dim3A_33 : vector<1024x200xi1>, vector<1024x200xf32>
    %swap3A_35 = arith.constant 0 : index
    %swap3A_36 = arith.constant 0 : index
    %swap3A_37 = vector.load %arg7[%swap3A_35, %swap3A_36] : memref<1024x200xf32, #tpu.memory_space<vmem>>, vector<1024x200xf32>
    tpu.vector_store %arg7[%swap3A_35, %swap3A_36], %select_n3A_34 {strides = array<i32>} : memref<1024x200xf32, #tpu.memory_space<vmem>>, vector<1024x200xf32>,
    return
  }
}

module attributes {stable_mosaic.version = 14 : i64} {
  func.func @_ye_body(%arg0: i32, %arg1: memref<1x1x800xi32, #tpu.memory_space<vmem>>, %arg2: memref<1000x512xbf16, #tpu.memory_space<vmem>>, %arg3: memref<1000x512xbf16, #tpu.memory_space<vmem>>, %arg4: memref<200x512xf32, #tpu.memory_space<vmem>>, %arg5: memref<4x200x512xf32, #tpu.memory_space<vmem>>) attributes {dimension_semantics = [#tpu.dimension_semantics<arbitrary>], iteration_bounds = array<i64: 256>, scalar_prefetch = 0 : i64, scratch_operands = 0 : i64, tpu.core_type = #tpu.core_type<tc>, window_params = [{transform_indices = @transform_0, window_bounds = array<i64: 1, 1, 800>}, {pipeline_mode = #tpu.pipeline_mode<synchronous>, transform_indices = @transform_1, window_bounds = array<i64: 1000, 512>}, {pipeline_mode = #tpu.pipeline_mode<synchronous>, transform_indices = @transform_2, window_bounds = array<i64: 1000, 512>}, {pipeline_mode = #tpu.pipeline_mode<synchronous>, transform_indices = @transform_3, window_bounds = array<i64: 200, 512>}, {transform_indices = @transform_4, window_bounds = array<i64: 4, 200, 512>}]} {
    %get3A = arith.constant 0 : index
    %get3A_0 = arith.constant 0 : index
    %get3A_1 = arith.constant 0 : index
    %get3A_2 = vector.load %arg1[%get3A, %get3A_0, %get3A_1] : memref<1x1x800xi32, #tpu.memory_space<vmem>>, vector<1x1x800xi32>
    %get3A_3 = vector.shape_cast %get3A_2 : vector<1x1x800xi32> to vector<800xi32>
    %convert_element_type3A = arith.trunci %get3A_3 : vector<800xi32> to vector<800xi16>
    %iota3A = tpu.iota {dimensions = array<i32: 1>} : vector<800x1000xi16>
    %broadcast_in_dim3A = vector.shape_cast %convert_element_type3A : vector<800xi16> to vector<800x1xi16>
    %eq3A = vector.broadcast %broadcast_in_dim3A : vector<800x1xi16> to vector<800x1000xi16>
    %eq3A_4 = arith.cmpi eq, %iota3A, %eq3A : vector<800x1000xi16>
    %convert_element_type3A_5 = arith.extui %eq3A_4 : vector<800x1000xi1> to vector<800x1000xi32>
    %convert_element_type3A_6 = arith.sitofp %convert_element_type3A_5 : vector<800x1000xi32> to vector<800x1000xf32>
    %convert_element_type3A_7 = arith.truncf %convert_element_type3A_6 : vector<800x1000xf32> to vector<800x1000xbf16>
    %get3A_8 = arith.constant 0 : index
    %get3A_9 = arith.constant 0 : index
    %get3A_10 = vector.load %arg2[%get3A_8, %get3A_9] : memref<1000x512xbf16, #tpu.memory_space<vmem>>, vector<1000x512xbf16>
    %dot_general3A = arith.constant dense<0.000000e+00> : vector<800x512xf32>
    %dot_general3A_11 = tpu.matmul %convert_element_type3A_7, %get3A_10, %dot_general3A {dimension_numbers = #tpu.dot_dimension_numbers<[1], [0], [0], [1], [0, 0, 1, 1], [], []>, transpose_lhs_hint = false} : vector<800x1000xbf16>, vector<1000x512xbf16>, vector<800x512xf32> -> vector<800x512xf32>
    %get3A_12 = arith.constant 0 : index
    %get3A_13 = arith.constant 0 : index
    %get3A_14 = vector.load %arg4[%get3A_12, %get3A_13] : memref<200x512xf32, #tpu.memory_space<vmem>>, vector<200x512xf32>
    %slice3A = vector.extract_strided_slice %dot_general3A_11 {offsets = [0, 0], sizes = [200, 512], strides = [1, 1]} : vector<800x512xf32> to vector<200x512xf32>
    %add3A = arith.addf %slice3A, %get3A_14 : vector<200x512xf32>
    %swap3A = arith.constant 0 : index
    %swap3A_15 = arith.constant 0 : index
    %swap3A_16 = arith.constant 0 : index
    %swap3A_17 = vector.load %arg5[%swap3A, %swap3A_15, %swap3A_16] : memref<4x200x512xf32, #tpu.memory_space<vmem>>, vector<1x200x512xf32>
    %swap3A_18 = vector.shape_cast %swap3A_17 : vector<1x200x512xf32> to vector<200x512xf32>
    %swap3A_19 = vector.shape_cast %add3A : vector<200x512xf32> to vector<1x200x512xf32>
    tpu.vector_store %arg5[%swap3A, %swap3A_15, %swap3A_16], %swap3A_19 {strides = array<i32>} : memref<4x200x512xf32, #tpu.memory_space<vmem>>, vector<1x200x512xf32>,
    %slice3A_20 = vector.extract_strided_slice %dot_general3A_11 {offsets = [200, 0], sizes = [200, 512], strides = [1, 1]} : vector<800x512xf32> to vector<200x512xf32>
    %add3A_21 = arith.addf %slice3A_20, %get3A_14 : vector<200x512xf32>
    %swap3A_22 = arith.constant 1 : index
    %swap3A_23 = arith.constant 0 : index
    %swap3A_24 = arith.constant 0 : index
    %swap3A_25 = vector.load %arg5[%swap3A_22, %swap3A_23, %swap3A_24] : memref<4x200x512xf32, #tpu.memory_space<vmem>>, vector<1x200x512xf32>
    %swap3A_26 = vector.shape_cast %swap3A_25 : vector<1x200x512xf32> to vector<200x512xf32>
    %swap3A_27 = vector.shape_cast %add3A_21 : vector<200x512xf32> to vector<1x200x512xf32>
    tpu.vector_store %arg5[%swap3A_22, %swap3A_23, %swap3A_24], %swap3A_27 {strides = array<i32>} : memref<4x200x512xf32, #tpu.memory_space<vmem>>, vector<1x200x512xf32>,
    %slice3A_28 = vector.extract_strided_slice %dot_general3A_11 {offsets = [400, 0], sizes = [200, 512], strides = [1, 1]} : vector<800x512xf32> to vector<200x512xf32>
    %add3A_29 = arith.addf %slice3A_28, %get3A_14 : vector<200x512xf32>
    %swap3A_30 = arith.constant 2 : index
    %swap3A_31 = arith.constant 0 : index
    %swap3A_32 = arith.constant 0 : index
    %swap3A_33 = vector.load %arg5[%swap3A_30, %swap3A_31, %swap3A_32] : memref<4x200x512xf32, #tpu.memory_space<vmem>>, vector<1x200x512xf32>
    %swap3A_34 = vector.shape_cast %swap3A_33 : vector<1x200x512xf32> to vector<200x512xf32>
    %swap3A_35 = vector.shape_cast %add3A_29 : vector<200x512xf32> to vector<1x200x512xf32>
    tpu.vector_store %arg5[%swap3A_30, %swap3A_31, %swap3A_32], %swap3A_35 {strides = array<i32>} : memref<4x200x512xf32, #tpu.memory_space<vmem>>, vector<1x200x512xf32>,
    %slice3A_36 = vector.extract_strided_slice %dot_general3A_11 {offsets = [600, 0], sizes = [200, 512], strides = [1, 1]} : vector<800x512xf32> to vector<200x512xf32>
    %add3A_37 = arith.addf %slice3A_36, %get3A_14 : vector<200x512xf32>
    %swap3A_38 = arith.constant 3 : index
    %swap3A_39 = arith.constant 0 : index
    %swap3A_40 = arith.constant 0 : index
    %swap3A_41 = vector.load %arg5[%swap3A_38, %swap3A_39, %swap3A_40] : memref<4x200x512xf32, #tpu.memory_space<vmem>>, vector<1x200x512xf32>
    %swap3A_42 = vector.shape_cast %swap3A_41 : vector<1x200x512xf32> to vector<200x512xf32>
    %swap3A_43 = vector.shape_cast %add3A_37 : vector<200x512xf32> to vector<1x200x512xf32>
    tpu.vector_store %arg5[%swap3A_38, %swap3A_39, %swap3A_40], %swap3A_43 {strides = array<i32>} : memref<4x200x512xf32, #tpu.memory_space<vmem>>, vector<1x200x512xf32>,
    return
  }
  func.func @transform_0(%arg0: i32) -> (i32, i32, i32) {
    %c0_i32 = arith.constant 0 : i32
    %c0_i32_0 = arith.constant 0 : i32
    %c0_i32_1 = arith.constant 0 : i32
    return %arg0, %c0_i32, %c0_i32_0 : i32, i32, i32
  }
  func.func @transform_1(%arg0: i32) -> (i32, i32) {
    %c0_i32 = arith.constant 0 : i32
    %c0_i32_0 = arith.constant 0 : i32
    %c0_i32_1 = arith.constant 0 : i32
    return %c0_i32, %c0_i32_0 : i32, i32
  }
  func.func @transform_2(%arg0: i32) -> (i32, i32) {
    %c0_i32 = arith.constant 0 : i32
    %c0_i32_0 = arith.constant 0 : i32
    %c0_i32_1 = arith.constant 0 : i32
    return %c0_i32, %c0_i32_0 : i32, i32
  }
  func.func @transform_3(%arg0: i32) -> (i32, i32) {
    %c0_i32 = arith.constant 0 : i32
    %c0_i32_0 = arith.constant 0 : i32
    %c0_i32_1 = arith.constant 0 : i32
    return %c0_i32, %c0_i32_0 : i32, i32
  }
  func.func @transform_4(%arg0: i32) -> (i32, i32, i32) {
    %c0_i32 = arith.constant 0 : i32
    %c0_i32_0 = arith.constant 0 : i32
    %c0_i32_1 = arith.constant 0 : i32
    return %arg0, %c0_i32, %c0_i32_0 : i32, i32, i32
  }
}

</mosaic_0001>

<sc_bundles>
// kernel: kernel.5.cloned.1.call-start
scs
__scs_entry_jumppad:
0x0: {  	(pc) =	sbr.rel $0x88, $3  }
0x1: {  	(tag) =	ssettag $0x0;
	lr =	simm.s32 $0x1  }
0x2: {  	[smem:$0x3F9C] =	sst lr;
	_ =	strace $0xD0000000  }
0x3: {  	_ = 	snop  }
0x4: {  	_ = 	snop  }
0x5: {  	_ = 	snop  }
0x6: {  	_ = 	snop  }
0x7: {  	_ = 	snop  }
__scs_overlays_trampoline_lowered:
0x8: {  	[smem:$0x3FAB] =	sst s0  }
0x9: {  	[smem:$0x3FAC] =	sst s1  }
0xa: {  	[smem:$0x3FAD] =	sst s2  }
0xb: {  	[smem:$0x3FAE] =	sst s3  }
0xc: {  	[smem:$0x3FAF] =	sst s4  }
0xd: {  	[smem:$0x3FB0] =	sst s5  }
0xe: {  	[smem:$0x3FB1] =	sst s6  }
0xf: {  	[smem:$0x3FB2] =	sst s7  }
0x10: {  	[smem:$0x3FB3] =	sst s8  }
0x11: {  	[smem:$0x3FB4] =	sst s9;
	s0 =	simm.s32 @!p0 $0x0  }
0x12: {  	s1 =	sld [smem:$0x3F9A];
	s0 =	simm.s32 @p0 $0x1  }
0x13: {  	[smem:$0x3FB5] =	sst s0;
	s0 =	simm.s32 @!p1 $0x0  }
0x14: {  	s2 =	sld [smem:$0x3F99];
	s0 =	simm.s32 @p1 $0x1  }
0x15: {  	[smem:$0x3FB6] =	sst s0;
	s0 =	simm.s32 @!p2 $0x0  }
0x16: {  	s3 =	sld [smem:$0x3FDB];
	s0 =	simm.s32 @p2 $0x1  }
0x17: {  	s4 =	simm.s32 $0x1BF5;
	[smem:$0x3FB8] =	sst s0  }
0x18: {  	s0 =	sld [smem:$0x3F9B];
	_ =	swait.ge [sflag:s4], $0x0  }
0x19: {  	s7 =	sld [smem:$0x3F9C]  }
0x1a: {  	s8 =	sadd.s32 $0xFFFFE003, lr  }
0x1b: {  	s9 =	sadd.s32 $0xFFFFFEF7, lr;
	s5 =	simm.s32 $0xFFFFFFFF;
	p2 =	slt.u32 s8, $0xFFFFF086  }
0x1c: {  	p1 =	slt.u32 s9, $0xF7A;
	s5 =	simm.s32 @!p2 $0x0  }
0x1d: {  	s5 =	simm.s32 @p1 $0x1;
	p0 =	seq.s32 s7, s2  }
0x1e: {  	s7 =	smul.u32 @!p0 $0xF7A, s2;
	p2 =	seq.s32 @!p0 s5, $0x0  }
0x1f: {  	s9 =	smul.u32 $0xF7A, s1;
	s8 =	simm.s32 @!p0 $0x1BF5;
	p2 =	por !p2, p0  }
0x20: {  	[sflag:s8] =	ssyncset.s32 @!p0 $0xFFFFF086;
	s6 =	sadd.s32 @!p0 s3, s7;
	s7 =	simm.s32 @!p0 $0x108  }
0x21: {  	s3 =	sadd.s32 s3, s9;
	s6 =	sadd.s32 @!p0 $0x88, s6;
	s7 =	simm.s32 @p2 $0x1082  }
0x22: {  	[simem:s7], [sflag:s8] =	dma.local @!p0 [hbm:s6], $0xF7A  }
0x23: {  	s9 =	sor.u32 $0xD0000000, s2;
	s6 =	simm.s32 $0x108;
	_ =	swait.ge @!p0 [sflag:s8], $0x0  }
0x24: {  	s3 =	sadd.s32 $0x88, s3;
	s6 =	simm.s32 @!p1 $0x1082;
	[sflag:s4] =	ssyncset.s32 $0xFFFFF086  }
0x25: {  	[simem:s6], [sflag:s4] =	dma.local [hbm:s3], $0xF7A  }
0x26: {  	[smem:$0x3F9C] =	sst s1;
	(tag) =	ssettag s2;
	_ =	strace s9  }
0x27: {  	s1 =	sld [smem:$0x3FAC]  }
0x28: {  	s2 =	sld [smem:$0x3FAD]  }
0x29: {  	s4 =	sld [smem:$0x3FAF]  }
0x2a: {  	p0 =	seq.s32 s5, $0x0;
	s5 =	sld [smem:$0x3FB0]  }
0x2b: {  	s6 =	sld [smem:$0x3FB1]  }
0x2c: {  	s7 =	sld [smem:$0x3FB2]  }
0x2d: {  	s3 =	simm.s32 $0x108;
	s8 =	sld [smem:$0x3FB3]  }
0x2e: {  	s3 =	simm.s32 @!p0 $0x1082;
	s9 =	sld [smem:$0x3FB4]  }
0x2f: {  	lr =	sadd.s32 s0, s3;
	s0 =	sld [smem:$0x3FAB]  }
0x30: {  	s3 =	sld [smem:$0x3FAE]  }
0x31: {  	[smem:$0x3FB7] =	sst s10  }
0x32: {  	s10 =	sld [smem:$0x3FB5];
	_ =	sdelay $0x3  }
0x33: {  	p0 =	seq.s32 s10, $0x1;
	s10 =	sld [smem:$0x3FB7];
	_ =	sdelay $0x3  }
0x34: {  	[smem:$0x3FB7] =	sst s10  }
0x35: {  	s10 =	sld [smem:$0x3FB6];
	_ =	sdelay $0x3  }
0x36: {  	p1 =	seq.s32 s10, $0x1;
	s10 =	sld [smem:$0x3FB7];
	_ =	sdelay $0x3  }
0x37: {  	[smem:$0x3FB7] =	sst s10  }
0x38: {  	s10 =	sld [smem:$0x3FB8]  }
0x39: {  	_ = 	snop;
	(pc) =	sbr.ind lr, $3  }
0x3a: {  	_ = 	snop  }
0x3b: {  	_ = 	snop  }
0x3c: {  	p2 =	seq.s32 s10, $0x1;
	s10 =	sld [smem:$0x3FB7]  }
0x3d: {  	_ =	shalt  }
0x3e: {  	_ =	shalt  }
0x3f: {  	_ =	shalt  }
0x40: {  	_ =	shalt  }
0x41: {  	_ =	shalt  }
0x42: {  	_ =	shalt  }
0x43: {  	_ =	shalt  }
0x44: {  	_ =	shalt  }
0x45: {  	_ =	shalt  }
0x46: {  	_ =	shalt  }
0x47: {  	_ =	shalt  }
0x48: {  	_ =	shalt  }
0x49: {  	_ =	shalt  }
0x4a: {  	_ =	shalt  }
0x4b: {  	_ =	shalt  }
0x4c: {  	_ =	shalt  }
0x4d: {  	_ =	shalt  }
0x4e: {  	_ =	shalt  }
0x4f: {  	_ =	shalt  }
0x50: {  	_ =	shalt  }
0x51: {  	_ =	shalt  }
0x52: {  	_ =	shalt  }
0x53: {  	_ =	shalt  }
0x54: {  	_ =	shalt  }
0x55: {  	_ =	shalt  }
0x56: {  	_ =	shalt  }
0x57: {  	_ =	shalt  }
0x58: {  	_ =	shalt  }
0x59: {  	_ =	shalt  }
0x5a: {  	_ =	shalt  }
0x5b: {  	_ =	shalt  }
0x5c: {  	_ =	shalt  }
0x5d: {  	_ =	shalt  }
0x5e: {  	_ =	shalt  }
0x5f: {  	_ =	shalt  }
0x60: {  	_ =	shalt  }
0x61: {  	_ =	shalt  }
0x62: {  	_ =	shalt  }
0x63: {  	_ =	shalt  }
0x64: {  	_ =	shalt  }
0x65: {  	_ =	shalt  }
0x66: {  	_ =	shalt  }
0x67: {  	_ =	shalt  }
0x68: {  	_ =	shalt  }
0x69: {  	_ =	shalt  }
0x6a: {  	_ =	shalt  }
0x6b: {  	_ =	shalt  }
0x6c: {  	_ =	shalt  }
0x6d: {  	_ =	shalt  }
0x6e: {  	_ =	shalt  }
0x6f: {  	_ =	shalt  }
0x70: {  	_ =	shalt  }
0x71: {  	_ =	shalt  }
0x72: {  	_ =	shalt  }
0x73: {  	_ =	shalt  }
0x74: {  	_ =	shalt  }
0x75: {  	_ =	shalt  }
0x76: {  	_ =	shalt  }
0x77: {  	_ =	shalt  }
0x78: {  	_ =	shalt  }
0x79: {  	_ =	shalt  }
0x7a: {  	_ =	shalt  }
0x7b: {  	_ =	shalt  }
0x7c: {  	_ =	shalt  }
0x7d: {  	_ =	shalt  }
0x7e: {  	_ =	shalt  }
0x7f: {  	_ =	shalt  }
0x80: {  	_ =	shalt  }
0x81: {  	_ =	shalt  }
0x82: {  	_ =	shalt  }
0x83: {  	_ =	shalt  }
0x84: {  	_ =	shalt  }
0x85: {  	_ =	shalt  }
0x86: {  	_ =	shalt  }
0x87: {  	_ =	shalt  }
.Lfunc_end0:
.L_simem_size_0:
called_computation_lowered:
.L_overlay_start_0:
0x88: {  	s2 =	sld [smem:$0x3FD9]  }
0x89: {  	s3 =	sld [smem:$0x3FFE];
	_ =	sdelay $0x1  }
0x8a: {  	s1 =	srdreg.scid  }
0x8b: {  	s0 =	sand.u32 $0x1, s1  }
0x8c: {  	s14 =	sshll.u32 s0, $0xA;
	s2 =	sadd.s32 s3, s2  }
0x8d: {  	s2 =	sadd.s32 s2, s14  }
0x8e: {  	[smem:$0x3FC3] =	sst s2  }
0x8f: {  	_ = 	snop  }
0x90: {  	s2 =	sld [smem:$0x3FD0];
	_ =	sdelay $0x2  }
0x91: {  	s15 =	simm.s32 $0xA;
	s4 =	simm.s32 $0x10  }
0x92: {  	[smem:s4], [sflag:s15] =	dma.local [hbm:s2], $0x1  }
0x93: {  	_ =	swait.eq [sflag:s15], $0x1  }
0x94: {  	[sflag:s15] =	ssyncset.done $0x0  }
0x95: {  	s16 =	sld [smem:$0x10];
	[sflag:s15] =	ssyncadd.s32 $0xFFFFFFFF  }
0x96: {  	s17 =	sld [smem:$0x14];
	(tm) =	ssettm $0x1  }
0x97: {  	s18 =	sld [smem:$0x3FFB];
	_ =	sdelay $0x3  }
0x98: {  	_ =	strace s18  }
0x99: {  	s4 =	sld [smem:$0x3FFC];
	_ =	sdelay $0x3  }
0x9a: {  	_ =	strace s4  }
0x9b: {  	s4 =	sld [smem:$0x3FFD];
	_ =	sdelay $0x3  }
0x9c: {  	_ =	strace s4  }
0x9d: {  	_ =	strace $0x8FFFFFFF  }
0x9e: {  	s19 =	sld [smem:$0x3FDB];
	_ =	sdelay $0x1  }
0x9f: {  	s5 =	simm.s32 $_scs_section_size  }
0xa0: {  	s6 =	simm.s32 $_size__tile_overlayer_lowered;
	s7 =	simm.s32 $_tile_overlayer_lowered  }
0xa1: {  	s22 =	simm.s32 $0x1BFF;
	s21 =	sshll.u32 s7, $0x1;
	s4 =	sadd.s32 s5, s19  }
0xa2: {  	s8 =	simm.s32 $0x0;
	s20 =	sshll.u32 s6, $0x1;
	s6 =	sadd.s32 s21, s4  }
0xa3: {  	[timem:s8], [sflag:s22] =	dma.local [hbm:s6], s20  }
0xa4: {  	_ =	swait.ge [sflag:s22], s20  }
0xa5: {  	s5 =	ssub.s32 $0x0, s20;
	[sflag:s22] =	ssyncset.done $0x0  }
0xa6: {  	[sflag:s22] =	ssyncadd.s32 s5;
	_ =	sdelay $0x1  }
0xa7: {  	s23 =	simm.s32 $0x1B8B  }
0xa8: {  	_ =	swait.ge [sflag:s23], $0x1  }
0xa9: {  	[sflag:s23] =	ssyncset.done $0x0  }
0xaa: {  	s25 =	simm.s32 $0x1B8E;
	s24 =	sld [smem:$0x3FFE];
	[sflag:s23] =	ssyncadd.s32 $0xFFFFFFFF  }
0xab: {  	s26 =	simm.s32 $execute0_lowered;
	[smem:$0x3FD2] =	sst s25  }
0xac: {  	s6 =	sshll.u32 s26, $0x1;
	_ =	strace $0x80000046;
	[dreg:$0x1] =	wrdreg $0xFFFFFFFF  }
0xad: {  	s28 =	simm.s32 $_size_execute0_lowered;
	s4 =	sadd.s32 s4, s6;
	[dreg:$0x0] =	wrdreg $0x0  }
0xae: {  	s6 =	sshll.u32 s28, $0x1;
	[dreg:$0x2] =	wrdreg s4  }
0xaf: {  	[dreg:$0x3] =	wrdreg s6  }
0xb0: {  	[dreg:$0x4] =	wrdreg $0xC0  }
0xb1: {  	_ =	task [dreg:s8], $0x5FFFF  }
0xb2: {  	[dreg:$0x1] =	wrdreg $0xFFFFFFFF  }
0xb3: {  	[dreg:$0x0] =	wrdreg $0x60  }
0xb4: {  	[dreg:$0x2] =	wrdreg s16  }
0xb5: {  	[dreg:$0x3] =	wrdreg s17  }
0xb6: {  	[dreg:$0x4] =	wrdreg s24  }
0xb7: {  	[dreg:$0x5] =	wrdreg $0x9  }
0xb8: {  	_ =	task.clear_ibuf [dreg:s8], $0x6FFFF;
	_ =	strace $0x90000046  }
0xb9: {  	s29 =	simm.s32 $0x9;
	_ =	strace $0x80000048  }
0xba: {  	_ =	swait.ge [sflag:s29], $0x1  }
0xbb: {  	[sflag:s29] =	ssyncadd.s32 $0xFFFFFFFF  }
0xbc: {  	_ =	strace $0x90000048  }
0xbd: {  	_ =	sfence  }
0xbe: {  	s30 =	sld [smem:$0x0];
	_ =	sdelay $0x2  }
0xbf: {  	s31 =	sshll.u32 s1, $0xD;
	s1 =	sshrl.u32 s1, $0x2  }
0xc0: {  	s3 =	sand.u32 $0x4000, s31;
	s1 =	sadd.s32 s1, s30  }
0xc1: {  	s0 =	sor.u32 s3, s0;
	s1 =	sshll.u32 s1, $0x11  }
0xc2: {  	s0 =	sor.u32 s1, s0  }
0xc3: {  	s0 =	sadd.s32 $0x8F2B, s0  }
0xc4: {  	[sflag:s0] =	ssyncadd.remote.s32 $0x1  }
0xc5: {  	_ =	sfence.sel $0xFFFF  }
0xc6: {  	[dreg:$0x0] =	wrdreg $0xFFFFFFFF;
	(pc) =	sbr.abs _section_cstart, $3  }
0xc7: {  	[dreg:$0x1] =	wrdreg $0xFFFFFFFF  }
0xc8: {  	_ =	task.clear_ibuf [dreg:s8], $0x2FFFF;
	_ =	strace $0x9FFFFFFF  }
0xc9: {  	(tm) =	ssettm $0x7FFFFFFF  }
tec
execute0_lowered:
.L_overlay_start_1:
0x0: {  	(tag) =	ssettag $0x1  }
0x1: {  	s2 =	rddreg [dreg:$0x0]  }
0x2: {  	s0 =	rddreg [dreg:$0x1];
	s3 =	srdreg.scid  }
0x3: {  	s6 =	rddreg [dreg:$0x2];
	s1 =	stileid.u32;
	s10 =	simm.s32 $0x1900  }
0x4: {  	s11 =	simm.s32 $0x28;
	s12 =	simm.s32 $0x6900;
	s13 =	simm.s32 $0xB900  }
0x5: {  	s14 =	simm.s32 $0x1;
	s15 =	simm.s32 $0x10900;
	s16 =	simm.s32 $0x2  }
0x6: {  	s17 =	simm.s32 $0x15900;
	s18 =	simm.s32 $0x3;
	s19 =	simm.s32 $0x4  }
0x7: {  	s20 =	simm.s32 $0x7;
	s21 =	simm.s32 $0x8;
	s22 =	simm.s32 $0x6  }
0x8: {  	s23 =	simm.s32 $0x0;
	s4 =	sand.u32 $0x1, s3;
	s7 =	sshll.u32 s1, $0x5  }
.Ltmp0:
0x9: {  	s3 =	simm.s32 $0x0;
	s5 =	sshll.u32 s4, $0x9;
	(pc) =	sbr.rel .LBB2_1-.Ltmp0, $4  }
0xa: {  	s8 =	ssub.s32 $0x2, s4;
	[smem:$0x7FF] =	sst s3;
	s4 =	sor.u32 s7, s5  }
0xb: {  	s31 =	sshrl.u32 s8, $0x1;
	_ =	strace $0x80000047;
	s9 =	smul.u32 $0x19, s4  }
0xc: {  	s5 =	sadd.s32 $0x21600, s6;
	s6 =	sadd.s32 $0x24800, s6;
	s8 =	ssub.s32 s8, s31  }
0xd: {  	s8 =	smax.u32 s8, $0x1;
	s7 =	sadd.s32 s0, s9;
	s9 =	simm.s32 $0x9  }
.LBB2_14:
0xe: {  	s23 =	sadd.s32 $0x1, s23  }
0xf: {  	p0 =	sne.s32 s23, s8  }
.Ltmp1:
0x10: {  	_ = 	snop;
	(pc) =	sbr.rel @!p0 .LBB2_15-.Ltmp1, $1  }
0x11: {  	_ =	sdelay $0x3  }
.LBB2_1:
.Ltmp2:
0x12: {  	(pc) =	sbr.rel .LBB2_2-.Ltmp2, $4  }
0x13: {  	[tilespmem:s3], [sflag:$0x9] =	stream.linear.gather [hbm4b:s7+s3], $0x1900, $0x38;
	[tilespmem:$0x1A900] =	vst v63  }
0x14: {  	_ =	swait.ge [sflag:s9], $0x1900  }
0x15: {  	[sflag:s9] =	ssyncset.done $0x0  }
0x16: {  	s24 =	simm.s32 $0x0;
	[sflag:s9] =	ssyncadd.s32 $0xFFFFE700  }
.LBB2_13:
0x17: {  	s24 =	sadd.s32 $0x1, s24  }
0x18: {  	_ =	swait.ge [sflag:s20], $0x5000;
	p0 =	sne.s32 s24, $0x5  }
.Ltmp3:
0x19: {  	[sflag:s20] =	ssyncset.done $0x0;
	(pc) =	sbr.rel @!p0 .LBB2_14-.Ltmp3, $4  }
0x1a: {  	[sflag:s20] =	ssyncadd.s32 $0xFFFFB000  }
0x1b: {  	_ =	swait.ge [sflag:s21], $0x5000  }
0x1c: {  	[sflag:s21] =	ssyncset.done $0x0  }
0x1d: {  	[sflag:s21] =	ssyncadd.s32 $0xFFFFB000  }
.LBB2_2:
0x1e: {  	s25 =	smul.u32 $0x5000, s24;
	_ =	sdelay $0x1  }
0x1f: {  	s0 =	sshrl.u32 s25, $0x3  }
0x20: {  	s26 =	simm.s32 $0x0;
	s0 =	sadd.s32 s5, s0  }
0x21: {  	[tilespmem:s10], [sflag:$0x9] =	stream.linear.gather [hbm4b:s0+s26], $0x5000, $0x38;
	[tilespmem:$0x1A900] =	vst v63  }
0x22: {  	_ =	swait.ge [sflag:s9], $0x5000  }
0x23: {  	s28 =	smul.u32 $0x28, s24;
	[sflag:s9] =	ssyncset.done $0x0  }
0x24: {  	[sflag:s9] =	ssyncadd.s32 $0xFFFFB000  }
0x25: {  	[tilespmem:s12], [sflag:$0x1] =	stream.indirect.gather [hbm4b:s2+s11], $0x200, s28, s11, $0xb8;
	[tilespmem:$0x1A900] =	vst v63  }
0x26: {  	s31 =	sadd.s32 $0xC8, s28  }
0x27: {  	[tilespmem:s13], [sflag:$0x2] =	stream.indirect.gather [hbm4b:s2+s11], $0x200, s31, s11, $0xb8;
	[tilespmem:$0x1A900] =	vst v63  }
.LBB2_3:
0x28: {  	_ =	swait.ge [sflag:s14], $0x5000  }
0x29: {  	[sflag:s14] =	ssyncset.done $0x0  }
0x2a: {  	s30 =	simm.s32 $0x0;
	s29 =	simm.s32 $0x800;
	[sflag:s14] =	ssyncadd.s32 $0xFFFFB000  }
.LBB2_4:
0x2b: {  	p0 =	sne.s32 s29, $0x13800;
	v0 =	vld [tilespmem:s30+$0x1AF0]  }
0x2c: {  	v1 =	vld [tilespmem:s30+$0x1900]  }
0x2d: {  	v2 =	vld [tilespmem:s30+$0x1910]  }
0x2e: {  	v3 =	vld [tilespmem:s30+$0x1920]  }
0x2f: {  	v4 =	vld [tilespmem:s30+$0x1930]  }
0x30: {  	[tilespmem:s30+$0x6AF0] =	vst.add.f32.msk $0xffff, v0  }
0x31: {  	v0 =	vld [tilespmem:s30+$0x1940]  }
0x32: {  	v5 =	vld [tilespmem:s30+$0x1950]  }
0x33: {  	v6 =	vld [tilespmem:s30+$0x1960]  }
0x34: {  	v7 =	vld [tilespmem:s30+$0x1970]  }
0x35: {  	v8 =	vld [tilespmem:s30+$0x1980]  }
0x36: {  	v9 =	vld [tilespmem:s30+$0x1990]  }
0x37: {  	v10 =	vld [tilespmem:s30+$0x19A0]  }
0x38: {  	v11 =	vld [tilespmem:s30+$0x19B0]  }
0x39: {  	v12 =	vld [tilespmem:s30+$0x19C0]  }
0x3a: {  	v13 =	vld [tilespmem:s30+$0x19D0]  }
0x3b: {  	v14 =	vld [tilespmem:s30+$0x19E0]  }
0x3c: {  	v15 =	vld [tilespmem:s30+$0x19F0]  }
0x3d: {  	v16 =	vld [tilespmem:s30+$0x1A00]  }
0x3e: {  	v17 =	vld [tilespmem:s30+$0x1A10]  }
0x3f: {  	v18 =	vld [tilespmem:s30+$0x1A20]  }
0x40: {  	v19 =	vld [tilespmem:s30+$0x1A30]  }
0x41: {  	v20 =	vld [tilespmem:s30+$0x1A40]  }
0x42: {  	v21 =	vld [tilespmem:s30+$0x1A50]  }
0x43: {  	v22 =	vld [tilespmem:s30+$0x1A60]  }
0x44: {  	v23 =	vld [tilespmem:s30+$0x1A70]  }
0x45: {  	v24 =	vld [tilespmem:s30+$0x1A80]  }
0x46: {  	v25 =	vld [tilespmem:s30+$0x1A90]  }
0x47: {  	v26 =	vld [tilespmem:s30+$0x1AA0]  }
0x48: {  	v27 =	vld [tilespmem:s30+$0x1AB0]  }
0x49: {  	v28 =	vld [tilespmem:s30+$0x1AC0]  }
0x4a: {  	v29 =	vld [tilespmem:s30+$0x1AD0]  }
0x4b: {  	v30 =	vld [tilespmem:s30+$0x1AE0]  }
0x4c: {  	[tilespmem:s30+$0x6900] =	vst.add.f32.msk $0xffff, v1  }
0x4d: {  	[tilespmem:s30+$0x6910] =	vst.add.f32.msk $0xffff, v2  }
0x4e: {  	[tilespmem:s30+$0x6920] =	vst.add.f32.msk $0xffff, v3  }
0x4f: {  	[tilespmem:s30+$0x6930] =	vst.add.f32.msk $0xffff, v4  }
0x50: {  	[tilespmem:s30+$0x6940] =	vst.add.f32.msk $0xffff, v0  }
0x51: {  	[tilespmem:s30+$0x6950] =	vst.add.f32.msk $0xffff, v5  }
0x52: {  	[tilespmem:s30+$0x6960] =	vst.add.f32.msk $0xffff, v6  }
0x53: {  	[tilespmem:s30+$0x6970] =	vst.add.f32.msk $0xffff, v7  }
0x54: {  	[tilespmem:s30+$0x6980] =	vst.add.f32.msk $0xffff, v8  }
0x55: {  	[tilespmem:s30+$0x6990] =	vst.add.f32.msk $0xffff, v9  }
0x56: {  	[tilespmem:s30+$0x69A0] =	vst.add.f32.msk $0xffff, v10  }
0x57: {  	[tilespmem:s30+$0x69B0] =	vst.add.f32.msk $0xffff, v11  }
0x58: {  	[tilespmem:s30+$0x69C0] =	vst.add.f32.msk $0xffff, v12  }
0x59: {  	[tilespmem:s30+$0x69D0] =	vst.add.f32.msk $0xffff, v13  }
0x5a: {  	[tilespmem:s30+$0x69E0] =	vst.add.f32.msk $0xffff, v14  }
0x5b: {  	[tilespmem:s30+$0x69F0] =	vst.add.f32.msk $0xffff, v15  }
0x5c: {  	[tilespmem:s30+$0x6A00] =	vst.add.f32.msk $0xffff, v16  }
0x5d: {  	[tilespmem:s30+$0x6A10] =	vst.add.f32.msk $0xffff, v17  }
0x5e: {  	[tilespmem:s30+$0x6A20] =	vst.add.f32.msk $0xffff, v18  }
0x5f: {  	[tilespmem:s30+$0x6A30] =	vst.add.f32.msk $0xffff, v19  }
0x60: {  	[tilespmem:s30+$0x6A40] =	vst.add.f32.msk $0xffff, v20  }
0x61: {  	[tilespmem:s30+$0x6A50] =	vst.add.f32.msk $0xffff, v21  }
0x62: {  	[tilespmem:s30+$0x6A60] =	vst.add.f32.msk $0xffff, v22  }
0x63: {  	[tilespmem:s30+$0x6A70] =	vst.add.f32.msk $0xffff, v23  }
0x64: {  	[tilespmem:s30+$0x6A80] =	vst.add.f32.msk $0xffff, v24  }
0x65: {  	[tilespmem:s30+$0x6A90] =	vst.add.f32.msk $0xffff, v25  }
.Ltmp4:
0x66: {  	[tilespmem:s30+$0x6AA0] =	vst.add.f32.msk $0xffff, v26;
	(pc) =	sbr.rel @p0 .LBB2_4-.Ltmp4, $4  }
0x67: {  	[tilespmem:s30+$0x6AB0] =	vst.add.f32.msk $0xffff, v27  }
0x68: {  	[tilespmem:s30+$0x6AC0] =	vst.add.f32.msk $0xffff, v28  }
0x69: {  	[tilespmem:s30+$0x6AD0] =	vst.add.f32.msk $0xffff, v29  }
0x6a: {  	[tilespmem:s30+$0x6AE0] =	vst.add.f32.msk $0xffff, v30;
	s30 =	sshra.s32 s29, $0x2;
	s29 =	sadd.s32 $0x800, s29  }
0x6b: {  	v0 =	vld [tilespmem:s30+$0x1AF0]  }
0x6c: {  	v1 =	vld [tilespmem:s30+$0x1900]  }
0x6d: {  	v2 =	vld [tilespmem:s30+$0x1910]  }
0x6e: {  	v3 =	vld [tilespmem:s30+$0x1920]  }
0x6f: {  	v4 =	vld [tilespmem:s30+$0x1930]  }
0x70: {  	v63 =	vld [tilespmem:s30+$0x1940]  }
0x71: {  	v5 =	vld [tilespmem:s30+$0x1950]  }
0x72: {  	v6 =	vld [tilespmem:s30+$0x1960]  }
0x73: {  	v7 =	vld [tilespmem:s30+$0x1970]  }
0x74: {  	v8 =	vld [tilespmem:s30+$0x1980]  }
0x75: {  	v9 =	vld [tilespmem:s30+$0x1990]  }
0x76: {  	v10 =	vld [tilespmem:s30+$0x19A0]  }
0x77: {  	v11 =	vld [tilespmem:s30+$0x19B0]  }
0x78: {  	v12 =	vld [tilespmem:s30+$0x19C0]  }
0x79: {  	v13 =	vld [tilespmem:s30+$0x19D0]  }
0x7a: {  	v14 =	vld [tilespmem:s30+$0x19E0]  }
0x7b: {  	v15 =	vld [tilespmem:s30+$0x19F0]  }
0x7c: {  	v16 =	vld [tilespmem:s30+$0x1A00]  }
0x7d: {  	v17 =	vld [tilespmem:s30+$0x1A10]  }
0x7e: {  	v18 =	vld [tilespmem:s30+$0x1A20]  }
0x7f: {  	v19 =	vld [tilespmem:s30+$0x1A30]  }
0x80: {  	v20 =	vld [tilespmem:s30+$0x1A40]  }
0x81: {  	v21 =	vld [tilespmem:s30+$0x1A50]  }
0x82: {  	v22 =	vld [tilespmem:s30+$0x1A60]  }
0x83: {  	v23 =	vld [tilespmem:s30+$0x1A70]  }
0x84: {  	v24 =	vld [tilespmem:s30+$0x1A80]  }
0x85: {  	v25 =	vld [tilespmem:s30+$0x1A90]  }
0x86: {  	v26 =	vld [tilespmem:s30+$0x1AA0]  }
0x87: {  	v27 =	vld [tilespmem:s30+$0x1AB0]  }
0x88: {  	v28 =	vld [tilespmem:s30+$0x1AC0]  }
0x89: {  	v29 =	vld [tilespmem:s30+$0x1AD0]  }
0x8a: {  	v30 =	vld [tilespmem:s30+$0x1AE0]  }
0x8b: {  	[tilespmem:s30+$0x6AF0] =	vst.add.f32.msk $0xffff, v0  }
0x8c: {  	[tilespmem:s30+$0x6900] =	vst.add.f32.msk $0xffff, v1  }
0x8d: {  	[tilespmem:s30+$0x6910] =	vst.add.f32.msk $0xffff, v2  }
0x8e: {  	[tilespmem:s30+$0x6920] =	vst.add.f32.msk $0xffff, v3  }
0x8f: {  	[tilespmem:s30+$0x6930] =	vst.add.f32.msk $0xffff, v4  }
0x90: {  	[tilespmem:s30+$0x6940] =	vst.add.f32.msk $0xffff, v63  }
0x91: {  	[tilespmem:s30+$0x6950] =	vst.add.f32.msk $0xffff, v5  }
0x92: {  	[tilespmem:s30+$0x6960] =	vst.add.f32.msk $0xffff, v6  }
0x93: {  	[tilespmem:s30+$0x6970] =	vst.add.f32.msk $0xffff, v7  }
0x94: {  	[tilespmem:s30+$0x6980] =	vst.add.f32.msk $0xffff, v8  }
0x95: {  	[tilespmem:s30+$0x6990] =	vst.add.f32.msk $0xffff, v9  }
0x96: {  	[tilespmem:s30+$0x69A0] =	vst.add.f32.msk $0xffff, v10  }
0x97: {  	[tilespmem:s30+$0x69B0] =	vst.add.f32.msk $0xffff, v11  }
0x98: {  	[tilespmem:s30+$0x69C0] =	vst.add.f32.msk $0xffff, v12  }
0x99: {  	[tilespmem:s30+$0x69D0] =	vst.add.f32.msk $0xffff, v13  }
0x9a: {  	[tilespmem:s30+$0x69E0] =	vst.add.f32.msk $0xffff, v14  }
0x9b: {  	[tilespmem:s30+$0x69F0] =	vst.add.f32.msk $0xffff, v15  }
0x9c: {  	[tilespmem:s30+$0x6A00] =	vst.add.f32.msk $0xffff, v16  }
0x9d: {  	[tilespmem:s30+$0x6A10] =	vst.add.f32.msk $0xffff, v17  }
0x9e: {  	[tilespmem:s30+$0x6A20] =	vst.add.f32.msk $0xffff, v18  }
0x9f: {  	[tilespmem:s30+$0x6A30] =	vst.add.f32.msk $0xffff, v19  }
0xa0: {  	[tilespmem:s30+$0x6A40] =	vst.add.f32.msk $0xffff, v20  }
0xa1: {  	[tilespmem:s30+$0x6A50] =	vst.add.f32.msk $0xffff, v21  }
0xa2: {  	[tilespmem:s30+$0x6A60] =	vst.add.f32.msk $0xffff, v22  }
0xa3: {  	[tilespmem:s30+$0x6A70] =	vst.add.f32.msk $0xffff, v23  }
0xa4: {  	s29 =	sshll.u32 s26, $0x2;
	[tilespmem:s30+$0x6A80] =	vst.add.f32.msk $0xffff, v24  }
0xa5: {  	s0 =	sadd.s32 s4, s29;
	[tilespmem:s30+$0x6A90] =	vst.add.f32.msk $0xffff, v25  }
0xa6: {  	s0 =	smul.u32 $0x19000, s0;
	[tilespmem:s30+$0x6AA0] =	vst.add.f32.msk $0xffff, v26  }
0xa7: {  	[tilespmem:s30+$0x6AB0] =	vst.add.f32.msk $0xffff, v27  }
0xa8: {  	s0 =	sadd.s32 s25, s0;
	[tilespmem:s30+$0x6AC0] =	vst.add.f32.msk $0xffff, v28  }
0xa9: {  	[tilespmem:s30+$0x6AD0] =	vst.add.f32.msk $0xffff, v29;
	s0 =	sshrl.u32 s0, $0x3  }
0xaa: {  	p0 =	seq.s32 s26, $0x0;
	[tilespmem:s30+$0x6AE0] =	vst.add.f32.msk $0xffff, v30;
	s30 =	sor.u32 $0x2, s29;
	s0 =	sadd.s32 s6, s0  }
0xab: {  	[hbm4b:s0+s3] =	stream.linear.scatter [tilespmem:s12], [sflag:$0x5], $0x5000, $0x38;
	[tilespmem:$0x1A900] =	vst v63  }
0xac: {  	s31 =	smul.u32 $0x320, s30;
	s0 =	simm.s32 @!p0 $0x7  }
0xad: {  	_ =	swait.ge @!p0 [sflag:s0], $0x5000  }
0xae: {  	s31 =	sshra.s32 s31, $0x2;
	[sflag:s0] =	ssyncset.done @!p0 $0x0  }
0xaf: {  	[sflag:s0] =	ssyncadd.s32 @!p0 $0xFFFFB000;
	s0 =	sadd.s32 s31, s28  }
0xb0: {  	[tilespmem:s15], [sflag:$0x3] =	stream.indirect.gather [hbm4b:s2+s11], $0x200, s0, s11, $0xb8;
	[tilespmem:$0x1A900] =	vst v63  }
0xb1: {  	_ =	swait.ge [sflag:s16], $0x5000  }
0xb2: {  	[sflag:s16] =	ssyncset.done $0x0  }
0xb3: {  	s31 =	simm.s32 $0x0;
	s0 =	simm.s32 $0x800;
	[sflag:s16] =	ssyncadd.s32 $0xFFFFB000  }
.LBB2_6:
0xb4: {  	p1 =	sne.s32 s0, $0x13800;
	v0 =	vld [tilespmem:s31+$0x1AF0]  }
0xb5: {  	v1 =	vld [tilespmem:s31+$0x1900]  }
0xb6: {  	v2 =	vld [tilespmem:s31+$0x1910]  }
0xb7: {  	v3 =	vld [tilespmem:s31+$0x1920]  }
0xb8: {  	v4 =	vld [tilespmem:s31+$0x1930]  }
0xb9: {  	[tilespmem:s31+$0xBAF0] =	vst.add.f32.msk $0xffff, v0  }
0xba: {  	v0 =	vld [tilespmem:s31+$0x1940]  }
0xbb: {  	v5 =	vld [tilespmem:s31+$0x1950]  }
0xbc: {  	v6 =	vld [tilespmem:s31+$0x1960]  }
0xbd: {  	v7 =	vld [tilespmem:s31+$0x1970]  }
0xbe: {  	v8 =	vld [tilespmem:s31+$0x1980]  }
0xbf: {  	v9 =	vld [tilespmem:s31+$0x1990]  }
0xc0: {  	v10 =	vld [tilespmem:s31+$0x19A0]  }
0xc1: {  	v11 =	vld [tilespmem:s31+$0x19B0]  }
0xc2: {  	v12 =	vld [tilespmem:s31+$0x19C0]  }
0xc3: {  	v13 =	vld [tilespmem:s31+$0x19D0]  }
0xc4: {  	v14 =	vld [tilespmem:s31+$0x19E0]  }
0xc5: {  	v15 =	vld [tilespmem:s31+$0x19F0]  }
0xc6: {  	v16 =	vld [tilespmem:s31+$0x1A00]  }
0xc7: {  	v17 =	vld [tilespmem:s31+$0x1A10]  }
0xc8: {  	v18 =	vld [tilespmem:s31+$0x1A20]  }
0xc9: {  	v19 =	vld [tilespmem:s31+$0x1A30]  }
0xca: {  	v20 =	vld [tilespmem:s31+$0x1A40]  }
0xcb: {  	v21 =	vld [tilespmem:s31+$0x1A50]  }
0xcc: {  	v22 =	vld [tilespmem:s31+$0x1A60]  }
0xcd: {  	v23 =	vld [tilespmem:s31+$0x1A70]  }
0xce: {  	v24 =	vld [tilespmem:s31+$0x1A80]  }
0xcf: {  	v25 =	vld [tilespmem:s31+$0x1A90]  }
0xd0: {  	v26 =	vld [tilespmem:s31+$0x1AA0]  }
0xd1: {  	v27 =	vld [tilespmem:s31+$0x1AB0]  }
0xd2: {  	v28 =	vld [tilespmem:s31+$0x1AC0]  }
0xd3: {  	v29 =	vld [tilespmem:s31+$0x1AD0]  }
0xd4: {  	v30 =	vld [tilespmem:s31+$0x1AE0]  }
0xd5: {  	[tilespmem:s31+$0xB900] =	vst.add.f32.msk $0xffff, v1  }
0xd6: {  	[tilespmem:s31+$0xB910] =	vst.add.f32.msk $0xffff, v2  }
0xd7: {  	[tilespmem:s31+$0xB920] =	vst.add.f32.msk $0xffff, v3  }
0xd8: {  	[tilespmem:s31+$0xB930] =	vst.add.f32.msk $0xffff, v4  }
0xd9: {  	[tilespmem:s31+$0xB940] =	vst.add.f32.msk $0xffff, v0  }
0xda: {  	[tilespmem:s31+$0xB950] =	vst.add.f32.msk $0xffff, v5  }
0xdb: {  	[tilespmem:s31+$0xB960] =	vst.add.f32.msk $0xffff, v6  }
0xdc: {  	[tilespmem:s31+$0xB970] =	vst.add.f32.msk $0xffff, v7  }
0xdd: {  	[tilespmem:s31+$0xB980] =	vst.add.f32.msk $0xffff, v8  }
0xde: {  	[tilespmem:s31+$0xB990] =	vst.add.f32.msk $0xffff, v9  }
0xdf: {  	[tilespmem:s31+$0xB9A0] =	vst.add.f32.msk $0xffff, v10  }
0xe0: {  	[tilespmem:s31+$0xB9B0] =	vst.add.f32.msk $0xffff, v11  }
0xe1: {  	[tilespmem:s31+$0xB9C0] =	vst.add.f32.msk $0xffff, v12  }
0xe2: {  	[tilespmem:s31+$0xB9D0] =	vst.add.f32.msk $0xffff, v13  }
0xe3: {  	[tilespmem:s31+$0xB9E0] =	vst.add.f32.msk $0xffff, v14  }
0xe4: {  	[tilespmem:s31+$0xB9F0] =	vst.add.f32.msk $0xffff, v15  }
0xe5: {  	[tilespmem:s31+$0xBA00] =	vst.add.f32.msk $0xffff, v16  }
0xe6: {  	[tilespmem:s31+$0xBA10] =	vst.add.f32.msk $0xffff, v17  }
0xe7: {  	[tilespmem:s31+$0xBA20] =	vst.add.f32.msk $0xffff, v18  }
0xe8: {  	[tilespmem:s31+$0xBA30] =	vst.add.f32.msk $0xffff, v19  }
0xe9: {  	[tilespmem:s31+$0xBA40] =	vst.add.f32.msk $0xffff, v20  }
0xea: {  	[tilespmem:s31+$0xBA50] =	vst.add.f32.msk $0xffff, v21  }
0xeb: {  	[tilespmem:s31+$0xBA60] =	vst.add.f32.msk $0xffff, v22  }
0xec: {  	[tilespmem:s31+$0xBA70] =	vst.add.f32.msk $0xffff, v23  }
0xed: {  	[tilespmem:s31+$0xBA80] =	vst.add.f32.msk $0xffff, v24  }
0xee: {  	[tilespmem:s31+$0xBA90] =	vst.add.f32.msk $0xffff, v25  }
.Ltmp5:
0xef: {  	[tilespmem:s31+$0xBAA0] =	vst.add.f32.msk $0xffff, v26;
	(pc) =	sbr.rel @p1 .LBB2_6-.Ltmp5, $4  }
0xf0: {  	[tilespmem:s31+$0xBAB0] =	vst.add.f32.msk $0xffff, v27  }
0xf1: {  	[tilespmem:s31+$0xBAC0] =	vst.add.f32.msk $0xffff, v28  }
0xf2: {  	[tilespmem:s31+$0xBAD0] =	vst.add.f32.msk $0xffff, v29  }
0xf3: {  	[tilespmem:s31+$0xBAE0] =	vst.add.f32.msk $0xffff, v30;
	s31 =	sshra.s32 s0, $0x2;
	s0 =	sadd.s32 $0x800, s0  }
0xf4: {  	v0 =	vld [tilespmem:s31+$0x1AF0]  }
0xf5: {  	v1 =	vld [tilespmem:s31+$0x1900]  }
0xf6: {  	v2 =	vld [tilespmem:s31+$0x1910]  }
0xf7: {  	v3 =	vld [tilespmem:s31+$0x1920]  }
0xf8: {  	v4 =	vld [tilespmem:s31+$0x1930]  }
0xf9: {  	v63 =	vld [tilespmem:s31+$0x1940]  }
0xfa: {  	v5 =	vld [tilespmem:s31+$0x1950]  }
0xfb: {  	v6 =	vld [tilespmem:s31+$0x1960]  }
0xfc: {  	v7 =	vld [tilespmem:s31+$0x1970]  }
0xfd: {  	v8 =	vld [tilespmem:s31+$0x1980]  }
0xfe: {  	v9 =	vld [tilespmem:s31+$0x1990]  }
0xff: {  	v10 =	vld [tilespmem:s31+$0x19A0]  }
0x100: {  	v11 =	vld [tilespmem:s31+$0x19B0]  }
0x101: {  	v12 =	vld [tilespmem:s31+$0x19C0]  }
0x102: {  	v13 =	vld [tilespmem:s31+$0x19D0]  }
0x103: {  	v14 =	vld [tilespmem:s31+$0x19E0]  }
0x104: {  	v15 =	vld [tilespmem:s31+$0x19F0]  }
0x105: {  	v16 =	vld [tilespmem:s31+$0x1A00]  }
0x106: {  	v17 =	vld [tilespmem:s31+$0x1A10]  }
0x107: {  	v18 =	vld [tilespmem:s31+$0x1A20]  }
0x108: {  	v19 =	vld [tilespmem:s31+$0x1A30]  }
0x109: {  	v20 =	vld [tilespmem:s31+$0x1A40]  }
0x10a: {  	v21 =	vld [tilespmem:s31+$0x1A50]  }
0x10b: {  	v22 =	vld [tilespmem:s31+$0x1A60]  }
0x10c: {  	v23 =	vld [tilespmem:s31+$0x1A70]  }
0x10d: {  	v24 =	vld [tilespmem:s31+$0x1A80]  }
0x10e: {  	v25 =	vld [tilespmem:s31+$0x1A90]  }
0x10f: {  	v26 =	vld [tilespmem:s31+$0x1AA0]  }
0x110: {  	v27 =	vld [tilespmem:s31+$0x1AB0]  }
0x111: {  	v28 =	vld [tilespmem:s31+$0x1AC0]  }
0x112: {  	v29 =	vld [tilespmem:s31+$0x1AD0]  }
0x113: {  	v30 =	vld [tilespmem:s31+$0x1AE0]  }
0x114: {  	[tilespmem:s31+$0xBAF0] =	vst.add.f32.msk $0xffff, v0  }
0x115: {  	[tilespmem:s31+$0xB900] =	vst.add.f32.msk $0xffff, v1  }
0x116: {  	[tilespmem:s31+$0xB910] =	vst.add.f32.msk $0xffff, v2  }
0x117: {  	[tilespmem:s31+$0xB920] =	vst.add.f32.msk $0xffff, v3  }
0x118: {  	[tilespmem:s31+$0xB930] =	vst.add.f32.msk $0xffff, v4  }
0x119: {  	[tilespmem:s31+$0xB940] =	vst.add.f32.msk $0xffff, v63  }
0x11a: {  	[tilespmem:s31+$0xB950] =	vst.add.f32.msk $0xffff, v5  }
0x11b: {  	[tilespmem:s31+$0xB960] =	vst.add.f32.msk $0xffff, v6  }
0x11c: {  	[tilespmem:s31+$0xB970] =	vst.add.f32.msk $0xffff, v7  }
0x11d: {  	[tilespmem:s31+$0xB980] =	vst.add.f32.msk $0xffff, v8  }
0x11e: {  	[tilespmem:s31+$0xB990] =	vst.add.f32.msk $0xffff, v9  }
0x11f: {  	[tilespmem:s31+$0xB9A0] =	vst.add.f32.msk $0xffff, v10  }
0x120: {  	[tilespmem:s31+$0xB9B0] =	vst.add.f32.msk $0xffff, v11  }
0x121: {  	[tilespmem:s31+$0xB9C0] =	vst.add.f32.msk $0xffff, v12  }
0x122: {  	[tilespmem:s31+$0xB9D0] =	vst.add.f32.msk $0xffff, v13  }
0x123: {  	[tilespmem:s31+$0xB9E0] =	vst.add.f32.msk $0xffff, v14  }
0x124: {  	[tilespmem:s31+$0xB9F0] =	vst.add.f32.msk $0xffff, v15  }
0x125: {  	[tilespmem:s31+$0xBA00] =	vst.add.f32.msk $0xffff, v16  }
0x126: {  	[tilespmem:s31+$0xBA10] =	vst.add.f32.msk $0xffff, v17  }
0x127: {  	[tilespmem:s31+$0xBA20] =	vst.add.f32.msk $0xffff, v18  }
0x128: {  	[tilespmem:s31+$0xBA30] =	vst.add.f32.msk $0xffff, v19  }
0x129: {  	[tilespmem:s31+$0xBA40] =	vst.add.f32.msk $0xffff, v20  }
0x12a: {  	[tilespmem:s31+$0xBA50] =	vst.add.f32.msk $0xffff, v21  }
0x12b: {  	[tilespmem:s31+$0xBA60] =	vst.add.f32.msk $0xffff, v22  }
0x12c: {  	[tilespmem:s31+$0xBA70] =	vst.add.f32.msk $0xffff, v23  }
0x12d: {  	s0 =	sadd.s32 s29, s4;
	[tilespmem:s31+$0xBA80] =	vst.add.f32.msk $0xffff, v24  }
0x12e: {  	s0 =	smul.u32 $0x19000, s0;
	[tilespmem:s31+$0xBA90] =	vst.add.f32.msk $0xffff, v25  }
0x12f: {  	[tilespmem:s31+$0xBAA0] =	vst.add.f32.msk $0xffff, v26  }
0x130: {  	s0 =	sadd.s32 s25, s0;
	[tilespmem:s31+$0xBAB0] =	vst.add.f32.msk $0xffff, v27  }
0x131: {  	s0 =	sadd.s32 $0x19000, s0;
	[tilespmem:s31+$0xBAC0] =	vst.add.f32.msk $0xffff, v28  }
0x132: {  	[tilespmem:s31+$0xBAD0] =	vst.add.f32.msk $0xffff, v29;
	s0 =	sshrl.u32 s0, $0x3  }
0x133: {  	s29 =	sor.u32 $0x3, s29;
	[tilespmem:s31+$0xBAE0] =	vst.add.f32.msk $0xffff, v30;
	s0 =	sadd.s32 s6, s0  }
0x134: {  	[hbm4b:s0+s3] =	stream.linear.scatter [tilespmem:s13], [sflag:$0x6], $0x5000, $0x38;
	[tilespmem:$0x1A900] =	vst v63  }
0x135: {  	s31 =	smul.u32 $0x320, s29;
	s0 =	simm.s32 @!p0 $0x8  }
0x136: {  	_ =	swait.ge @!p0 [sflag:s0], $0x5000  }
0x137: {  	s31 =	sshra.s32 s31, $0x2;
	[sflag:s0] =	ssyncset.done @!p0 $0x0  }
0x138: {  	[sflag:s0] =	ssyncadd.s32 @!p0 $0xFFFFB000;
	s0 =	sadd.s32 s31, s28  }
0x139: {  	[tilespmem:s17], [sflag:$0x4] =	stream.indirect.gather [hbm4b:s2+s11], $0x200, s0, s11, $0xb8;
	[tilespmem:$0x1A900] =	vst v63  }
0x13a: {  	_ =	swait.ge [sflag:s18], $0x5000  }
0x13b: {  	[sflag:s18] =	ssyncset.done $0x0  }
0x13c: {  	s31 =	simm.s32 $0x0;
	s0 =	simm.s32 $0x800;
	[sflag:s18] =	ssyncadd.s32 $0xFFFFB000  }
.LBB2_8:
0x13d: {  	p0 =	sne.s32 s0, $0x13800;
	v0 =	vld [tilespmem:s31+$0x1AF0]  }
0x13e: {  	v1 =	vld [tilespmem:s31+$0x1900]  }
0x13f: {  	v2 =	vld [tilespmem:s31+$0x1910]  }
0x140: {  	v3 =	vld [tilespmem:s31+$0x1920]  }
0x141: {  	v4 =	vld [tilespmem:s31+$0x1930]  }
0x142: {  	[tilespmem:s31+$0x10AF0] =	vst.add.f32.msk $0xffff, v0  }
0x143: {  	v0 =	vld [tilespmem:s31+$0x1940]  }
0x144: {  	v5 =	vld [tilespmem:s31+$0x1950]  }
0x145: {  	v6 =	vld [tilespmem:s31+$0x1960]  }
0x146: {  	v7 =	vld [tilespmem:s31+$0x1970]  }
0x147: {  	v8 =	vld [tilespmem:s31+$0x1980]  }
0x148: {  	v9 =	vld [tilespmem:s31+$0x1990]  }
0x149: {  	v10 =	vld [tilespmem:s31+$0x19A0]  }
0x14a: {  	v11 =	vld [tilespmem:s31+$0x19B0]  }
0x14b: {  	v12 =	vld [tilespmem:s31+$0x19C0]  }
0x14c: {  	v13 =	vld [tilespmem:s31+$0x19D0]  }
0x14d: {  	v14 =	vld [tilespmem:s31+$0x19E0]  }
0x14e: {  	v15 =	vld [tilespmem:s31+$0x19F0]  }
0x14f: {  	v16 =	vld [tilespmem:s31+$0x1A00]  }
0x150: {  	v17 =	vld [tilespmem:s31+$0x1A10]  }
0x151: {  	v18 =	vld [tilespmem:s31+$0x1A20]  }
0x152: {  	v19 =	vld [tilespmem:s31+$0x1A30]  }
0x153: {  	v20 =	vld [tilespmem:s31+$0x1A40]  }
0x154: {  	v21 =	vld [tilespmem:s31+$0x1A50]  }
0x155: {  	v22 =	vld [tilespmem:s31+$0x1A60]  }
0x156: {  	v23 =	vld [tilespmem:s31+$0x1A70]  }
0x157: {  	v24 =	vld [tilespmem:s31+$0x1A80]  }
0x158: {  	v25 =	vld [tilespmem:s31+$0x1A90]  }
0x159: {  	v26 =	vld [tilespmem:s31+$0x1AA0]  }
0x15a: {  	v27 =	vld [tilespmem:s31+$0x1AB0]  }
0x15b: {  	v28 =	vld [tilespmem:s31+$0x1AC0]  }
0x15c: {  	v29 =	vld [tilespmem:s31+$0x1AD0]  }
0x15d: {  	v30 =	vld [tilespmem:s31+$0x1AE0]  }
0x15e: {  	[tilespmem:s31+$0x10900] =	vst.add.f32.msk $0xffff, v1  }
0x15f: {  	[tilespmem:s31+$0x10910] =	vst.add.f32.msk $0xffff, v2  }
0x160: {  	[tilespmem:s31+$0x10920] =	vst.add.f32.msk $0xffff, v3  }
0x161: {  	[tilespmem:s31+$0x10930] =	vst.add.f32.msk $0xffff, v4  }
0x162: {  	[tilespmem:s31+$0x10940] =	vst.add.f32.msk $0xffff, v0  }
0x163: {  	[tilespmem:s31+$0x10950] =	vst.add.f32.msk $0xffff, v5  }
0x164: {  	[tilespmem:s31+$0x10960] =	vst.add.f32.msk $0xffff, v6  }
0x165: {  	[tilespmem:s31+$0x10970] =	vst.add.f32.msk $0xffff, v7  }
0x166: {  	[tilespmem:s31+$0x10980] =	vst.add.f32.msk $0xffff, v8  }
0x167: {  	[tilespmem:s31+$0x10990] =	vst.add.f32.msk $0xffff, v9  }
0x168: {  	[tilespmem:s31+$0x109A0] =	vst.add.f32.msk $0xffff, v10  }
0x169: {  	[tilespmem:s31+$0x109B0] =	vst.add.f32.msk $0xffff, v11  }
0x16a: {  	[tilespmem:s31+$0x109C0] =	vst.add.f32.msk $0xffff, v12  }
0x16b: {  	[tilespmem:s31+$0x109D0] =	vst.add.f32.msk $0xffff, v13  }
0x16c: {  	[tilespmem:s31+$0x109E0] =	vst.add.f32.msk $0xffff, v14  }
0x16d: {  	[tilespmem:s31+$0x109F0] =	vst.add.f32.msk $0xffff, v15  }
0x16e: {  	[tilespmem:s31+$0x10A00] =	vst.add.f32.msk $0xffff, v16  }
0x16f: {  	[tilespmem:s31+$0x10A10] =	vst.add.f32.msk $0xffff, v17  }
0x170: {  	[tilespmem:s31+$0x10A20] =	vst.add.f32.msk $0xffff, v18  }
0x171: {  	[tilespmem:s31+$0x10A30] =	vst.add.f32.msk $0xffff, v19  }
0x172: {  	[tilespmem:s31+$0x10A40] =	vst.add.f32.msk $0xffff, v20  }
0x173: {  	[tilespmem:s31+$0x10A50] =	vst.add.f32.msk $0xffff, v21  }
0x174: {  	[tilespmem:s31+$0x10A60] =	vst.add.f32.msk $0xffff, v22  }
0x175: {  	[tilespmem:s31+$0x10A70] =	vst.add.f32.msk $0xffff, v23  }
0x176: {  	[tilespmem:s31+$0x10A80] =	vst.add.f32.msk $0xffff, v24  }
0x177: {  	[tilespmem:s31+$0x10A90] =	vst.add.f32.msk $0xffff, v25  }
.Ltmp6:
0x178: {  	[tilespmem:s31+$0x10AA0] =	vst.add.f32.msk $0xffff, v26;
	(pc) =	sbr.rel @p0 .LBB2_8-.Ltmp6, $4  }
0x179: {  	[tilespmem:s31+$0x10AB0] =	vst.add.f32.msk $0xffff, v27  }
0x17a: {  	[tilespmem:s31+$0x10AC0] =	vst.add.f32.msk $0xffff, v28  }
0x17b: {  	[tilespmem:s31+$0x10AD0] =	vst.add.f32.msk $0xffff, v29  }
0x17c: {  	[tilespmem:s31+$0x10AE0] =	vst.add.f32.msk $0xffff, v30;
	s31 =	sshra.s32 s0, $0x2;
	s0 =	sadd.s32 $0x800, s0  }
0x17d: {  	v0 =	vld [tilespmem:s31+$0x1AF0]  }
0x17e: {  	v1 =	vld [tilespmem:s31+$0x1900]  }
0x17f: {  	v2 =	vld [tilespmem:s31+$0x1910]  }
0x180: {  	v3 =	vld [tilespmem:s31+$0x1920]  }
0x181: {  	v4 =	vld [tilespmem:s31+$0x1930]  }
0x182: {  	v63 =	vld [tilespmem:s31+$0x1940]  }
0x183: {  	v5 =	vld [tilespmem:s31+$0x1950]  }
0x184: {  	v6 =	vld [tilespmem:s31+$0x1960]  }
0x185: {  	v7 =	vld [tilespmem:s31+$0x1970]  }
0x186: {  	v8 =	vld [tilespmem:s31+$0x1980]  }
0x187: {  	v9 =	vld [tilespmem:s31+$0x1990]  }
0x188: {  	v10 =	vld [tilespmem:s31+$0x19A0]  }
0x189: {  	v11 =	vld [tilespmem:s31+$0x19B0]  }
0x18a: {  	v12 =	vld [tilespmem:s31+$0x19C0]  }
0x18b: {  	v13 =	vld [tilespmem:s31+$0x19D0]  }
0x18c: {  	v14 =	vld [tilespmem:s31+$0x19E0]  }
0x18d: {  	v15 =	vld [tilespmem:s31+$0x19F0]  }
0x18e: {  	v16 =	vld [tilespmem:s31+$0x1A00]  }
0x18f: {  	v17 =	vld [tilespmem:s31+$0x1A10]  }
0x190: {  	v18 =	vld [tilespmem:s31+$0x1A20]  }
0x191: {  	v19 =	vld [tilespmem:s31+$0x1A30]  }
0x192: {  	v20 =	vld [tilespmem:s31+$0x1A40]  }
0x193: {  	v21 =	vld [tilespmem:s31+$0x1A50]  }
0x194: {  	v22 =	vld [tilespmem:s31+$0x1A60]  }
0x195: {  	v23 =	vld [tilespmem:s31+$0x1A70]  }
0x196: {  	v24 =	vld [tilespmem:s31+$0x1A80]  }
0x197: {  	v25 =	vld [tilespmem:s31+$0x1A90]  }
0x198: {  	v26 =	vld [tilespmem:s31+$0x1AA0]  }
0x199: {  	v27 =	vld [tilespmem:s31+$0x1AB0]  }
0x19a: {  	v28 =	vld [tilespmem:s31+$0x1AC0]  }
0x19b: {  	v29 =	vld [tilespmem:s31+$0x1AD0]  }
0x19c: {  	v30 =	vld [tilespmem:s31+$0x1AE0]  }
0x19d: {  	[tilespmem:s31+$0x10AF0] =	vst.add.f32.msk $0xffff, v0  }
0x19e: {  	[tilespmem:s31+$0x10900] =	vst.add.f32.msk $0xffff, v1  }
0x19f: {  	[tilespmem:s31+$0x10910] =	vst.add.f32.msk $0xffff, v2  }
0x1a0: {  	[tilespmem:s31+$0x10920] =	vst.add.f32.msk $0xffff, v3  }
0x1a1: {  	[tilespmem:s31+$0x10930] =	vst.add.f32.msk $0xffff, v4  }
0x1a2: {  	[tilespmem:s31+$0x10940] =	vst.add.f32.msk $0xffff, v63  }
0x1a3: {  	[tilespmem:s31+$0x10950] =	vst.add.f32.msk $0xffff, v5  }
0x1a4: {  	[tilespmem:s31+$0x10960] =	vst.add.f32.msk $0xffff, v6  }
0x1a5: {  	[tilespmem:s31+$0x10970] =	vst.add.f32.msk $0xffff, v7  }
0x1a6: {  	[tilespmem:s31+$0x10980] =	vst.add.f32.msk $0xffff, v8  }
0x1a7: {  	[tilespmem:s31+$0x10990] =	vst.add.f32.msk $0xffff, v9  }
0x1a8: {  	[tilespmem:s31+$0x109A0] =	vst.add.f32.msk $0xffff, v10  }
0x1a9: {  	[tilespmem:s31+$0x109B0] =	vst.add.f32.msk $0xffff, v11  }
0x1aa: {  	[tilespmem:s31+$0x109C0] =	vst.add.f32.msk $0xffff, v12  }
0x1ab: {  	[tilespmem:s31+$0x109D0] =	vst.add.f32.msk $0xffff, v13  }
0x1ac: {  	[tilespmem:s31+$0x109E0] =	vst.add.f32.msk $0xffff, v14  }
0x1ad: {  	[tilespmem:s31+$0x109F0] =	vst.add.f32.msk $0xffff, v15  }
0x1ae: {  	[tilespmem:s31+$0x10A00] =	vst.add.f32.msk $0xffff, v16  }
0x1af: {  	[tilespmem:s31+$0x10A10] =	vst.add.f32.msk $0xffff, v17  }
0x1b0: {  	[tilespmem:s31+$0x10A20] =	vst.add.f32.msk $0xffff, v18  }
0x1b1: {  	[tilespmem:s31+$0x10A30] =	vst.add.f32.msk $0xffff, v19  }
0x1b2: {  	[tilespmem:s31+$0x10A40] =	vst.add.f32.msk $0xffff, v20  }
0x1b3: {  	[tilespmem:s31+$0x10A50] =	vst.add.f32.msk $0xffff, v21  }
0x1b4: {  	[tilespmem:s31+$0x10A60] =	vst.add.f32.msk $0xffff, v22  }
0x1b5: {  	[tilespmem:s31+$0x10A70] =	vst.add.f32.msk $0xffff, v23  }
0x1b6: {  	[tilespmem:s31+$0x10A80] =	vst.add.f32.msk $0xffff, v24  }
0x1b7: {  	s0 =	sadd.s32 s4, s30;
	[tilespmem:s31+$0x10A90] =	vst.add.f32.msk $0xffff, v25  }
0x1b8: {  	s0 =	smul.u32 $0x19000, s0;
	[tilespmem:s31+$0x10AA0] =	vst.add.f32.msk $0xffff, v26  }
0x1b9: {  	[tilespmem:s31+$0x10AB0] =	vst.add.f32.msk $0xffff, v27  }
0x1ba: {  	s0 =	sadd.s32 s25, s0;
	[tilespmem:s31+$0x10AC0] =	vst.add.f32.msk $0xffff, v28  }
0x1bb: {  	s0 =	sshrl.u32 s0, $0x3;
	[tilespmem:s31+$0x10AD0] =	vst.add.f32.msk $0xffff, v29  }
0x1bc: {  	p0 =	seq.s32 s26, $0x7;
	[tilespmem:s31+$0x10AE0] =	vst.add.f32.msk $0xffff, v30;
	s0 =	sadd.s32 s6, s0  }
0x1bd: {  	[hbm4b:s0+s3] =	stream.linear.scatter [tilespmem:s15], [sflag:$0x7], $0x5000, $0x38;
	[tilespmem:$0x1A900] =	vst v63  }
0x1be: {  	s30 =	smul.u32 @!p0 $0xC80, s26;
	s0 =	simm.s32 @!p0 $0x5  }
0x1bf: {  	_ =	swait.ge @!p0 [sflag:s0], $0x5000  }
0x1c0: {  	s30 =	sshra.s32 @!p0 s30, $0x2;
	[sflag:s0] =	ssyncset.done @!p0 $0x0  }
0x1c1: {  	[sflag:s0] =	ssyncadd.s32 @!p0 $0xFFFFB000;
	s0 =	sadd.s32 @!p0 s28, s30  }
0x1c2: {  	s31 =	simm.s32 @!p0 $0x6900;
	s30 =	simm.s32 @!p0 $0x28;
	s0 =	sadd.s32 @!p0 $0x320, s0  }
0x1c3: {  	[tilespmem:s31], [sflag:$0x1] =	stream.indirect.gather @!p0 [hbm4b:s2+s30], $0x200, s0, s30, $0xb8;
	[tilespmem:$0x1A900] =	vst v63  }
0x1c4: {  	_ =	swait.ge [sflag:s19], $0x5000  }
0x1c5: {  	[sflag:s19] =	ssyncset.done $0x0  }
0x1c6: {  	s30 =	simm.s32 $0x0;
	s0 =	simm.s32 $0x800;
	[sflag:s19] =	ssyncadd.s32 $0xFFFFB000  }
.LBB2_10:
0x1c7: {  	p1 =	sne.s32 s0, $0x13800;
	v0 =	vld [tilespmem:s30+$0x1AF0]  }
0x1c8: {  	v1 =	vld [tilespmem:s30+$0x1900]  }
0x1c9: {  	v2 =	vld [tilespmem:s30+$0x1910]  }
0x1ca: {  	v3 =	vld [tilespmem:s30+$0x1920]  }
0x1cb: {  	v4 =	vld [tilespmem:s30+$0x1930]  }
0x1cc: {  	[tilespmem:s30+$0x15AF0] =	vst.add.f32.msk $0xffff, v0  }
0x1cd: {  	v0 =	vld [tilespmem:s30+$0x1940]  }
0x1ce: {  	v5 =	vld [tilespmem:s30+$0x1950]  }
0x1cf: {  	v6 =	vld [tilespmem:s30+$0x1960]  }
0x1d0: {  	v7 =	vld [tilespmem:s30+$0x1970]  }
0x1d1: {  	v8 =	vld [tilespmem:s30+$0x1980]  }
0x1d2: {  	v9 =	vld [tilespmem:s30+$0x1990]  }
0x1d3: {  	v10 =	vld [tilespmem:s30+$0x19A0]  }
0x1d4: {  	v11 =	vld [tilespmem:s30+$0x19B0]  }
0x1d5: {  	v12 =	vld [tilespmem:s30+$0x19C0]  }
0x1d6: {  	v13 =	vld [tilespmem:s30+$0x19D0]  }
0x1d7: {  	v14 =	vld [tilespmem:s30+$0x19E0]  }
0x1d8: {  	v15 =	vld [tilespmem:s30+$0x19F0]  }
0x1d9: {  	v16 =	vld [tilespmem:s30+$0x1A00]  }
0x1da: {  	v17 =	vld [tilespmem:s30+$0x1A10]  }
0x1db: {  	v18 =	vld [tilespmem:s30+$0x1A20]  }
0x1dc: {  	v19 =	vld [tilespmem:s30+$0x1A30]  }
0x1dd: {  	v20 =	vld [tilespmem:s30+$0x1A40]  }
0x1de: {  	v21 =	vld [tilespmem:s30+$0x1A50]  }
0x1df: {  	v22 =	vld [tilespmem:s30+$0x1A60]  }
0x1e0: {  	v23 =	vld [tilespmem:s30+$0x1A70]  }
0x1e1: {  	v24 =	vld [tilespmem:s30+$0x1A80]  }
0x1e2: {  	v25 =	vld [tilespmem:s30+$0x1A90]  }
0x1e3: {  	v26 =	vld [tilespmem:s30+$0x1AA0]  }
0x1e4: {  	v27 =	vld [tilespmem:s30+$0x1AB0]  }
0x1e5: {  	v28 =	vld [tilespmem:s30+$0x1AC0]  }
0x1e6: {  	v29 =	vld [tilespmem:s30+$0x1AD0]  }
0x1e7: {  	v30 =	vld [tilespmem:s30+$0x1AE0]  }
0x1e8: {  	[tilespmem:s30+$0x15900] =	vst.add.f32.msk $0xffff, v1  }
0x1e9: {  	[tilespmem:s30+$0x15910] =	vst.add.f32.msk $0xffff, v2  }
0x1ea: {  	[tilespmem:s30+$0x15920] =	vst.add.f32.msk $0xffff, v3  }
0x1eb: {  	[tilespmem:s30+$0x15930] =	vst.add.f32.msk $0xffff, v4  }
0x1ec: {  	[tilespmem:s30+$0x15940] =	vst.add.f32.msk $0xffff, v0  }
0x1ed: {  	[tilespmem:s30+$0x15950] =	vst.add.f32.msk $0xffff, v5  }
0x1ee: {  	[tilespmem:s30+$0x15960] =	vst.add.f32.msk $0xffff, v6  }
0x1ef: {  	[tilespmem:s30+$0x15970] =	vst.add.f32.msk $0xffff, v7  }
0x1f0: {  	[tilespmem:s30+$0x15980] =	vst.add.f32.msk $0xffff, v8  }
0x1f1: {  	[tilespmem:s30+$0x15990] =	vst.add.f32.msk $0xffff, v9  }
0x1f2: {  	[tilespmem:s30+$0x159A0] =	vst.add.f32.msk $0xffff, v10  }
0x1f3: {  	[tilespmem:s30+$0x159B0] =	vst.add.f32.msk $0xffff, v11  }
0x1f4: {  	[tilespmem:s30+$0x159C0] =	vst.add.f32.msk $0xffff, v12  }
0x1f5: {  	[tilespmem:s30+$0x159D0] =	vst.add.f32.msk $0xffff, v13  }
0x1f6: {  	[tilespmem:s30+$0x159E0] =	vst.add.f32.msk $0xffff, v14  }
0x1f7: {  	[tilespmem:s30+$0x159F0] =	vst.add.f32.msk $0xffff, v15  }
0x1f8: {  	[tilespmem:s30+$0x15A00] =	vst.add.f32.msk $0xffff, v16  }
0x1f9: {  	[tilespmem:s30+$0x15A10] =	vst.add.f32.msk $0xffff, v17  }
0x1fa: {  	[tilespmem:s30+$0x15A20] =	vst.add.f32.msk $0xffff, v18  }
0x1fb: {  	[tilespmem:s30+$0x15A30] =	vst.add.f32.msk $0xffff, v19  }
0x1fc: {  	[tilespmem:s30+$0x15A40] =	vst.add.f32.msk $0xffff, v20  }
0x1fd: {  	[tilespmem:s30+$0x15A50] =	vst.add.f32.msk $0xffff, v21  }
0x1fe: {  	[tilespmem:s30+$0x15A60] =	vst.add.f32.msk $0xffff, v22  }
0x1ff: {  	[tilespmem:s30+$0x15A70] =	vst.add.f32.msk $0xffff, v23  }
0x200: {  	[tilespmem:s30+$0x15A80] =	vst.add.f32.msk $0xffff, v24  }
0x201: {  	[tilespmem:s30+$0x15A90] =	vst.add.f32.msk $0xffff, v25  }
.Ltmp7:
0x202: {  	[tilespmem:s30+$0x15AA0] =	vst.add.f32.msk $0xffff, v26;
	(pc) =	sbr.rel @p1 .LBB2_10-.Ltmp7, $4  }
0x203: {  	[tilespmem:s30+$0x15AB0] =	vst.add.f32.msk $0xffff, v27  }
0x204: {  	[tilespmem:s30+$0x15AC0] =	vst.add.f32.msk $0xffff, v28  }
0x205: {  	[tilespmem:s30+$0x15AD0] =	vst.add.f32.msk $0xffff, v29  }
0x206: {  	[tilespmem:s30+$0x15AE0] =	vst.add.f32.msk $0xffff, v30;
	s30 =	sshra.s32 s0, $0x2;
	s0 =	sadd.s32 $0x800, s0  }
0x207: {  	v0 =	vld [tilespmem:s30+$0x1AF0]  }
0x208: {  	v1 =	vld [tilespmem:s30+$0x1900]  }
0x209: {  	v2 =	vld [tilespmem:s30+$0x1910]  }
0x20a: {  	v3 =	vld [tilespmem:s30+$0x1920]  }
0x20b: {  	v4 =	vld [tilespmem:s30+$0x1930]  }
0x20c: {  	v63 =	vld [tilespmem:s30+$0x1940]  }
0x20d: {  	v5 =	vld [tilespmem:s30+$0x1950]  }
0x20e: {  	v6 =	vld [tilespmem:s30+$0x1960]  }
0x20f: {  	v7 =	vld [tilespmem:s30+$0x1970]  }
0x210: {  	v8 =	vld [tilespmem:s30+$0x1980]  }
0x211: {  	v9 =	vld [tilespmem:s30+$0x1990]  }
0x212: {  	v10 =	vld [tilespmem:s30+$0x19A0]  }
0x213: {  	v11 =	vld [tilespmem:s30+$0x19B0]  }
0x214: {  	v12 =	vld [tilespmem:s30+$0x19C0]  }
0x215: {  	v13 =	vld [tilespmem:s30+$0x19D0]  }
0x216: {  	v14 =	vld [tilespmem:s30+$0x19E0]  }
0x217: {  	v15 =	vld [tilespmem:s30+$0x19F0]  }
0x218: {  	v16 =	vld [tilespmem:s30+$0x1A00]  }
0x219: {  	v17 =	vld [tilespmem:s30+$0x1A10]  }
0x21a: {  	v18 =	vld [tilespmem:s30+$0x1A20]  }
0x21b: {  	v19 =	vld [tilespmem:s30+$0x1A30]  }
0x21c: {  	v20 =	vld [tilespmem:s30+$0x1A40]  }
0x21d: {  	v21 =	vld [tilespmem:s30+$0x1A50]  }
0x21e: {  	v22 =	vld [tilespmem:s30+$0x1A60]  }
0x21f: {  	v23 =	vld [tilespmem:s30+$0x1A70]  }
0x220: {  	v24 =	vld [tilespmem:s30+$0x1A80]  }
0x221: {  	v25 =	vld [tilespmem:s30+$0x1A90]  }
0x222: {  	v26 =	vld [tilespmem:s30+$0x1AA0]  }
0x223: {  	v27 =	vld [tilespmem:s30+$0x1AB0]  }
0x224: {  	v28 =	vld [tilespmem:s30+$0x1AC0]  }
0x225: {  	v29 =	vld [tilespmem:s30+$0x1AD0]  }
0x226: {  	v30 =	vld [tilespmem:s30+$0x1AE0]  }
0x227: {  	[tilespmem:s30+$0x15AF0] =	vst.add.f32.msk $0xffff, v0  }
0x228: {  	[tilespmem:s30+$0x15900] =	vst.add.f32.msk $0xffff, v1  }
0x229: {  	[tilespmem:s30+$0x15910] =	vst.add.f32.msk $0xffff, v2  }
0x22a: {  	[tilespmem:s30+$0x15920] =	vst.add.f32.msk $0xffff, v3  }
0x22b: {  	[tilespmem:s30+$0x15930] =	vst.add.f32.msk $0xffff, v4  }
0x22c: {  	[tilespmem:s30+$0x15940] =	vst.add.f32.msk $0xffff, v63  }
0x22d: {  	[tilespmem:s30+$0x15950] =	vst.add.f32.msk $0xffff, v5  }
0x22e: {  	[tilespmem:s30+$0x15960] =	vst.add.f32.msk $0xffff, v6  }
0x22f: {  	[tilespmem:s30+$0x15970] =	vst.add.f32.msk $0xffff, v7  }
0x230: {  	[tilespmem:s30+$0x15980] =	vst.add.f32.msk $0xffff, v8  }
0x231: {  	[tilespmem:s30+$0x15990] =	vst.add.f32.msk $0xffff, v9  }
0x232: {  	[tilespmem:s30+$0x159A0] =	vst.add.f32.msk $0xffff, v10  }
0x233: {  	[tilespmem:s30+$0x159B0] =	vst.add.f32.msk $0xffff, v11  }
0x234: {  	[tilespmem:s30+$0x159C0] =	vst.add.f32.msk $0xffff, v12  }
0x235: {  	[tilespmem:s30+$0x159D0] =	vst.add.f32.msk $0xffff, v13  }
0x236: {  	[tilespmem:s30+$0x159E0] =	vst.add.f32.msk $0xffff, v14  }
0x237: {  	[tilespmem:s30+$0x159F0] =	vst.add.f32.msk $0xffff, v15  }
0x238: {  	[tilespmem:s30+$0x15A00] =	vst.add.f32.msk $0xffff, v16  }
0x239: {  	[tilespmem:s30+$0x15A10] =	vst.add.f32.msk $0xffff, v17  }
0x23a: {  	[tilespmem:s30+$0x15A20] =	vst.add.f32.msk $0xffff, v18  }
0x23b: {  	[tilespmem:s30+$0x15A30] =	vst.add.f32.msk $0xffff, v19  }
0x23c: {  	[tilespmem:s30+$0x15A40] =	vst.add.f32.msk $0xffff, v20  }
0x23d: {  	[tilespmem:s30+$0x15A50] =	vst.add.f32.msk $0xffff, v21  }
0x23e: {  	[tilespmem:s30+$0x15A60] =	vst.add.f32.msk $0xffff, v22  }
0x23f: {  	[tilespmem:s30+$0x15A70] =	vst.add.f32.msk $0xffff, v23  }
0x240: {  	[tilespmem:s30+$0x15A80] =	vst.add.f32.msk $0xffff, v24  }
0x241: {  	s0 =	sadd.s32 s4, s29;
	[tilespmem:s30+$0x15A90] =	vst.add.f32.msk $0xffff, v25  }
0x242: {  	s0 =	smul.u32 $0x19000, s0;
	[tilespmem:s30+$0x15AA0] =	vst.add.f32.msk $0xffff, v26  }
.Ltmp8:
0x243: {  	[tilespmem:s30+$0x15AB0] =	vst.add.f32.msk $0xffff, v27;
	(pc) =	sbr.rel @p0 .LBB2_13-.Ltmp8, $4  }
0x244: {  	s0 =	sadd.s32 s25, s0;
	[tilespmem:s30+$0x15AC0] =	vst.add.f32.msk $0xffff, v28  }
0x245: {  	s0 =	sshrl.u32 s0, $0x3;
	[tilespmem:s30+$0x15AD0] =	vst.add.f32.msk $0xffff, v29  }
0x246: {  	[tilespmem:s30+$0x15AE0] =	vst.add.f32.msk $0xffff, v30;
	s0 =	sadd.s32 s6, s0  }
0x247: {  	[hbm4b:s0+s3] =	stream.linear.scatter [tilespmem:s17], [sflag:$0x8], $0x5000, $0x38;
	[tilespmem:$0x1A900] =	vst v63  }
0x248: {  	s0 =	smul.u32 $0xC80, s26  }
.Ltmp9:
0x249: {  	_ = 	snop;
	(pc) =	sbr.rel .LBB2_3-.Ltmp9, $4  }
0x24a: {  	_ =	swait.ge [sflag:s22], $0x5000;
	s0 =	sshra.s32 s0, $0x2  }
0x24b: {  	[sflag:s22] =	ssyncset.done $0x0;
	s0 =	sadd.s32 s28, s0  }
0x24c: {  	s26 =	sadd.s32 $0x1, s26;
	[sflag:s22] =	ssyncadd.s32 $0xFFFFB000;
	s0 =	sadd.s32 $0x3E8, s0  }
0x24d: {  	[tilespmem:s13], [sflag:$0x2] =	stream.indirect.gather [hbm4b:s2+s11], $0x200, s0, s11, $0xb8;
	[tilespmem:$0x1A900] =	vst v63  }
.LBB2_15:
0x24e: {  	_ =	sfence.sel $0x180000  }
0x24f: {  	[bflag:$0x0] =	sbarrier.arrive $0xFFFF  }
0x250: {  	_ =	strace $0x90000047  }
0x251: {  	[bflag:$0x2] =	sbarrier.arrive $0xFFFF  }
0x252: {  	p0 =	sne.s32 s1, $0x0;
	s0 =	rddreg [dreg:$0x3]  }
0x253: {  	s0 =	sadd.s32 @!p0 $0x100000, s0  }
0x254: {  	[sflag:s0] =	ssyncadd.tile.s32 @!p0 $0x1;
	_ =	shalt  }
.Lfunc_end2:
_tile_overlayer_lowered:
.L_overlay_start_2:
0x255: {  	(tag) =	ssettag $0x2  }
0x256: {  	s0 =	rddreg [dreg:$0x0];
	s2 =	stileid.u32  }
0x257: {  	s1 =	rddreg [dreg:$0x1];
	p0 =	sne.s32 s2, $0x0  }
0x258: {  	s3 =	rddreg [dreg:$0x2];
	[bflag:$0x3] =	sbarrier.arrive $0xFFFF;
	s2 =	simm.s32 @!p0 $0x1C09  }
0x259: {  	[timem:s3], [sflag:s2] =	dma.local @!p0 [hbm:s0], s1  }
0x25a: {  	s0 =	simm.s32 @!p0 $0x9  }
0x25b: {  	_ =	swait.ge @!p0 [sflag:s0], s1  }
0x25c: {  	s1 =	ssub.s32 @!p0 $0x0, s1;
	[sflag:s0] =	ssyncset.done @!p0 $0x0  }
0x25d: {  	[sflag:s0] =	ssyncadd.s32 @!p0 s1  }
0x25e: {  	[bflag:$0x3] =	sbarrier.arrive $0xFFFF  }
0x25f: {  	_ =	shalt  }

</sc_bundles>
